<compile_context>
chip_gen: v7x
topology: tpu7x:2x2x1
jax: 0.10.2.dev20260603
libtpu: 0.0.44.dev20260713+nightly
codegen_flags: <defaults>
</compile_context>

<pallas_src>
import jax
import jax.numpy as jnp
from jax import lax
from jax.experimental import pallas as pl
from jax.experimental.pallas import tpu as pltpu
from jax.experimental.pallas import tpu_sc as plsc

_N = 10000
_D = 256
_H = 128
_E = 160000
_NS = 16

_EPT = _E // _NS
_CH = 40
_NCH = _EPT // _CH
_NBUF = 6


def _seg_body(g, src, dst, out, acc, sidx, didx, *rest):
    rows = rest[:_NBUF]
    sem = rest[_NBUF]
    cid = lax.axis_index("c")
    sid = lax.axis_index("s")
    gt = g.at[cid]

    @pl.when(sid == 0)
    def _():
        pltpu.sync_copy(gt, acc)

    base = pl.multiple_of(sid * _EPT, 8)
    pltpu.sync_copy(src.at[pl.ds(base, _EPT)], sidx)
    pltpu.sync_copy(dst.at[pl.ds(base, _EPT)], didx)
    plsc.subcore_barrier()

    def gather(j, buf):
        off = pl.multiple_of(j * _CH, 8)
        pltpu.async_copy(gt.at[sidx.at[pl.ds(off, _CH)]], buf, sem)

    def scatter(j, buf):
        off = pl.multiple_of(j * _CH, 8)
        pltpu.sync_copy(buf, acc.at[didx.at[pl.ds(off, _CH)]], add=True)

    def wait(buf):
        pltpu.make_async_copy(gt.at[pl.ds(0, _CH)], buf, sem).wait()

    for j in range(_NBUF - 1):
        gather(j, rows[j])

    _NMAIN = (_NCH - (_NBUF - 1)) // _NBUF

    def body(k, carry):
        for b in range(_NBUF):
            j = _NBUF * k + b
            wait(rows[b])
            gather(j + _NBUF - 1, rows[(b + _NBUF - 1) % _NBUF])
            scatter(j, rows[b])
        return carry

    lax.fori_loop(0, _NMAIN, body, 0)
    for j in range(_NMAIN * _NBUF, _NCH):
        wait(rows[j % _NBUF])
        if j + _NBUF - 1 < _NCH:
            gather(j + _NBUF - 1, rows[(j + _NBUF - 1) % _NBUF])
        scatter(j, rows[j % _NBUF])

    plsc.subcore_barrier()

    @pl.when(sid == 0)
    def _():
        pltpu.sync_copy(acc, out.at[cid])


_seg_call = pl.kernel(
    _seg_body,
    out_type=jax.ShapeDtypeStruct((2, _N, _H), jnp.float32),
    mesh=plsc.VectorSubcoreMesh(core_axis_name="c", subcore_axis_name="s"),
    scratch_types=[
        pltpu.VMEM_SHARED((_N, _H), jnp.float32),
        pltpu.VMEM((_EPT,), jnp.int32),
        pltpu.VMEM((_EPT,), jnp.int32),
    ] + [pltpu.VMEM((_CH, _H), jnp.float32) for _ in range(_NBUF)] + [
        pltpu.SemaphoreType.DMA,
    ],
)

_NW = 2 * _NS
_DEG_EPW = _E // _NW
_DEG_FULL = _DEG_EPW // 16
_DEG_TAIL = _DEG_EPW - _DEG_FULL * 16


def _deg_body(dst, out, cnt, didx):
    cid = lax.axis_index("c")
    sid = lax.axis_index("s")
    wid = cid * _NS + sid

    def zero(i, c):
        cnt[pl.ds(i * 16, 16)] = jnp.zeros((16,), jnp.float32)
        return c

    lax.fori_loop(0, _N // 16, zero, 0)

    base = wid * _DEG_EPW
    pltpu.sync_copy(dst.at[pl.ds(base, _DEG_EPW)], didx.at[pl.ds(0, _DEG_EPW)])
    ones = jnp.ones((16,), jnp.float32)

    def body(j, c):
        idx = didx[pl.ds(j * 16, 16)]
        plsc.addupdate_scatter(cnt, [idx], ones)
        return c

    lax.fori_loop(0, _DEG_FULL, body, 0)
    idx = didx[pl.ds(_DEG_FULL * 16, 16)]
    mask = lax.iota(jnp.int32, 16) < _DEG_TAIL
    plsc.addupdate_scatter(cnt, [idx], ones, mask=mask)

    pltpu.sync_copy(cnt, out.at[wid])


_deg_call = pl.kernel(
    _deg_body,
    out_type=jax.ShapeDtypeStruct((_NW, _N), jnp.float32),
    mesh=plsc.VectorSubcoreMesh(core_axis_name="c", subcore_axis_name="s"),
    compiler_params=pltpu.CompilerParams(needs_layout_passes=False),
    scratch_types=[
        pltpu.VMEM((_N,), jnp.float32),
        pltpu.VMEM((_DEG_EPW + 16,), jnp.int32),
    ],
)

_BLK = 400


def _dinv_body(deg_ref, dinv_ref):
    deg = jnp.sum(deg_ref[...], axis=0)
    dinv_ref[...] = lax.rsqrt(deg + 1.0)[:, None]


_dinv_call = pl.pallas_call(
    _dinv_body,
    out_shape=jax.ShapeDtypeStruct((_N, 1), jnp.float32),
)


def _tc1_body(x_ref, w1_ref, dinv_ref, g_ref):
    h = jnp.dot(x_ref[...], w1_ref[...], preferred_element_type=jnp.float32)
    g = h * dinv_ref[...]
    g_ref[0] = g[:, :_H]
    g_ref[1] = g[:, _H:]


_tc1_call = pl.pallas_call(
    _tc1_body,
    grid=(_N // _BLK,),
    in_specs=[pl.BlockSpec((_BLK, _D), lambda i: (i, 0)),
              pl.BlockSpec((_D, _D), lambda i: (0, 0)),
              pl.BlockSpec((_BLK, 1), lambda i: (i, 0))],
    out_specs=[pl.BlockSpec((2, _BLK, _H), lambda i: (0, i, 0))],
    out_shape=[jax.ShapeDtypeStruct((2, _N, _H), jnp.float32)],
)


def _tc2_body(t_ref, dinv_ref, b1_ref, w2_ref, x32_ref, g_ref):
    t = jnp.concatenate([t_ref[0], t_ref[1]], axis=1)
    dinv = dinv_ref[...]
    x32 = jnp.maximum(dinv * t + b1_ref[...], 0.0)
    x32_ref[...] = x32
    g = jnp.dot(x32, w2_ref[...], preferred_element_type=jnp.float32) * dinv
    g_ref[0] = g[:, :_H]
    g_ref[1] = g[:, _H:]


def _tc3_body(t_ref, dinv_ref, b2_ref, x_ref, lw_ref, lb_ref, out_ref):
    t = jnp.concatenate([t_ref[0], t_ref[1]], axis=1)
    skip = jnp.dot(x_ref[...], lw_ref[...], preferred_element_type=jnp.float32)
    out_ref[...] = dinv_ref[...] * t + b2_ref[...] + skip + lb_ref[...]


def _row_spec(w):
    return pl.BlockSpec((_BLK, w), lambda i: (i, 0))


def _full_spec(shape):
    return pl.BlockSpec(shape, lambda i: tuple(0 for _ in shape))


def _stk_spec():
    return pl.BlockSpec((2, _BLK, _H), lambda i: (0, i, 0))


_GRID = _N // _BLK

_tc2_call = pl.pallas_call(
    _tc2_body,
    grid=(_GRID,),
    in_specs=[_stk_spec(), _row_spec(1),
              _full_spec((1, _D)), _full_spec((_D, _D))],
    out_specs=[_row_spec(_D), _stk_spec()],
    out_shape=[
        jax.ShapeDtypeStruct((_N, _D), jnp.float32),
        jax.ShapeDtypeStruct((2, _N, _H), jnp.float32),
    ],
)

_tc3_call = pl.pallas_call(
    _tc3_body,
    grid=(_GRID,),
    in_specs=[_stk_spec(), _row_spec(1),
              _full_spec((1, _D)), _row_spec(_D), _full_spec((_D, _D)),
              _full_spec((1, _D))],
    out_specs=[_row_spec(_D)],
    out_shape=[jax.ShapeDtypeStruct((_N, _D), jnp.float32)],
)


def kernel(x, edge_index, W1, b1, W2, b2, lin_W, lin_b):
    src = edge_index[0].astype(jnp.int32)
    dst = edge_index[1].astype(jnp.int32)
    b1r = b1.reshape(1, _D)
    b2r = b2.reshape(1, _D)
    lbr = lin_b.reshape(1, _D)

    deg = _deg_call(dst)
    dinv = _dinv_call(deg)
    (g1,) = _tc1_call(x, W1, dinv)
    t1 = _seg_call(g1, src, dst)
    x32, g2 = _tc2_call(t1, dinv, b1r, W2)
    t2 = _seg_call(g2, src, dst)
    (out,) = _tc3_call(t2, dinv, b2r, x, lin_W, lbr)
    return (x32, out)

# --- scband reference (transcript-rebuilt; emitter-appended) ---
"""Pipeline reference for scband-gcn-89601607729379 (READ-ONLY COPY).

The authoritative reference and input builder live on the scoring server;
editing this copy changes nothing except your own understanding.
"""

import jax, jax.numpy as jnp
import numpy as np

N_NODES = 10000
D_IN = 256
D_HID = 256
D_OUT = 256
N_EDGES = 160000


def gcn_conv(x, src, dst, W, b, num_nodes):
    # PyG GCNConv: add self-loops, symmetric normalization D^-1/2 (A+I) D^-1/2, then X@W + b
    loop = jnp.arange(num_nodes, dtype=src.dtype)
    src_a = jnp.concatenate([src, loop])
    dst_a = jnp.concatenate([dst, loop])
    deg = jnp.zeros((num_nodes,), dtype=x.dtype).at[dst_a].add(1.0)
    dinv = jnp.where(deg > 0, 1.0 / jnp.sqrt(deg), 0.0)
    norm = dinv[src_a] * dinv[dst_a]
    h = x @ W
    msg = h[src_a] * norm[:, None]
    out = jax.ops.segment_sum(msg, dst_a, num_segments=num_nodes)
    return out + b


def setup_inputs(seed: int = 0) -> dict:
    key = jax.random.key(seed)
    k_x, k_e, k1, k2, k3, k4, k5, k6 = jax.random.split(key, 8)
    x = jax.random.normal(k_x, (N_NODES, D_IN), dtype=jnp.float32)
    edge_index = jax.random.randint(k_e, (2, N_EDGES), 0, N_NODES, dtype=jnp.int64)
    s1 = 1.0 / np.sqrt(D_IN)
    s2 = 1.0 / np.sqrt(D_HID)
    W1 = jax.random.uniform(k1, (D_IN, D_HID), dtype=jnp.float32, minval=-s1, maxval=s1)
    b1 = jnp.zeros((D_HID,), dtype=jnp.float32)
    W2 = jax.random.uniform(k2, (D_HID, D_OUT), dtype=jnp.float32, minval=-s2, maxval=s2)
    b2 = jnp.zeros((D_OUT,), dtype=jnp.float32)
    lin_W = jax.random.uniform(k3, (D_IN, D_OUT), dtype=jnp.float32, minval=-s1, maxval=s1)
    lin_b = jax.random.uniform(k4, (D_OUT,), dtype=jnp.float32, minval=-s1, maxval=s1)
    return {"x": x, "edge_index": edge_index, "W1": W1, "b1": b1, "W2": W2, "b2": b2, "lin_W": lin_W, "lin_b": lin_b}


def reference(x, edge_index, W1, b1, W2, b2, lin_W, lin_b):
    # eval mode: dropout is identity
    num_nodes = x.shape[0]
    src, dst = edge_index[0], edge_index[1]
    initial_x = x @ lin_W + lin_b
    h = gcn_conv(x, src, dst, W1, b1, num_nodes)
    h = jax.nn.relu(h)
    x32 = h
    out = gcn_conv(h, src, dst, W2, b2, num_nodes)
    return (x32, out + initial_x)

if __name__ == "__main__":
    import jax
    _d = setup_inputs()
    print(jax.jit(kernel)(*tuple(_d.values())))

</pallas_src>

<mosaic_0001>
#map = affine_map<(d0, d1) -> (0, 0, 0)>
#map1 = affine_map<(d0, d1) -> (0)>
module attributes {stable_mosaic.version = 14 : i64} {
  func.func @_seg_body(%arg0: i32, %arg1: i32, %arg2: memref<2x10000x128xf32, #tpu.memory_space<hbm>>, %arg3: memref<160000xi32, #tpu.memory_space<hbm>>, %arg4: memref<160000xi32, #tpu.memory_space<hbm>>, %arg5: memref<2x10000x128xf32, #tpu.memory_space<hbm>>, %arg6: memref<10000x128xf32, #tpu.memory_space<vmem_shared>>, %arg7: memref<10000xi32, #tpu.memory_space<vmem>>, %arg8: memref<10000xi32, #tpu.memory_space<vmem>>, %arg9: memref<40x128xf32, #tpu.memory_space<vmem>>, %arg10: memref<40x128xf32, #tpu.memory_space<vmem>>, %arg11: memref<40x128xf32, #tpu.memory_space<vmem>>, %arg12: memref<40x128xf32, #tpu.memory_space<vmem>>, %arg13: memref<40x128xf32, #tpu.memory_space<vmem>>, %arg14: memref<40x128xf32, #tpu.memory_space<vmem>>, %arg15: memref<!tpu.dma_semaphore, #tpu.memory_space<semaphore_mem>>) attributes {dimension_semantics = [#tpu.dimension_semantics<core_parallel>, #tpu.dimension_semantics<subcore_parallel>], iteration_bounds = array<i64: 2, 16>, scalar_prefetch = 0 : i64, scratch_operands = 10 : i64, tpu.core_type = #tpu.core_type<sc_vector_subcore>, window_params = [{transform_indices = #map}, {transform_indices = #map1}, {transform_indices = #map1}, {transform_indices = #map}]} {
    %eq3A = arith.constant 0 : i32
    %eq3A_0 = arith.cmpi eq, %arg1, %eq3A : i32
    %convert_element_type3A = arith.extui %eq3A_0 : i1 to i32
    %cond3A = arith.constant 0 : i32
    %cond3A_1 = arith.cmpi ne, %convert_element_type3A, %cond3A : i32
    scf.if %cond3A_1 {
      "tpu.region"() ({
        %run_scoped3A = tpu.sem_alloc : memref<!tpu.dma_semaphore, #tpu.memory_space<semaphore_mem>>
        %dma_start3A_272 = arith.constant 0 : i32
        %dma_start3A_273 = arith.constant 0 : i32
        %dma_start3A_274 = tpu.memref_slice %arg2[%arg0, %dma_start3A_272, %dma_start3A_273] : memref<2x10000x128xf32, #tpu.memory_space<hbm>> -> memref<1x10000x128xf32, #tpu.memory_space<hbm>>
        %dma_start3A_275 = tpu.memref_squeeze %dma_start3A_274 : memref<1x10000x128xf32, #tpu.memory_space<hbm>> -> memref<10000x128xf32, #tpu.memory_space<hbm>>
        tpu.enqueue_dma source(%dma_start3A_275 : memref<10000x128xf32, #tpu.memory_space<hbm>>) target(%arg6 : memref<10000x128xf32, #tpu.memory_space<vmem_shared>>) target_semaphore(%run_scoped3A : memref<!tpu.dma_semaphore, #tpu.memory_space<semaphore_mem>>)
        %dma_wait3A_276 = arith.constant 0 : i32
        %dma_wait3A_277 = arith.constant 0 : i32
        %dma_wait3A_278 = tpu.memref_slice %arg2[%arg0, %dma_wait3A_276, %dma_wait3A_277] : memref<2x10000x128xf32, #tpu.memory_space<hbm>> -> memref<1x10000x128xf32, #tpu.memory_space<hbm>>
        %dma_wait3A_279 = tpu.memref_squeeze %dma_wait3A_278 : memref<1x10000x128xf32, #tpu.memory_space<hbm>> -> memref<10000x128xf32, #tpu.memory_space<hbm>>
        tpu.wait_dma2 semaphore(%run_scoped3A : memref<!tpu.dma_semaphore, #tpu.memory_space<semaphore_mem>>) src(%dma_wait3A_279 : memref<10000x128xf32, #tpu.memory_space<hbm>>) dst(%arg6 : memref<10000x128xf32, #tpu.memory_space<vmem_shared>>)
        tpu.yield
      }) : () -> ()
    } else {
    }
    %mul3A = arith.constant 10000 : i32
    %mul3A_2 = arith.muli %arg1, %mul3A : i32
    %multiple_of3A = tpu.assume_multiple %mul3A_2, 8 : i32
    "tpu.region"() ({
      %run_scoped3A = tpu.sem_alloc : memref<!tpu.dma_semaphore, #tpu.memory_space<semaphore_mem>>
      %dma_start3A_272 = tpu.memref_slice %arg3[%multiple_of3A] : memref<160000xi32, #tpu.memory_space<hbm>> -> memref<10000xi32, #tpu.memory_space<hbm>>
      %dma_start3A_273 = tpu.memref_slice %arg3[%multiple_of3A] : memref<160000xi32, #tpu.memory_space<hbm>> -> memref<10000xi32, #tpu.memory_space<hbm>>
      tpu.enqueue_dma source(%dma_start3A_273 : memref<10000xi32, #tpu.memory_space<hbm>>) target(%arg7 : memref<10000xi32, #tpu.memory_space<vmem>>) target_semaphore(%run_scoped3A : memref<!tpu.dma_semaphore, #tpu.memory_space<semaphore_mem>>)
      %dma_wait3A_274 = tpu.memref_slice %arg3[%multiple_of3A] : memref<160000xi32, #tpu.memory_space<hbm>> -> memref<10000xi32, #tpu.memory_space<hbm>>
      %dma_wait3A_275 = tpu.memref_slice %arg3[%multiple_of3A] : memref<160000xi32, #tpu.memory_space<hbm>> -> memref<10000xi32, #tpu.memory_space<hbm>>
      tpu.wait_dma2 semaphore(%run_scoped3A : memref<!tpu.dma_semaphore, #tpu.memory_space<semaphore_mem>>) src(%dma_wait3A_275 : memref<10000xi32, #tpu.memory_space<hbm>>) dst(%arg7 : memref<10000xi32, #tpu.memory_space<vmem>>)
      tpu.yield
    }) : () -> ()
    "tpu.region"() ({
      %run_scoped3A = tpu.sem_alloc : memref<!tpu.dma_semaphore, #tpu.memory_space<semaphore_mem>>
      %dma_start3A_272 = tpu.memref_slice %arg4[%multiple_of3A] : memref<160000xi32, #tpu.memory_space<hbm>> -> memref<10000xi32, #tpu.memory_space<hbm>>
      %dma_start3A_273 = tpu.memref_slice %arg4[%multiple_of3A] : memref<160000xi32, #tpu.memory_space<hbm>> -> memref<10000xi32, #tpu.memory_space<hbm>>
      tpu.enqueue_dma source(%dma_start3A_273 : memref<10000xi32, #tpu.memory_space<hbm>>) target(%arg8 : memref<10000xi32, #tpu.memory_space<vmem>>) target_semaphore(%run_scoped3A : memref<!tpu.dma_semaphore, #tpu.memory_space<semaphore_mem>>)
      %dma_wait3A_274 = tpu.memref_slice %arg4[%multiple_of3A] : memref<160000xi32, #tpu.memory_space<hbm>> -> memref<10000xi32, #tpu.memory_space<hbm>>
      %dma_wait3A_275 = tpu.memref_slice %arg4[%multiple_of3A] : memref<160000xi32, #tpu.memory_space<hbm>> -> memref<10000xi32, #tpu.memory_space<hbm>>
      tpu.wait_dma2 semaphore(%run_scoped3A : memref<!tpu.dma_semaphore, #tpu.memory_space<semaphore_mem>>) src(%dma_wait3A_275 : memref<10000xi32, #tpu.memory_space<hbm>>) dst(%arg8 : memref<10000xi32, #tpu.memory_space<vmem>>)
      tpu.yield
    }) : () -> ()
    %barrier3A = arith.constant 0 : index
    tpu.barrier barrier_id(%barrier3A)
    %multiple_of3A_3 = arith.constant 0 : i32
    %multiple_of3A_4 = tpu.assume_multiple %multiple_of3A_3, 8 : i32
    %dma_start3A = tpu.memref_slice %arg7[%multiple_of3A_4] : memref<10000xi32, #tpu.memory_space<vmem>> -> memref<40xi32, #tpu.memory_space<vmem>>
    %dma_start3A_5 = arith.constant 0 : i32
    %dma_start3A_6 = arith.constant 0 : i32
    %dma_start3A_7 = tpu.memref_slice %arg2[%arg0, %dma_start3A_5, %dma_start3A_6] : memref<2x10000x128xf32, #tpu.memory_space<hbm>> -> memref<1x10000x128xf32, #tpu.memory_space<hbm>>
    %dma_start3A_8 = tpu.memref_squeeze %dma_start3A_7 : memref<1x10000x128xf32, #tpu.memory_space<hbm>> -> memref<10000x128xf32, #tpu.memory_space<hbm>>
    %dma_start3A_9 = arith.constant 0 : i32
    %dma_start3A_10 = arith.constant 0 : i32
    %dma_start3A_11 = tpu.memref_slice %dma_start3A_8[%dma_start3A_9, %dma_start3A_10] : memref<10000x128xf32, #tpu.memory_space<hbm>> -> memref<10000x128xf32, #tpu.memory_space<hbm>>
    tpu.enqueue_indirect_dma source(%dma_start3A_11 : memref<10000x128xf32, #tpu.memory_space<hbm>>) target(%arg9 : memref<40x128xf32, #tpu.memory_space<vmem>>) offsets(%dma_start3A : memref<40xi32, #tpu.memory_space<vmem>>) semaphore(%arg15 : memref<!tpu.dma_semaphore, #tpu.memory_space<semaphore_mem>>)
    %multiple_of3A_12 = arith.constant 40 : i32
    %multiple_of3A_13 = tpu.assume_multiple %multiple_of3A_12, 8 : i32
    %dma_start3A_14 = tpu.memref_slice %arg7[%multiple_of3A_13] : memref<10000xi32, #tpu.memory_space<vmem>> -> memref<40xi32, #tpu.memory_space<vmem>>
    %dma_start3A_15 = arith.constant 0 : i32
    %dma_start3A_16 = arith.constant 0 : i32
    %dma_start3A_17 = tpu.memref_slice %arg2[%arg0, %dma_start3A_15, %dma_start3A_16] : memref<2x10000x128xf32, #tpu.memory_space<hbm>> -> memref<1x10000x128xf32, #tpu.memory_space<hbm>>
    %dma_start3A_18 = tpu.memref_squeeze %dma_start3A_17 : memref<1x10000x128xf32, #tpu.memory_space<hbm>> -> memref<10000x128xf32, #tpu.memory_space<hbm>>
    %dma_start3A_19 = arith.constant 0 : i32
    %dma_start3A_20 = arith.constant 0 : i32
    %dma_start3A_21 = tpu.memref_slice %dma_start3A_18[%dma_start3A_19, %dma_start3A_20] : memref<10000x128xf32, #tpu.memory_space<hbm>> -> memref<10000x128xf32, #tpu.memory_space<hbm>>
    tpu.enqueue_indirect_dma source(%dma_start3A_21 : memref<10000x128xf32, #tpu.memory_space<hbm>>) target(%arg10 : memref<40x128xf32, #tpu.memory_space<vmem>>) offsets(%dma_start3A_14 : memref<40xi32, #tpu.memory_space<vmem>>) semaphore(%arg15 : memref<!tpu.dma_semaphore, #tpu.memory_space<semaphore_mem>>)
    %multiple_of3A_22 = arith.constant 80 : i32
    %multiple_of3A_23 = tpu.assume_multiple %multiple_of3A_22, 8 : i32
    %dma_start3A_24 = tpu.memref_slice %arg7[%multiple_of3A_23] : memref<10000xi32, #tpu.memory_space<vmem>> -> memref<40xi32, #tpu.memory_space<vmem>>
    %dma_start3A_25 = arith.constant 0 : i32
    %dma_start3A_26 = arith.constant 0 : i32
    %dma_start3A_27 = tpu.memref_slice %arg2[%arg0, %dma_start3A_25, %dma_start3A_26] : memref<2x10000x128xf32, #tpu.memory_space<hbm>> -> memref<1x10000x128xf32, #tpu.memory_space<hbm>>
    %dma_start3A_28 = tpu.memref_squeeze %dma_start3A_27 : memref<1x10000x128xf32, #tpu.memory_space<hbm>> -> memref<10000x128xf32, #tpu.memory_space<hbm>>
    %dma_start3A_29 = arith.constant 0 : i32
    %dma_start3A_30 = arith.constant 0 : i32
    %dma_start3A_31 = tpu.memref_slice %dma_start3A_28[%dma_start3A_29, %dma_start3A_30] : memref<10000x128xf32, #tpu.memory_space<hbm>> -> memref<10000x128xf32, #tpu.memory_space<hbm>>
    tpu.enqueue_indirect_dma source(%dma_start3A_31 : memref<10000x128xf32, #tpu.memory_space<hbm>>) target(%arg11 : memref<40x128xf32, #tpu.memory_space<vmem>>) offsets(%dma_start3A_24 : memref<40xi32, #tpu.memory_space<vmem>>) semaphore(%arg15 : memref<!tpu.dma_semaphore, #tpu.memory_space<semaphore_mem>>)
    %multiple_of3A_32 = arith.constant 120 : i32
    %multiple_of3A_33 = tpu.assume_multiple %multiple_of3A_32, 8 : i32
    %dma_start3A_34 = tpu.memref_slice %arg7[%multiple_of3A_33] : memref<10000xi32, #tpu.memory_space<vmem>> -> memref<40xi32, #tpu.memory_space<vmem>>
    %dma_start3A_35 = arith.constant 0 : i32
    %dma_start3A_36 = arith.constant 0 : i32
    %dma_start3A_37 = tpu.memref_slice %arg2[%arg0, %dma_start3A_35, %dma_start3A_36] : memref<2x10000x128xf32, #tpu.memory_space<hbm>> -> memref<1x10000x128xf32, #tpu.memory_space<hbm>>
    %dma_start3A_38 = tpu.memref_squeeze %dma_start3A_37 : memref<1x10000x128xf32, #tpu.memory_space<hbm>> -> memref<10000x128xf32, #tpu.memory_space<hbm>>
    %dma_start3A_39 = arith.constant 0 : i32
    %dma_start3A_40 = arith.constant 0 : i32
    %dma_start3A_41 = tpu.memref_slice %dma_start3A_38[%dma_start3A_39, %dma_start3A_40] : memref<10000x128xf32, #tpu.memory_space<hbm>> -> memref<10000x128xf32, #tpu.memory_space<hbm>>
    tpu.enqueue_indirect_dma source(%dma_start3A_41 : memref<10000x128xf32, #tpu.memory_space<hbm>>) target(%arg12 : memref<40x128xf32, #tpu.memory_space<vmem>>) offsets(%dma_start3A_34 : memref<40xi32, #tpu.memory_space<vmem>>) semaphore(%arg15 : memref<!tpu.dma_semaphore, #tpu.memory_space<semaphore_mem>>)
    %multiple_of3A_42 = arith.constant 160 : i32
    %multiple_of3A_43 = tpu.assume_multiple %multiple_of3A_42, 8 : i32
    %dma_start3A_44 = tpu.memref_slice %arg7[%multiple_of3A_43] : memref<10000xi32, #tpu.memory_space<vmem>> -> memref<40xi32, #tpu.memory_space<vmem>>
    %dma_start3A_45 = arith.constant 0 : i32
    %dma_start3A_46 = arith.constant 0 : i32
    %dma_start3A_47 = tpu.memref_slice %arg2[%arg0, %dma_start3A_45, %dma_start3A_46] : memref<2x10000x128xf32, #tpu.memory_space<hbm>> -> memref<1x10000x128xf32, #tpu.memory_space<hbm>>
    %dma_start3A_48 = tpu.memref_squeeze %dma_start3A_47 : memref<1x10000x128xf32, #tpu.memory_space<hbm>> -> memref<10000x128xf32, #tpu.memory_space<hbm>>
    %dma_start3A_49 = arith.constant 0 : i32
    %dma_start3A_50 = arith.constant 0 : i32
    %dma_start3A_51 = tpu.memref_slice %dma_start3A_48[%dma_start3A_49, %dma_start3A_50] : memref<10000x128xf32, #tpu.memory_space<hbm>> -> memref<10000x128xf32, #tpu.memory_space<hbm>>
    tpu.enqueue_indirect_dma source(%dma_start3A_51 : memref<10000x128xf32, #tpu.memory_space<hbm>>) target(%arg13 : memref<40x128xf32, #tpu.memory_space<vmem>>) offsets(%dma_start3A_44 : memref<40xi32, #tpu.memory_space<vmem>>) semaphore(%arg15 : memref<!tpu.dma_semaphore, #tpu.memory_space<semaphore_mem>>)
    %scan3A = arith.constant 0 : i32
    %scan3A_52 = arith.constant 0 : i32
    %scan3A_53 = arith.constant 40 : i32
    %scan3A_54 = arith.addi %scan3A_52, %scan3A_53 : i32
    %scan3A_55 = arith.constant 1 : i32
    scf.for %scan3A_272 = %scan3A_52 to %scan3A_54 step %scan3A_55  : i32 {
      %mul3A_273 = arith.constant 6 : i32
      %mul3A_274 = arith.muli %mul3A_273, %scan3A_272 : i32
      %add3A = arith.constant 0 : i32
      %add3A_275 = arith.addi %mul3A_274, %add3A : i32
      %dma_wait3A_276 = arith.constant 0 : i32
      %dma_wait3A_277 = arith.constant 0 : i32
      %dma_wait3A_278 = tpu.memref_slice %arg2[%arg0, %dma_wait3A_276, %dma_wait3A_277] : memref<2x10000x128xf32, #tpu.memory_space<hbm>> -> memref<1x10000x128xf32, #tpu.memory_space<hbm>>
      %dma_wait3A_279 = tpu.memref_squeeze %dma_wait3A_278 : memref<1x10000x128xf32, #tpu.memory_space<hbm>> -> memref<10000x128xf32, #tpu.memory_space<hbm>>
      %dma_wait3A_280 = arith.constant 0 : i32
      %dma_wait3A_281 = arith.constant 0 : i32
      %dma_wait3A_282 = tpu.memref_slice %dma_wait3A_279[%dma_wait3A_280, %dma_wait3A_281] : memref<10000x128xf32, #tpu.memory_space<hbm>> -> memref<40x128xf32, #tpu.memory_space<hbm>>
      %dma_wait3A_283 = arith.constant 0 : i32
      %dma_wait3A_284 = arith.constant 0 : i32
      %dma_wait3A_285 = tpu.memref_slice %arg2[%arg0, %dma_wait3A_283, %dma_wait3A_284] : memref<2x10000x128xf32, #tpu.memory_space<hbm>> -> memref<1x10000x128xf32, #tpu.memory_space<hbm>>
      %dma_wait3A_286 = tpu.memref_squeeze %dma_wait3A_285 : memref<1x10000x128xf32, #tpu.memory_space<hbm>> -> memref<10000x128xf32, #tpu.memory_space<hbm>>
      %dma_wait3A_287 = arith.constant 0 : i32
      %dma_wait3A_288 = arith.constant 0 : i32
      %dma_wait3A_289 = tpu.memref_slice %dma_wait3A_286[%dma_wait3A_287, %dma_wait3A_288] : memref<10000x128xf32, #tpu.memory_space<hbm>> -> memref<40x128xf32, #tpu.memory_space<hbm>>
      tpu.wait_dma2 semaphore(%arg15 : memref<!tpu.dma_semaphore, #tpu.memory_space<semaphore_mem>>) src(%dma_wait3A_289 : memref<40x128xf32, #tpu.memory_space<hbm>>) dst(%arg9 : memref<40x128xf32, #tpu.memory_space<vmem>>)
      %add3A_290 = arith.constant 6 : i32
      %add3A_291 = arith.addi %add3A_275, %add3A_290 : i32
      %sub3A = arith.constant 1 : i32
      %sub3A_292 = arith.subi %add3A_291, %sub3A : i32
      %mul3A_293 = arith.constant 40 : i32
      %mul3A_294 = arith.muli %sub3A_292, %mul3A_293 : i32
      %multiple_of3A_295 = tpu.assume_multiple %mul3A_294, 8 : i32
      %dma_start3A_296 = tpu.memref_slice %arg7[%multiple_of3A_295] : memref<10000xi32, #tpu.memory_space<vmem>> -> memref<40xi32, #tpu.memory_space<vmem>>
      %dma_start3A_297 = arith.constant 0 : i32
      %dma_start3A_298 = arith.constant 0 : i32
      %dma_start3A_299 = tpu.memref_slice %arg2[%arg0, %dma_start3A_297, %dma_start3A_298] : memref<2x10000x128xf32, #tpu.memory_space<hbm>> -> memref<1x10000x128xf32, #tpu.memory_space<hbm>>
      %dma_start3A_300 = tpu.memref_squeeze %dma_start3A_299 : memref<1x10000x128xf32, #tpu.memory_space<hbm>> -> memref<10000x128xf32, #tpu.memory_space<hbm>>
      %dma_start3A_301 = arith.constant 0 : i32
      %dma_start3A_302 = arith.constant 0 : i32
      %dma_start3A_303 = tpu.memref_slice %dma_start3A_300[%dma_start3A_301, %dma_start3A_302] : memref<10000x128xf32, #tpu.memory_space<hbm>> -> memref<10000x128xf32, #tpu.memory_space<hbm>>
      tpu.enqueue_indirect_dma source(%dma_start3A_303 : memref<10000x128xf32, #tpu.memory_space<hbm>>) target(%arg14 : memref<40x128xf32, #tpu.memory_space<vmem>>) offsets(%dma_start3A_296 : memref<40xi32, #tpu.memory_space<vmem>>) semaphore(%arg15 : memref<!tpu.dma_semaphore, #tpu.memory_space<semaphore_mem>>)
      %mul3A_304 = arith.constant 40 : i32
      %mul3A_305 = arith.muli %add3A_275, %mul3A_304 : i32
      %multiple_of3A_306 = tpu.assume_multiple %mul3A_305, 8 : i32
      "tpu.region"() ({
        %run_scoped3A = tpu.sem_alloc : memref<!tpu.dma_semaphore, #tpu.memory_space<semaphore_mem>>
        %dma_start3A_487 = tpu.memref_slice %arg8[%multiple_of3A_306] : memref<10000xi32, #tpu.memory_space<vmem>> -> memref<40xi32, #tpu.memory_space<vmem>>
        %dma_start3A_488 = arith.constant 0 : i32
        %dma_start3A_489 = arith.constant 0 : i32
        %dma_start3A_490 = tpu.memref_slice %arg6[%dma_start3A_488, %dma_start3A_489] : memref<10000x128xf32, #tpu.memory_space<vmem_shared>> -> memref<10000x128xf32, #tpu.memory_space<vmem_shared>>
        tpu.enqueue_indirect_dma source(%arg9 : memref<40x128xf32, #tpu.memory_space<vmem>>) target(%dma_start3A_490 : memref<10000x128xf32, #tpu.memory_space<vmem_shared>>) offsets(%dma_start3A_487 : memref<40xi32, #tpu.memory_space<vmem>>) semaphore(%run_scoped3A : memref<!tpu.dma_semaphore, #tpu.memory_space<semaphore_mem>>) {add = true}
        %dma_wait3A_491 = tpu.memref_slice %arg8[%multiple_of3A_306] : memref<10000xi32, #tpu.memory_space<vmem>> -> memref<40xi32, #tpu.memory_space<vmem>>
        %dma_wait3A_492 = arith.constant 0 : i32
        %dma_wait3A_493 = arith.constant 0 : i32
        %dma_wait3A_494 = tpu.memref_slice %arg6[%dma_wait3A_492, %dma_wait3A_493] : memref<10000x128xf32, #tpu.memory_space<vmem_shared>> -> memref<10000x128xf32, #tpu.memory_space<vmem_shared>>
        tpu.wait_indirect_dma semaphore(%run_scoped3A : memref<!tpu.dma_semaphore, #tpu.memory_space<semaphore_mem>>) src(%arg9 : memref<40x128xf32, #tpu.memory_space<vmem>>) dst(%dma_wait3A_494 : memref<10000x128xf32, #tpu.memory_space<vmem_shared>>)
        tpu.yield
      }) : () -> ()
      %mul3A_307 = arith.constant 6 : i32
      %mul3A_308 = arith.muli %mul3A_307, %scan3A_272 : i32
      %add3A_309 = arith.constant 1 : i32
      %add3A_310 = arith.addi %mul3A_308, %add3A_309 : i32
      %dma_wait3A_311 = arith.constant 0 : i32
      %dma_wait3A_312 = arith.constant 0 : i32
      %dma_wait3A_313 = tpu.memref_slice %arg2[%arg0, %dma_wait3A_311, %dma_wait3A_312] : memref<2x10000x128xf32, #tpu.memory_space<hbm>> -> memref<1x10000x128xf32, #tpu.memory_space<hbm>>
      %dma_wait3A_314 = tpu.memref_squeeze %dma_wait3A_313 : memref<1x10000x128xf32, #tpu.memory_space<hbm>> -> memref<10000x128xf32, #tpu.memory_space<hbm>>
      %dma_wait3A_315 = arith.constant 0 : i32
      %dma_wait3A_316 = arith.constant 0 : i32
      %dma_wait3A_317 = tpu.memref_slice %dma_wait3A_314[%dma_wait3A_315, %dma_wait3A_316] : memref<10000x128xf32, #tpu.memory_space<hbm>> -> memref<40x128xf32, #tpu.memory_space<hbm>>
      %dma_wait3A_318 = arith.constant 0 : i32
      %dma_wait3A_319 = arith.constant 0 : i32
      %dma_wait3A_320 = tpu.memref_slice %arg2[%arg0, %dma_wait3A_318, %dma_wait3A_319] : memref<2x10000x128xf32, #tpu.memory_space<hbm>> -> memref<1x10000x128xf32, #tpu.memory_space<hbm>>
      %dma_wait3A_321 = tpu.memref_squeeze %dma_wait3A_320 : memref<1x10000x128xf32, #tpu.memory_space<hbm>> -> memref<10000x128xf32, #tpu.memory_space<hbm>>
      %dma_wait3A_322 = arith.constant 0 : i32
      %dma_wait3A_323 = arith.constant 0 : i32
      %dma_wait3A_324 = tpu.memref_slice %dma_wait3A_321[%dma_wait3A_322, %dma_wait3A_323] : memref<10000x128xf32, #tpu.memory_space<hbm>> -> memref<40x128xf32, #tpu.memory_space<hbm>>
      tpu.wait_dma2 semaphore(%arg15 : memref<!tpu.dma_semaphore, #tpu.memory_space<semaphore_mem>>) src(%dma_wait3A_324 : memref<40x128xf32, #tpu.memory_space<hbm>>) dst(%arg10 : memref<40x128xf32, #tpu.memory_space<vmem>>)
      %add3A_325 = arith.constant 6 : i32
      %add3A_326 = arith.addi %add3A_310, %add3A_325 : i32
      %sub3A_327 = arith.constant 1 : i32
      %sub3A_328 = arith.subi %add3A_326, %sub3A_327 : i32
      %mul3A_329 = arith.constant 40 : i32
      %mul3A_330 = arith.muli %sub3A_328, %mul3A_329 : i32
      %multiple_of3A_331 = tpu.assume_multiple %mul3A_330, 8 : i32
      %dma_start3A_332 = tpu.memref_slice %arg7[%multiple_of3A_331] : memref<10000xi32, #tpu.memory_space<vmem>> -> memref<40xi32, #tpu.memory_space<vmem>>
      %dma_start3A_333 = arith.constant 0 : i32
      %dma_start3A_334 = arith.constant 0 : i32
      %dma_start3A_335 = tpu.memref_slice %arg2[%arg0, %dma_start3A_333, %dma_start3A_334] : memref<2x10000x128xf32, #tpu.memory_space<hbm>> -> memref<1x10000x128xf32, #tpu.memory_space<hbm>>
      %dma_start3A_336 = tpu.memref_squeeze %dma_start3A_335 : memref<1x10000x128xf32, #tpu.memory_space<hbm>> -> memref<10000x128xf32, #tpu.memory_space<hbm>>
      %dma_start3A_337 = arith.constant 0 : i32
      %dma_start3A_338 = arith.constant 0 : i32
      %dma_start3A_339 = tpu.memref_slice %dma_start3A_336[%dma_start3A_337, %dma_start3A_338] : memref<10000x128xf32, #tpu.memory_space<hbm>> -> memref<10000x128xf32, #tpu.memory_space<hbm>>
      tpu.enqueue_indirect_dma source(%dma_start3A_339 : memref<10000x128xf32, #tpu.memory_space<hbm>>) target(%arg9 : memref<40x128xf32, #tpu.memory_space<vmem>>) offsets(%dma_start3A_332 : memref<40xi32, #tpu.memory_space<vmem>>) semaphore(%arg15 : memref<!tpu.dma_semaphore, #tpu.memory_space<semaphore_mem>>)
      %mul3A_340 = arith.constant 40 : i32
      %mul3A_341 = arith.muli %add3A_310, %mul3A_340 : i32
      %multiple_of3A_342 = tpu.assume_multiple %mul3A_341, 8 : i32
      "tpu.region"() ({
        %run_scoped3A = tpu.sem_alloc : memref<!tpu.dma_semaphore, #tpu.memory_space<semaphore_mem>>
        %dma_start3A_487 = tpu.memref_slice %arg8[%multiple_of3A_342] : memref<10000xi32, #tpu.memory_space<vmem>> -> memref<40xi32, #tpu.memory_space<vmem>>
        %dma_start3A_488 = arith.constant 0 : i32
        %dma_start3A_489 = arith.constant 0 : i32
        %dma_start3A_490 = tpu.memref_slice %arg6[%dma_start3A_488, %dma_start3A_489] : memref<10000x128xf32, #tpu.memory_space<vmem_shared>> -> memref<10000x128xf32, #tpu.memory_space<vmem_shared>>
        tpu.enqueue_indirect_dma source(%arg10 : memref<40x128xf32, #tpu.memory_space<vmem>>) target(%dma_start3A_490 : memref<10000x128xf32, #tpu.memory_space<vmem_shared>>) offsets(%dma_start3A_487 : memref<40xi32, #tpu.memory_space<vmem>>) semaphore(%run_scoped3A : memref<!tpu.dma_semaphore, #tpu.memory_space<semaphore_mem>>) {add = true}
        %dma_wait3A_491 = tpu.memref_slice %arg8[%multiple_of3A_342] : memref<10000xi32, #tpu.memory_space<vmem>> -> memref<40xi32, #tpu.memory_space<vmem>>
        %dma_wait3A_492 = arith.constant 0 : i32
        %dma_wait3A_493 = arith.constant 0 : i32
        %dma_wait3A_494 = tpu.memref_slice %arg6[%dma_wait3A_492, %dma_wait3A_493] : memref<10000x128xf32, #tpu.memory_space<vmem_shared>> -> memref<10000x128xf32, #tpu.memory_space<vmem_shared>>
        tpu.wait_indirect_dma semaphore(%run_scoped3A : memref<!tpu.dma_semaphore, #tpu.memory_space<semaphore_mem>>) src(%arg10 : memref<40x128xf32, #tpu.memory_space<vmem>>) dst(%dma_wait3A_494 : memref<10000x128xf32, #tpu.memory_space<vmem_shared>>)
        tpu.yield
      }) : () -> ()
      %mul3A_343 = arith.constant 6 : i32
      %mul3A_344 = arith.muli %mul3A_343, %scan3A_272 : i32
      %add3A_345 = arith.constant 2 : i32
      %add3A_346 = arith.addi %mul3A_344, %add3A_345 : i32
      %dma_wait3A_347 = arith.constant 0 : i32
      %dma_wait3A_348 = arith.constant 0 : i32
      %dma_wait3A_349 = tpu.memref_slice %arg2[%arg0, %dma_wait3A_347, %dma_wait3A_348] : memref<2x10000x128xf32, #tpu.memory_space<hbm>> -> memref<1x10000x128xf32, #tpu.memory_space<hbm>>
      %dma_wait3A_350 = tpu.memref_squeeze %dma_wait3A_349 : memref<1x10000x128xf32, #tpu.memory_space<hbm>> -> memref<10000x128xf32, #tpu.memory_space<hbm>>
      %dma_wait3A_351 = arith.constant 0 : i32
      %dma_wait3A_352 = arith.constant 0 : i32
      %dma_wait3A_353 = tpu.memref_slice %dma_wait3A_350[%dma_wait3A_351, %dma_wait3A_352] : memref<10000x128xf32, #tpu.memory_space<hbm>> -> memref<40x128xf32, #tpu.memory_space<hbm>>
      %dma_wait3A_354 = arith.constant 0 : i32
      %dma_wait3A_355 = arith.constant 0 : i32
      %dma_wait3A_356 = tpu.memref_slice %arg2[%arg0, %dma_wait3A_354, %dma_wait3A_355] : memref<2x10000x128xf32, #tpu.memory_space<hbm>> -> memref<1x10000x128xf32, #tpu.memory_space<hbm>>
      %dma_wait3A_357 = tpu.memref_squeeze %dma_wait3A_356 : memref<1x10000x128xf32, #tpu.memory_space<hbm>> -> memref<10000x128xf32, #tpu.memory_space<hbm>>
      %dma_wait3A_358 = arith.constant 0 : i32
      %dma_wait3A_359 = arith.constant 0 : i32
      %dma_wait3A_360 = tpu.memref_slice %dma_wait3A_357[%dma_wait3A_358, %dma_wait3A_359] : memref<10000x128xf32, #tpu.memory_space<hbm>> -> memref<40x128xf32, #tpu.memory_space<hbm>>
      tpu.wait_dma2 semaphore(%arg15 : memref<!tpu.dma_semaphore, #tpu.memory_space<semaphore_mem>>) src(%dma_wait3A_360 : memref<40x128xf32, #tpu.memory_space<hbm>>) dst(%arg11 : memref<40x128xf32, #tpu.memory_space<vmem>>)
      %add3A_361 = arith.constant 6 : i32
      %add3A_362 = arith.addi %add3A_346, %add3A_361 : i32
      %sub3A_363 = arith.constant 1 : i32
      %sub3A_364 = arith.subi %add3A_362, %sub3A_363 : i32
      %mul3A_365 = arith.constant 40 : i32
      %mul3A_366 = arith.muli %sub3A_364, %mul3A_365 : i32
      %multiple_of3A_367 = tpu.assume_multiple %mul3A_366, 8 : i32
      %dma_start3A_368 = tpu.memref_slice %arg7[%multiple_of3A_367] : memref<10000xi32, #tpu.memory_space<vmem>> -> memref<40xi32, #tpu.memory_space<vmem>>
      %dma_start3A_369 = arith.constant 0 : i32
      %dma_start3A_370 = arith.constant 0 : i32
      %dma_start3A_371 = tpu.memref_slice %arg2[%arg0, %dma_start3A_369, %dma_start3A_370] : memref<2x10000x128xf32, #tpu.memory_space<hbm>> -> memref<1x10000x128xf32, #tpu.memory_space<hbm>>
      %dma_start3A_372 = tpu.memref_squeeze %dma_start3A_371 : memref<1x10000x128xf32, #tpu.memory_space<hbm>> -> memref<10000x128xf32, #tpu.memory_space<hbm>>
      %dma_start3A_373 = arith.constant 0 : i32
      %dma_start3A_374 = arith.constant 0 : i32
      %dma_start3A_375 = tpu.memref_slice %dma_start3A_372[%dma_start3A_373, %dma_start3A_374] : memref<10000x128xf32, #tpu.memory_space<hbm>> -> memref<10000x128xf32, #tpu.memory_space<hbm>>
      tpu.enqueue_indirect_dma source(%dma_start3A_375 : memref<10000x128xf32, #tpu.memory_space<hbm>>) target(%arg10 : memref<40x128xf32, #tpu.memory_space<vmem>>) offsets(%dma_start3A_368 : memref<40xi32, #tpu.memory_space<vmem>>) semaphore(%arg15 : memref<!tpu.dma_semaphore, #tpu.memory_space<semaphore_mem>>)
      %mul3A_376 = arith.constant 40 : i32
      %mul3A_377 = arith.muli %add3A_346, %mul3A_376 : i32
      %multiple_of3A_378 = tpu.assume_multiple %mul3A_377, 8 : i32
      "tpu.region"() ({
        %run_scoped3A = tpu.sem_alloc : memref<!tpu.dma_semaphore, #tpu.memory_space<semaphore_mem>>
        %dma_start3A_487 = tpu.memref_slice %arg8[%multiple_of3A_378] : memref<10000xi32, #tpu.memory_space<vmem>> -> memref<40xi32, #tpu.memory_space<vmem>>
        %dma_start3A_488 = arith.constant 0 : i32
        %dma_start3A_489 = arith.constant 0 : i32
        %dma_start3A_490 = tpu.memref_slice %arg6[%dma_start3A_488, %dma_start3A_489] : memref<10000x128xf32, #tpu.memory_space<vmem_shared>> -> memref<10000x128xf32, #tpu.memory_space<vmem_shared>>
        tpu.enqueue_indirect_dma source(%arg11 : memref<40x128xf32, #tpu.memory_space<vmem>>) target(%dma_start3A_490 : memref<10000x128xf32, #tpu.memory_space<vmem_shared>>) offsets(%dma_start3A_487 : memref<40xi32, #tpu.memory_space<vmem>>) semaphore(%run_scoped3A : memref<!tpu.dma_semaphore, #tpu.memory_space<semaphore_mem>>) {add = true}
        %dma_wait3A_491 = tpu.memref_slice %arg8[%multiple_of3A_378] : memref<10000xi32, #tpu.memory_space<vmem>> -> memref<40xi32, #tpu.memory_space<vmem>>
        %dma_wait3A_492 = arith.constant 0 : i32
        %dma_wait3A_493 = arith.constant 0 : i32
        %dma_wait3A_494 = tpu.memref_slice %arg6[%dma_wait3A_492, %dma_wait3A_493] : memref<10000x128xf32, #tpu.memory_space<vmem_shared>> -> memref<10000x128xf32, #tpu.memory_space<vmem_shared>>
        tpu.wait_indirect_dma semaphore(%run_scoped3A : memref<!tpu.dma_semaphore, #tpu.memory_space<semaphore_mem>>) src(%arg11 : memref<40x128xf32, #tpu.memory_space<vmem>>) dst(%dma_wait3A_494 : memref<10000x128xf32, #tpu.memory_space<vmem_shared>>)
        tpu.yield
      }) : () -> ()
      %mul3A_379 = arith.constant 6 : i32
      %mul3A_380 = arith.muli %mul3A_379, %scan3A_272 : i32
      %add3A_381 = arith.constant 3 : i32
      %add3A_382 = arith.addi %mul3A_380, %add3A_381 : i32
      %dma_wait3A_383 = arith.constant 0 : i32
      %dma_wait3A_384 = arith.constant 0 : i32
      %dma_wait3A_385 = tpu.memref_slice %arg2[%arg0, %dma_wait3A_383, %dma_wait3A_384] : memref<2x10000x128xf32, #tpu.memory_space<hbm>> -> memref<1x10000x128xf32, #tpu.memory_space<hbm>>
      %dma_wait3A_386 = tpu.memref_squeeze %dma_wait3A_385 : memref<1x10000x128xf32, #tpu.memory_space<hbm>> -> memref<10000x128xf32, #tpu.memory_space<hbm>>
      %dma_wait3A_387 = arith.constant 0 : i32
      %dma_wait3A_388 = arith.constant 0 : i32
      %dma_wait3A_389 = tpu.memref_slice %dma_wait3A_386[%dma_wait3A_387, %dma_wait3A_388] : memref<10000x128xf32, #tpu.memory_space<hbm>> -> memref<40x128xf32, #tpu.memory_space<hbm>>
      %dma_wait3A_390 = arith.constant 0 : i32
      %dma_wait3A_391 = arith.constant 0 : i32
      %dma_wait3A_392 = tpu.memref_slice %arg2[%arg0, %dma_wait3A_390, %dma_wait3A_391] : memref<2x10000x128xf32, #tpu.memory_space<hbm>> -> memref<1x10000x128xf32, #tpu.memory_space<hbm>>
      %dma_wait3A_393 = tpu.memref_squeeze %dma_wait3A_392 : memref<1x10000x128xf32, #tpu.memory_space<hbm>> -> memref<10000x128xf32, #tpu.memory_space<hbm>>
      %dma_wait3A_394 = arith.constant 0 : i32
      %dma_wait3A_395 = arith.constant 0 : i32
      %dma_wait3A_396 = tpu.memref_slice %dma_wait3A_393[%dma_wait3A_394, %dma_wait3A_395] : memref<10000x128xf32, #tpu.memory_space<hbm>> -> memref<40x128xf32, #tpu.memory_space<hbm>>
      tpu.wait_dma2 semaphore(%arg15 : memref<!tpu.dma_semaphore, #tpu.memory_space<semaphore_mem>>) src(%dma_wait3A_396 : memref<40x128xf32, #tpu.memory_space<hbm>>) dst(%arg12 : memref<40x128xf32, #tpu.memory_space<vmem>>)
      %add3A_397 = arith.constant 6 : i32
      %add3A_398 = arith.addi %add3A_382, %add3A_397 : i32
      %sub3A_399 = arith.constant 1 : i32
      %sub3A_400 = arith.subi %add3A_398, %sub3A_399 : i32
      %mul3A_401 = arith.constant 40 : i32
      %mul3A_402 = arith.muli %sub3A_400, %mul3A_401 : i32
      %multiple_of3A_403 = tpu.assume_multiple %mul3A_402, 8 : i32
      %dma_start3A_404 = tpu.memref_slice %arg7[%multiple_of3A_403] : memref<10000xi32, #tpu.memory_space<vmem>> -> memref<40xi32, #tpu.memory_space<vmem>>
      %dma_start3A_405 = arith.constant 0 : i32
      %dma_start3A_406 = arith.constant 0 : i32
      %dma_start3A_407 = tpu.memref_slice %arg2[%arg0, %dma_start3A_405, %dma_start3A_406] : memref<2x10000x128xf32, #tpu.memory_space<hbm>> -> memref<1x10000x128xf32, #tpu.memory_space<hbm>>
      %dma_start3A_408 = tpu.memref_squeeze %dma_start3A_407 : memref<1x10000x128xf32, #tpu.memory_space<hbm>> -> memref<10000x128xf32, #tpu.memory_space<hbm>>
      %dma_start3A_409 = arith.constant 0 : i32
      %dma_start3A_410 = arith.constant 0 : i32
      %dma_start3A_411 = tpu.memref_slice %dma_start3A_408[%dma_start3A_409, %dma_start3A_410] : memref<10000x128xf32, #tpu.memory_space<hbm>> -> memref<10000x128xf32, #tpu.memory_space<hbm>>
      tpu.enqueue_indirect_dma source(%dma_start3A_411 : memref<10000x128xf32, #tpu.memory_space<hbm>>) target(%arg11 : memref<40x128xf32, #tpu.memory_space<vmem>>) offsets(%dma_start3A_404 : memref<40xi32, #tpu.memory_space<vmem>>) semaphore(%arg15 : memref<!tpu.dma_semaphore, #tpu.memory_space<semaphore_mem>>)
      %mul3A_412 = arith.constant 40 : i32
      %mul3A_413 = arith.muli %add3A_382, %mul3A_412 : i32
      %multiple_of3A_414 = tpu.assume_multiple %mul3A_413, 8 : i32
      "tpu.region"() ({
        %run_scoped3A = tpu.sem_alloc : memref<!tpu.dma_semaphore, #tpu.memory_space<semaphore_mem>>
        %dma_start3A_487 = tpu.memref_slice %arg8[%multiple_of3A_414] : memref<10000xi32, #tpu.memory_space<vmem>> -> memref<40xi32, #tpu.memory_space<vmem>>
        %dma_start3A_488 = arith.constant 0 : i32
        %dma_start3A_489 = arith.constant 0 : i32
        %dma_start3A_490 = tpu.memref_slice %arg6[%dma_start3A_488, %dma_start3A_489] : memref<10000x128xf32, #tpu.memory_space<vmem_shared>> -> memref<10000x128xf32, #tpu.memory_space<vmem_shared>>
        tpu.enqueue_indirect_dma source(%arg12 : memref<40x128xf32, #tpu.memory_space<vmem>>) target(%dma_start3A_490 : memref<10000x128xf32, #tpu.memory_space<vmem_shared>>) offsets(%dma_start3A_487 : memref<40xi32, #tpu.memory_space<vmem>>) semaphore(%run_scoped3A : memref<!tpu.dma_semaphore, #tpu.memory_space<semaphore_mem>>) {add = true}
        %dma_wait3A_491 = tpu.memref_slice %arg8[%multiple_of3A_414] : memref<10000xi32, #tpu.memory_space<vmem>> -> memref<40xi32, #tpu.memory_space<vmem>>
        %dma_wait3A_492 = arith.constant 0 : i32
        %dma_wait3A_493 = arith.constant 0 : i32
        %dma_wait3A_494 = tpu.memref_slice %arg6[%dma_wait3A_492, %dma_wait3A_493] : memref<10000x128xf32, #tpu.memory_space<vmem_shared>> -> memref<10000x128xf32, #tpu.memory_space<vmem_shared>>
        tpu.wait_indirect_dma semaphore(%run_scoped3A : memref<!tpu.dma_semaphore, #tpu.memory_space<semaphore_mem>>) src(%arg12 : memref<40x128xf32, #tpu.memory_space<vmem>>) dst(%dma_wait3A_494 : memref<10000x128xf32, #tpu.memory_space<vmem_shared>>)
        tpu.yield
      }) : () -> ()
      %mul3A_415 = arith.constant 6 : i32
      %mul3A_416 = arith.muli %mul3A_415, %scan3A_272 : i32
      %add3A_417 = arith.constant 4 : i32
      %add3A_418 = arith.addi %mul3A_416, %add3A_417 : i32
      %dma_wait3A_419 = arith.constant 0 : i32
      %dma_wait3A_420 = arith.constant 0 : i32
      %dma_wait3A_421 = tpu.memref_slice %arg2[%arg0, %dma_wait3A_419, %dma_wait3A_420] : memref<2x10000x128xf32, #tpu.memory_space<hbm>> -> memref<1x10000x128xf32, #tpu.memory_space<hbm>>
      %dma_wait3A_422 = tpu.memref_squeeze %dma_wait3A_421 : memref<1x10000x128xf32, #tpu.memory_space<hbm>> -> memref<10000x128xf32, #tpu.memory_space<hbm>>
      %dma_wait3A_423 = arith.constant 0 : i32
      %dma_wait3A_424 = arith.constant 0 : i32
      %dma_wait3A_425 = tpu.memref_slice %dma_wait3A_422[%dma_wait3A_423, %dma_wait3A_424] : memref<10000x128xf32, #tpu.memory_space<hbm>> -> memref<40x128xf32, #tpu.memory_space<hbm>>
      %dma_wait3A_426 = arith.constant 0 : i32
      %dma_wait3A_427 = arith.constant 0 : i32
      %dma_wait3A_428 = tpu.memref_slice %arg2[%arg0, %dma_wait3A_426, %dma_wait3A_427] : memref<2x10000x128xf32, #tpu.memory_space<hbm>> -> memref<1x10000x128xf32, #tpu.memory_space<hbm>>
      %dma_wait3A_429 = tpu.memref_squeeze %dma_wait3A_428 : memref<1x10000x128xf32, #tpu.memory_space<hbm>> -> memref<10000x128xf32, #tpu.memory_space<hbm>>
      %dma_wait3A_430 = arith.constant 0 : i32
      %dma_wait3A_431 = arith.constant 0 : i32
      %dma_wait3A_432 = tpu.memref_slice %dma_wait3A_429[%dma_wait3A_430, %dma_wait3A_431] : memref<10000x128xf32, #tpu.memory_space<hbm>> -> memref<40x128xf32, #tpu.memory_space<hbm>>
      tpu.wait_dma2 semaphore(%arg15 : memref<!tpu.dma_semaphore, #tpu.memory_space<semaphore_mem>>) src(%dma_wait3A_432 : memref<40x128xf32, #tpu.memory_space<hbm>>) dst(%arg13 : memref<40x128xf32, #tpu.memory_space<vmem>>)
      %add3A_433 = arith.constant 6 : i32
      %add3A_434 = arith.addi %add3A_418, %add3A_433 : i32
      %sub3A_435 = arith.constant 1 : i32
      %sub3A_436 = arith.subi %add3A_434, %sub3A_435 : i32
      %mul3A_437 = arith.constant 40 : i32
      %mul3A_438 = arith.muli %sub3A_436, %mul3A_437 : i32
      %multiple_of3A_439 = tpu.assume_multiple %mul3A_438, 8 : i32
      %dma_start3A_440 = tpu.memref_slice %arg7[%multiple_of3A_439] : memref<10000xi32, #tpu.memory_space<vmem>> -> memref<40xi32, #tpu.memory_space<vmem>>
      %dma_start3A_441 = arith.constant 0 : i32
      %dma_start3A_442 = arith.constant 0 : i32
      %dma_start3A_443 = tpu.memref_slice %arg2[%arg0, %dma_start3A_441, %dma_start3A_442] : memref<2x10000x128xf32, #tpu.memory_space<hbm>> -> memref<1x10000x128xf32, #tpu.memory_space<hbm>>
      %dma_start3A_444 = tpu.memref_squeeze %dma_start3A_443 : memref<1x10000x128xf32, #tpu.memory_space<hbm>> -> memref<10000x128xf32, #tpu.memory_space<hbm>>
      %dma_start3A_445 = arith.constant 0 : i32
      %dma_start3A_446 = arith.constant 0 : i32
      %dma_start3A_447 = tpu.memref_slice %dma_start3A_444[%dma_start3A_445, %dma_start3A_446] : memref<10000x128xf32, #tpu.memory_space<hbm>> -> memref<10000x128xf32, #tpu.memory_space<hbm>>
      tpu.enqueue_indirect_dma source(%dma_start3A_447 : memref<10000x128xf32, #tpu.memory_space<hbm>>) target(%arg12 : memref<40x128xf32, #tpu.memory_space<vmem>>) offsets(%dma_start3A_440 : memref<40xi32, #tpu.memory_space<vmem>>) semaphore(%arg15 : memref<!tpu.dma_semaphore, #tpu.memory_space<semaphore_mem>>)
      %mul3A_448 = arith.constant 40 : i32
      %mul3A_449 = arith.muli %add3A_418, %mul3A_448 : i32
      %multiple_of3A_450 = tpu.assume_multiple %mul3A_449, 8 : i32
      "tpu.region"() ({
        %run_scoped3A = tpu.sem_alloc : memref<!tpu.dma_semaphore, #tpu.memory_space<semaphore_mem>>
        %dma_start3A_487 = tpu.memref_slice %arg8[%multiple_of3A_450] : memref<10000xi32, #tpu.memory_space<vmem>> -> memref<40xi32, #tpu.memory_space<vmem>>
        %dma_start3A_488 = arith.constant 0 : i32
        %dma_start3A_489 = arith.constant 0 : i32
        %dma_start3A_490 = tpu.memref_slice %arg6[%dma_start3A_488, %dma_start3A_489] : memref<10000x128xf32, #tpu.memory_space<vmem_shared>> -> memref<10000x128xf32, #tpu.memory_space<vmem_shared>>
        tpu.enqueue_indirect_dma source(%arg13 : memref<40x128xf32, #tpu.memory_space<vmem>>) target(%dma_start3A_490 : memref<10000x128xf32, #tpu.memory_space<vmem_shared>>) offsets(%dma_start3A_487 : memref<40xi32, #tpu.memory_space<vmem>>) semaphore(%run_scoped3A : memref<!tpu.dma_semaphore, #tpu.memory_space<semaphore_mem>>) {add = true}
        %dma_wait3A_491 = tpu.memref_slice %arg8[%multiple_of3A_450] : memref<10000xi32, #tpu.memory_space<vmem>> -> memref<40xi32, #tpu.memory_space<vmem>>
        %dma_wait3A_492 = arith.constant 0 : i32
        %dma_wait3A_493 = arith.constant 0 : i32
        %dma_wait3A_494 = tpu.memref_slice %arg6[%dma_wait3A_492, %dma_wait3A_493] : memref<10000x128xf32, #tpu.memory_space<vmem_shared>> -> memref<10000x128xf32, #tpu.memory_space<vmem_shared>>
        tpu.wait_indirect_dma semaphore(%run_scoped3A : memref<!tpu.dma_semaphore, #tpu.memory_space<semaphore_mem>>) src(%arg13 : memref<40x128xf32, #tpu.memory_space<vmem>>) dst(%dma_wait3A_494 : memref<10000x128xf32, #tpu.memory_space<vmem_shared>>)
        tpu.yield
      }) : () -> ()
      %mul3A_451 = arith.constant 6 : i32
      %mul3A_452 = arith.muli %mul3A_451, %scan3A_272 : i32
      %add3A_453 = arith.constant 5 : i32
      %add3A_454 = arith.addi %mul3A_452, %add3A_453 : i32
      %dma_wait3A_455 = arith.constant 0 : i32
      %dma_wait3A_456 = arith.constant 0 : i32
      %dma_wait3A_457 = tpu.memref_slice %arg2[%arg0, %dma_wait3A_455, %dma_wait3A_456] : memref<2x10000x128xf32, #tpu.memory_space<hbm>> -> memref<1x10000x128xf32, #tpu.memory_space<hbm>>
      %dma_wait3A_458 = tpu.memref_squeeze %dma_wait3A_457 : memref<1x10000x128xf32, #tpu.memory_space<hbm>> -> memref<10000x128xf32, #tpu.memory_space<hbm>>
      %dma_wait3A_459 = arith.constant 0 : i32
      %dma_wait3A_460 = arith.constant 0 : i32
      %dma_wait3A_461 = tpu.memref_slice %dma_wait3A_458[%dma_wait3A_459, %dma_wait3A_460] : memref<10000x128xf32, #tpu.memory_space<hbm>> -> memref<40x128xf32, #tpu.memory_space<hbm>>
      %dma_wait3A_462 = arith.constant 0 : i32
      %dma_wait3A_463 = arith.constant 0 : i32
      %dma_wait3A_464 = tpu.memref_slice %arg2[%arg0, %dma_wait3A_462, %dma_wait3A_463] : memref<2x10000x128xf32, #tpu.memory_space<hbm>> -> memref<1x10000x128xf32, #tpu.memory_space<hbm>>
      %dma_wait3A_465 = tpu.memref_squeeze %dma_wait3A_464 : memref<1x10000x128xf32, #tpu.memory_space<hbm>> -> memref<10000x128xf32, #tpu.memory_space<hbm>>
      %dma_wait3A_466 = arith.constant 0 : i32
      %dma_wait3A_467 = arith.constant 0 : i32
      %dma_wait3A_468 = tpu.memref_slice %dma_wait3A_465[%dma_wait3A_466, %dma_wait3A_467] : memref<10000x128xf32, #tpu.memory_space<hbm>> -> memref<40x128xf32, #tpu.memory_space<hbm>>
      tpu.wait_dma2 semaphore(%arg15 : memref<!tpu.dma_semaphore, #tpu.memory_space<semaphore_mem>>) src(%dma_wait3A_468 : memref<40x128xf32, #tpu.memory_space<hbm>>) dst(%arg14 : memref<40x128xf32, #tpu.memory_space<vmem>>)
      %add3A_469 = arith.constant 6 : i32
      %add3A_470 = arith.addi %add3A_454, %add3A_469 : i32
      %sub3A_471 = arith.constant 1 : i32
      %sub3A_472 = arith.subi %add3A_470, %sub3A_471 : i32
      %mul3A_473 = arith.constant 40 : i32
      %mul3A_474 = arith.muli %sub3A_472, %mul3A_473 : i32
      %multiple_of3A_475 = tpu.assume_multiple %mul3A_474, 8 : i32
      %dma_start3A_476 = tpu.memref_slice %arg7[%multiple_of3A_475] : memref<10000xi32, #tpu.memory_space<vmem>> -> memref<40xi32, #tpu.memory_space<vmem>>
      %dma_start3A_477 = arith.constant 0 : i32
      %dma_start3A_478 = arith.constant 0 : i32
      %dma_start3A_479 = tpu.memref_slice %arg2[%arg0, %dma_start3A_477, %dma_start3A_478] : memref<2x10000x128xf32, #tpu.memory_space<hbm>> -> memref<1x10000x128xf32, #tpu.memory_space<hbm>>
      %dma_start3A_480 = tpu.memref_squeeze %dma_start3A_479 : memref<1x10000x128xf32, #tpu.memory_space<hbm>> -> memref<10000x128xf32, #tpu.memory_space<hbm>>
      %dma_start3A_481 = arith.constant 0 : i32
      %dma_start3A_482 = arith.constant 0 : i32
      %dma_start3A_483 = tpu.memref_slice %dma_start3A_480[%dma_start3A_481, %dma_start3A_482] : memref<10000x128xf32, #tpu.memory_space<hbm>> -> memref<10000x128xf32, #tpu.memory_space<hbm>>
      tpu.enqueue_indirect_dma source(%dma_start3A_483 : memref<10000x128xf32, #tpu.memory_space<hbm>>) target(%arg13 : memref<40x128xf32, #tpu.memory_space<vmem>>) offsets(%dma_start3A_476 : memref<40xi32, #tpu.memory_space<vmem>>) semaphore(%arg15 : memref<!tpu.dma_semaphore, #tpu.memory_space<semaphore_mem>>)
      %mul3A_484 = arith.constant 40 : i32
      %mul3A_485 = arith.muli %add3A_454, %mul3A_484 : i32
      %multiple_of3A_486 = tpu.assume_multiple %mul3A_485, 8 : i32
      "tpu.region"() ({
        %run_scoped3A = tpu.sem_alloc : memref<!tpu.dma_semaphore, #tpu.memory_space<semaphore_mem>>
        %dma_start3A_487 = tpu.memref_slice %arg8[%multiple_of3A_486] : memref<10000xi32, #tpu.memory_space<vmem>> -> memref<40xi32, #tpu.memory_space<vmem>>
        %dma_start3A_488 = arith.constant 0 : i32
        %dma_start3A_489 = arith.constant 0 : i32
        %dma_start3A_490 = tpu.memref_slice %arg6[%dma_start3A_488, %dma_start3A_489] : memref<10000x128xf32, #tpu.memory_space<vmem_shared>> -> memref<10000x128xf32, #tpu.memory_space<vmem_shared>>
        tpu.enqueue_indirect_dma source(%arg14 : memref<40x128xf32, #tpu.memory_space<vmem>>) target(%dma_start3A_490 : memref<10000x128xf32, #tpu.memory_space<vmem_shared>>) offsets(%dma_start3A_487 : memref<40xi32, #tpu.memory_space<vmem>>) semaphore(%run_scoped3A : memref<!tpu.dma_semaphore, #tpu.memory_space<semaphore_mem>>) {add = true}
        %dma_wait3A_491 = tpu.memref_slice %arg8[%multiple_of3A_486] : memref<10000xi32, #tpu.memory_space<vmem>> -> memref<40xi32, #tpu.memory_space<vmem>>
        %dma_wait3A_492 = arith.constant 0 : i32
        %dma_wait3A_493 = arith.constant 0 : i32
        %dma_wait3A_494 = tpu.memref_slice %arg6[%dma_wait3A_492, %dma_wait3A_493] : memref<10000x128xf32, #tpu.memory_space<vmem_shared>> -> memref<10000x128xf32, #tpu.memory_space<vmem_shared>>
        tpu.wait_indirect_dma semaphore(%run_scoped3A : memref<!tpu.dma_semaphore, #tpu.memory_space<semaphore_mem>>) src(%arg14 : memref<40x128xf32, #tpu.memory_space<vmem>>) dst(%dma_wait3A_494 : memref<10000x128xf32, #tpu.memory_space<vmem_shared>>)
        tpu.yield
      }) : () -> ()
    }
    %scan3A_56 = arith.constant 40 : i32
    %dma_wait3A = arith.constant 0 : i32
    %dma_wait3A_57 = arith.constant 0 : i32
    %dma_wait3A_58 = tpu.memref_slice %arg2[%arg0, %dma_wait3A, %dma_wait3A_57] : memref<2x10000x128xf32, #tpu.memory_space<hbm>> -> memref<1x10000x128xf32, #tpu.memory_space<hbm>>
    %dma_wait3A_59 = tpu.memref_squeeze %dma_wait3A_58 : memref<1x10000x128xf32, #tpu.memory_space<hbm>> -> memref<10000x128xf32, #tpu.memory_space<hbm>>
    %dma_wait3A_60 = arith.constant 0 : i32
    %dma_wait3A_61 = arith.constant 0 : i32
    %dma_wait3A_62 = tpu.memref_slice %dma_wait3A_59[%dma_wait3A_60, %dma_wait3A_61] : memref<10000x128xf32, #tpu.memory_space<hbm>> -> memref<40x128xf32, #tpu.memory_space<hbm>>
    %dma_wait3A_63 = arith.constant 0 : i32
    %dma_wait3A_64 = arith.constant 0 : i32
    %dma_wait3A_65 = tpu.memref_slice %arg2[%arg0, %dma_wait3A_63, %dma_wait3A_64] : memref<2x10000x128xf32, #tpu.memory_space<hbm>> -> memref<1x10000x128xf32, #tpu.memory_space<hbm>>
    %dma_wait3A_66 = tpu.memref_squeeze %dma_wait3A_65 : memref<1x10000x128xf32, #tpu.memory_space<hbm>> -> memref<10000x128xf32, #tpu.memory_space<hbm>>
    %dma_wait3A_67 = arith.constant 0 : i32
    %dma_wait3A_68 = arith.constant 0 : i32
    %dma_wait3A_69 = tpu.memref_slice %dma_wait3A_66[%dma_wait3A_67, %dma_wait3A_68] : memref<10000x128xf32, #tpu.memory_space<hbm>> -> memref<40x128xf32, #tpu.memory_space<hbm>>
    tpu.wait_dma2 semaphore(%arg15 : memref<!tpu.dma_semaphore, #tpu.memory_space<semaphore_mem>>) src(%dma_wait3A_69 : memref<40x128xf32, #tpu.memory_space<hbm>>) dst(%arg9 : memref<40x128xf32, #tpu.memory_space<vmem>>)
    %multiple_of3A_70 = arith.constant 9800 : i32
    %multiple_of3A_71 = tpu.assume_multiple %multiple_of3A_70, 8 : i32
    %dma_start3A_72 = tpu.memref_slice %arg7[%multiple_of3A_71] : memref<10000xi32, #tpu.memory_space<vmem>> -> memref<40xi32, #tpu.memory_space<vmem>>
    %dma_start3A_73 = arith.constant 0 : i32
    %dma_start3A_74 = arith.constant 0 : i32
    %dma_start3A_75 = tpu.memref_slice %arg2[%arg0, %dma_start3A_73, %dma_start3A_74] : memref<2x10000x128xf32, #tpu.memory_space<hbm>> -> memref<1x10000x128xf32, #tpu.memory_space<hbm>>
    %dma_start3A_76 = tpu.memref_squeeze %dma_start3A_75 : memref<1x10000x128xf32, #tpu.memory_space<hbm>> -> memref<10000x128xf32, #tpu.memory_space<hbm>>
    %dma_start3A_77 = arith.constant 0 : i32
    %dma_start3A_78 = arith.constant 0 : i32
    %dma_start3A_79 = tpu.memref_slice %dma_start3A_76[%dma_start3A_77, %dma_start3A_78] : memref<10000x128xf32, #tpu.memory_space<hbm>> -> memref<10000x128xf32, #tpu.memory_space<hbm>>
    tpu.enqueue_indirect_dma source(%dma_start3A_79 : memref<10000x128xf32, #tpu.memory_space<hbm>>) target(%arg14 : memref<40x128xf32, #tpu.memory_space<vmem>>) offsets(%dma_start3A_72 : memref<40xi32, #tpu.memory_space<vmem>>) semaphore(%arg15 : memref<!tpu.dma_semaphore, #tpu.memory_space<semaphore_mem>>)
    %multiple_of3A_80 = arith.constant 9600 : i32
    %multiple_of3A_81 = tpu.assume_multiple %multiple_of3A_80, 8 : i32
    "tpu.region"() ({
      %run_scoped3A = tpu.sem_alloc : memref<!tpu.dma_semaphore, #tpu.memory_space<semaphore_mem>>
      %dma_start3A_272 = tpu.memref_slice %arg8[%multiple_of3A_81] : memref<10000xi32, #tpu.memory_space<vmem>> -> memref<40xi32, #tpu.memory_space<vmem>>
      %dma_start3A_273 = arith.constant 0 : i32
      %dma_start3A_274 = arith.constant 0 : i32
      %dma_start3A_275 = tpu.memref_slice %arg6[%dma_start3A_273, %dma_start3A_274] : memref<10000x128xf32, #tpu.memory_space<vmem_shared>> -> memref<10000x128xf32, #tpu.memory_space<vmem_shared>>
      tpu.enqueue_indirect_dma source(%arg9 : memref<40x128xf32, #tpu.memory_space<vmem>>) target(%dma_start3A_275 : memref<10000x128xf32, #tpu.memory_space<vmem_shared>>) offsets(%dma_start3A_272 : memref<40xi32, #tpu.memory_space<vmem>>) semaphore(%run_scoped3A : memref<!tpu.dma_semaphore, #tpu.memory_space<semaphore_mem>>) {add = true}
      %dma_wait3A_276 = tpu.memref_slice %arg8[%multiple_of3A_81] : memref<10000xi32, #tpu.memory_space<vmem>> -> memref<40xi32, #tpu.memory_space<vmem>>
      %dma_wait3A_277 = arith.constant 0 : i32
      %dma_wait3A_278 = arith.constant 0 : i32
      %dma_wait3A_279 = tpu.memref_slice %arg6[%dma_wait3A_277, %dma_wait3A_278] : memref<10000x128xf32, #tpu.memory_space<vmem_shared>> -> memref<10000x128xf32, #tpu.memory_space<vmem_shared>>
      tpu.wait_indirect_dma semaphore(%run_scoped3A : memref<!tpu.dma_semaphore, #tpu.memory_space<semaphore_mem>>) src(%arg9 : memref<40x128xf32, #tpu.memory_space<vmem>>) dst(%dma_wait3A_279 : memref<10000x128xf32, #tpu.memory_space<vmem_shared>>)
      tpu.yield
    }) : () -> ()
    %dma_wait3A_82 = arith.constant 0 : i32
    %dma_wait3A_83 = arith.constant 0 : i32
    %dma_wait3A_84 = tpu.memref_slice %arg2[%arg0, %dma_wait3A_82, %dma_wait3A_83] : memref<2x10000x128xf32, #tpu.memory_space<hbm>> -> memref<1x10000x128xf32, #tpu.memory_space<hbm>>
    %dma_wait3A_85 = tpu.memref_squeeze %dma_wait3A_84 : memref<1x10000x128xf32, #tpu.memory_space<hbm>> -> memref<10000x128xf32, #tpu.memory_space<hbm>>
    %dma_wait3A_86 = arith.constant 0 : i32
    %dma_wait3A_87 = arith.constant 0 : i32
    %dma_wait3A_88 = tpu.memref_slice %dma_wait3A_85[%dma_wait3A_86, %dma_wait3A_87] : memref<10000x128xf32, #tpu.memory_space<hbm>> -> memref<40x128xf32, #tpu.memory_space<hbm>>
    %dma_wait3A_89 = arith.constant 0 : i32
    %dma_wait3A_90 = arith.constant 0 : i32
    %dma_wait3A_91 = tpu.memref_slice %arg2[%arg0, %dma_wait3A_89, %dma_wait3A_90] : memref<2x10000x128xf32, #tpu.memory_space<hbm>> -> memref<1x10000x128xf32, #tpu.memory_space<hbm>>
    %dma_wait3A_92 = tpu.memref_squeeze %dma_wait3A_91 : memref<1x10000x128xf32, #tpu.memory_space<hbm>> -> memref<10000x128xf32, #tpu.memory_space<hbm>>
    %dma_wait3A_93 = arith.constant 0 : i32
    %dma_wait3A_94 = arith.constant 0 : i32
    %dma_wait3A_95 = tpu.memref_slice %dma_wait3A_92[%dma_wait3A_93, %dma_wait3A_94] : memref<10000x128xf32, #tpu.memory_space<hbm>> -> memref<40x128xf32, #tpu.memory_space<hbm>>
    tpu.wait_dma2 semaphore(%arg15 : memref<!tpu.dma_semaphore, #tpu.memory_space<semaphore_mem>>) src(%dma_wait3A_95 : memref<40x128xf32, #tpu.memory_space<hbm>>) dst(%arg10 : memref<40x128xf32, #tpu.memory_space<vmem>>)
    %multiple_of3A_96 = arith.constant 9840 : i32
    %multiple_of3A_97 = tpu.assume_multiple %multiple_of3A_96, 8 : i32
    %dma_start3A_98 = tpu.memref_slice %arg7[%multiple_of3A_97] : memref<10000xi32, #tpu.memory_space<vmem>> -> memref<40xi32, #tpu.memory_space<vmem>>
    %dma_start3A_99 = arith.constant 0 : i32
    %dma_start3A_100 = arith.constant 0 : i32
    %dma_start3A_101 = tpu.memref_slice %arg2[%arg0, %dma_start3A_99, %dma_start3A_100] : memref<2x10000x128xf32, #tpu.memory_space<hbm>> -> memref<1x10000x128xf32, #tpu.memory_space<hbm>>
    %dma_start3A_102 = tpu.memref_squeeze %dma_start3A_101 : memref<1x10000x128xf32, #tpu.memory_space<hbm>> -> memref<10000x128xf32, #tpu.memory_space<hbm>>
    %dma_start3A_103 = arith.constant 0 : i32
    %dma_start3A_104 = arith.constant 0 : i32
    %dma_start3A_105 = tpu.memref_slice %dma_start3A_102[%dma_start3A_103, %dma_start3A_104] : memref<10000x128xf32, #tpu.memory_space<hbm>> -> memref<10000x128xf32, #tpu.memory_space<hbm>>
    tpu.enqueue_indirect_dma source(%dma_start3A_105 : memref<10000x128xf32, #tpu.memory_space<hbm>>) target(%arg9 : memref<40x128xf32, #tpu.memory_space<vmem>>) offsets(%dma_start3A_98 : memref<40xi32, #tpu.memory_space<vmem>>) semaphore(%arg15 : memref<!tpu.dma_semaphore, #tpu.memory_space<semaphore_mem>>)
    %multiple_of3A_106 = arith.constant 9640 : i32
    %multiple_of3A_107 = tpu.assume_multiple %multiple_of3A_106, 8 : i32
    "tpu.region"() ({
      %run_scoped3A = tpu.sem_alloc : memref<!tpu.dma_semaphore, #tpu.memory_space<semaphore_mem>>
      %dma_start3A_272 = tpu.memref_slice %arg8[%multiple_of3A_107] : memref<10000xi32, #tpu.memory_space<vmem>> -> memref<40xi32, #tpu.memory_space<vmem>>
      %dma_start3A_273 = arith.constant 0 : i32
      %dma_start3A_274 = arith.constant 0 : i32
      %dma_start3A_275 = tpu.memref_slice %arg6[%dma_start3A_273, %dma_start3A_274] : memref<10000x128xf32, #tpu.memory_space<vmem_shared>> -> memref<10000x128xf32, #tpu.memory_space<vmem_shared>>
      tpu.enqueue_indirect_dma source(%arg10 : memref<40x128xf32, #tpu.memory_space<vmem>>) target(%dma_start3A_275 : memref<10000x128xf32, #tpu.memory_space<vmem_shared>>) offsets(%dma_start3A_272 : memref<40xi32, #tpu.memory_space<vmem>>) semaphore(%run_scoped3A : memref<!tpu.dma_semaphore, #tpu.memory_space<semaphore_mem>>) {add = true}
      %dma_wait3A_276 = tpu.memref_slice %arg8[%multiple_of3A_107] : memref<10000xi32, #tpu.memory_space<vmem>> -> memref<40xi32, #tpu.memory_space<vmem>>
      %dma_wait3A_277 = arith.constant 0 : i32
      %dma_wait3A_278 = arith.constant 0 : i32
      %dma_wait3A_279 = tpu.memref_slice %arg6[%dma_wait3A_277, %dma_wait3A_278] : memref<10000x128xf32, #tpu.memory_space<vmem_shared>> -> memref<10000x128xf32, #tpu.memory_space<vmem_shared>>
      tpu.wait_indirect_dma semaphore(%run_scoped3A : memref<!tpu.dma_semaphore, #tpu.memory_space<semaphore_mem>>) src(%arg10 : memref<40x128xf32, #tpu.memory_space<vmem>>) dst(%dma_wait3A_279 : memref<10000x128xf32, #tpu.memory_space<vmem_shared>>)
      tpu.yield
    }) : () -> ()
    %dma_wait3A_108 = arith.constant 0 : i32
    %dma_wait3A_109 = arith.constant 0 : i32
    %dma_wait3A_110 = tpu.memref_slice %arg2[%arg0, %dma_wait3A_108, %dma_wait3A_109] : memref<2x10000x128xf32, #tpu.memory_space<hbm>> -> memref<1x10000x128xf32, #tpu.memory_space<hbm>>
    %dma_wait3A_111 = tpu.memref_squeeze %dma_wait3A_110 : memref<1x10000x128xf32, #tpu.memory_space<hbm>> -> memref<10000x128xf32, #tpu.memory_space<hbm>>
    %dma_wait3A_112 = arith.constant 0 : i32
    %dma_wait3A_113 = arith.constant 0 : i32
    %dma_wait3A_114 = tpu.memref_slice %dma_wait3A_111[%dma_wait3A_112, %dma_wait3A_113] : memref<10000x128xf32, #tpu.memory_space<hbm>> -> memref<40x128xf32, #tpu.memory_space<hbm>>
    %dma_wait3A_115 = arith.constant 0 : i32
    %dma_wait3A_116 = arith.constant 0 : i32
    %dma_wait3A_117 = tpu.memref_slice %arg2[%arg0, %dma_wait3A_115, %dma_wait3A_116] : memref<2x10000x128xf32, #tpu.memory_space<hbm>> -> memref<1x10000x128xf32, #tpu.memory_space<hbm>>
    %dma_wait3A_118 = tpu.memref_squeeze %dma_wait3A_117 : memref<1x10000x128xf32, #tpu.memory_space<hbm>> -> memref<10000x128xf32, #tpu.memory_space<hbm>>
    %dma_wait3A_119 = arith.constant 0 : i32
    %dma_wait3A_120 = arith.constant 0 : i32
    %dma_wait3A_121 = tpu.memref_slice %dma_wait3A_118[%dma_wait3A_119, %dma_wait3A_120] : memref<10000x128xf32, #tpu.memory_space<hbm>> -> memref<40x128xf32, #tpu.memory_space<hbm>>
    tpu.wait_dma2 semaphore(%arg15 : memref<!tpu.dma_semaphore, #tpu.memory_space<semaphore_mem>>) src(%dma_wait3A_121 : memref<40x128xf32, #tpu.memory_space<hbm>>) dst(%arg11 : memref<40x128xf32, #tpu.memory_space<vmem>>)
    %multiple_of3A_122 = arith.constant 9880 : i32
    %multiple_of3A_123 = tpu.assume_multiple %multiple_of3A_122, 8 : i32
    %dma_start3A_124 = tpu.memref_slice %arg7[%multiple_of3A_123] : memref<10000xi32, #tpu.memory_space<vmem>> -> memref<40xi32, #tpu.memory_space<vmem>>
    %dma_start3A_125 = arith.constant 0 : i32
    %dma_start3A_126 = arith.constant 0 : i32
    %dma_start3A_127 = tpu.memref_slice %arg2[%arg0, %dma_start3A_125, %dma_start3A_126] : memref<2x10000x128xf32, #tpu.memory_space<hbm>> -> memref<1x10000x128xf32, #tpu.memory_space<hbm>>
    %dma_start3A_128 = tpu.memref_squeeze %dma_start3A_127 : memref<1x10000x128xf32, #tpu.memory_space<hbm>> -> memref<10000x128xf32, #tpu.memory_space<hbm>>
    %dma_start3A_129 = arith.constant 0 : i32
    %dma_start3A_130 = arith.constant 0 : i32
    %dma_start3A_131 = tpu.memref_slice %dma_start3A_128[%dma_start3A_129, %dma_start3A_130] : memref<10000x128xf32, #tpu.memory_space<hbm>> -> memref<10000x128xf32, #tpu.memory_space<hbm>>
    tpu.enqueue_indirect_dma source(%dma_start3A_131 : memref<10000x128xf32, #tpu.memory_space<hbm>>) target(%arg10 : memref<40x128xf32, #tpu.memory_space<vmem>>) offsets(%dma_start3A_124 : memref<40xi32, #tpu.memory_space<vmem>>) semaphore(%arg15 : memref<!tpu.dma_semaphore, #tpu.memory_space<semaphore_mem>>)
    %multiple_of3A_132 = arith.constant 9680 : i32
    %multiple_of3A_133 = tpu.assume_multiple %multiple_of3A_132, 8 : i32
    "tpu.region"() ({
      %run_scoped3A = tpu.sem_alloc : memref<!tpu.dma_semaphore, #tpu.memory_space<semaphore_mem>>
      %dma_start3A_272 = tpu.memref_slice %arg8[%multiple_of3A_133] : memref<10000xi32, #tpu.memory_space<vmem>> -> memref<40xi32, #tpu.memory_space<vmem>>
      %dma_start3A_273 = arith.constant 0 : i32
      %dma_start3A_274 = arith.constant 0 : i32
      %dma_start3A_275 = tpu.memref_slice %arg6[%dma_start3A_273, %dma_start3A_274] : memref<10000x128xf32, #tpu.memory_space<vmem_shared>> -> memref<10000x128xf32, #tpu.memory_space<vmem_shared>>
      tpu.enqueue_indirect_dma source(%arg11 : memref<40x128xf32, #tpu.memory_space<vmem>>) target(%dma_start3A_275 : memref<10000x128xf32, #tpu.memory_space<vmem_shared>>) offsets(%dma_start3A_272 : memref<40xi32, #tpu.memory_space<vmem>>) semaphore(%run_scoped3A : memref<!tpu.dma_semaphore, #tpu.memory_space<semaphore_mem>>) {add = true}
      %dma_wait3A_276 = tpu.memref_slice %arg8[%multiple_of3A_133] : memref<10000xi32, #tpu.memory_space<vmem>> -> memref<40xi32, #tpu.memory_space<vmem>>
      %dma_wait3A_277 = arith.constant 0 : i32
      %dma_wait3A_278 = arith.constant 0 : i32
      %dma_wait3A_279 = tpu.memref_slice %arg6[%dma_wait3A_277, %dma_wait3A_278] : memref<10000x128xf32, #tpu.memory_space<vmem_shared>> -> memref<10000x128xf32, #tpu.memory_space<vmem_shared>>
      tpu.wait_indirect_dma semaphore(%run_scoped3A : memref<!tpu.dma_semaphore, #tpu.memory_space<semaphore_mem>>) src(%arg11 : memref<40x128xf32, #tpu.memory_space<vmem>>) dst(%dma_wait3A_279 : memref<10000x128xf32, #tpu.memory_space<vmem_shared>>)
      tpu.yield
    }) : () -> ()
    %dma_wait3A_134 = arith.constant 0 : i32
    %dma_wait3A_135 = arith.constant 0 : i32
    %dma_wait3A_136 = tpu.memref_slice %arg2[%arg0, %dma_wait3A_134, %dma_wait3A_135] : memref<2x10000x128xf32, #tpu.memory_space<hbm>> -> memref<1x10000x128xf32, #tpu.memory_space<hbm>>
    %dma_wait3A_137 = tpu.memref_squeeze %dma_wait3A_136 : memref<1x10000x128xf32, #tpu.memory_space<hbm>> -> memref<10000x128xf32, #tpu.memory_space<hbm>>
    %dma_wait3A_138 = arith.constant 0 : i32
    %dma_wait3A_139 = arith.constant 0 : i32
    %dma_wait3A_140 = tpu.memref_slice %dma_wait3A_137[%dma_wait3A_138, %dma_wait3A_139] : memref<10000x128xf32, #tpu.memory_space<hbm>> -> memref<40x128xf32, #tpu.memory_space<hbm>>
    %dma_wait3A_141 = arith.constant 0 : i32
    %dma_wait3A_142 = arith.constant 0 : i32
    %dma_wait3A_143 = tpu.memref_slice %arg2[%arg0, %dma_wait3A_141, %dma_wait3A_142] : memref<2x10000x128xf32, #tpu.memory_space<hbm>> -> memref<1x10000x128xf32, #tpu.memory_space<hbm>>
    %dma_wait3A_144 = tpu.memref_squeeze %dma_wait3A_143 : memref<1x10000x128xf32, #tpu.memory_space<hbm>> -> memref<10000x128xf32, #tpu.memory_space<hbm>>
    %dma_wait3A_145 = arith.constant 0 : i32
    %dma_wait3A_146 = arith.constant 0 : i32
    %dma_wait3A_147 = tpu.memref_slice %dma_wait3A_144[%dma_wait3A_145, %dma_wait3A_146] : memref<10000x128xf32, #tpu.memory_space<hbm>> -> memref<40x128xf32, #tpu.memory_space<hbm>>
    tpu.wait_dma2 semaphore(%arg15 : memref<!tpu.dma_semaphore, #tpu.memory_space<semaphore_mem>>) src(%dma_wait3A_147 : memref<40x128xf32, #tpu.memory_space<hbm>>) dst(%arg12 : memref<40x128xf32, #tpu.memory_space<vmem>>)
    %multiple_of3A_148 = arith.constant 9920 : i32
    %multiple_of3A_149 = tpu.assume_multiple %multiple_of3A_148, 8 : i32
    %dma_start3A_150 = tpu.memref_slice %arg7[%multiple_of3A_149] : memref<10000xi32, #tpu.memory_space<vmem>> -> memref<40xi32, #tpu.memory_space<vmem>>
    %dma_start3A_151 = arith.constant 0 : i32
    %dma_start3A_152 = arith.constant 0 : i32
    %dma_start3A_153 = tpu.memref_slice %arg2[%arg0, %dma_start3A_151, %dma_start3A_152] : memref<2x10000x128xf32, #tpu.memory_space<hbm>> -> memref<1x10000x128xf32, #tpu.memory_space<hbm>>
    %dma_start3A_154 = tpu.memref_squeeze %dma_start3A_153 : memref<1x10000x128xf32, #tpu.memory_space<hbm>> -> memref<10000x128xf32, #tpu.memory_space<hbm>>
    %dma_start3A_155 = arith.constant 0 : i32
    %dma_start3A_156 = arith.constant 0 : i32
    %dma_start3A_157 = tpu.memref_slice %dma_start3A_154[%dma_start3A_155, %dma_start3A_156] : memref<10000x128xf32, #tpu.memory_space<hbm>> -> memref<10000x128xf32, #tpu.memory_space<hbm>>
    tpu.enqueue_indirect_dma source(%dma_start3A_157 : memref<10000x128xf32, #tpu.memory_space<hbm>>) target(%arg11 : memref<40x128xf32, #tpu.memory_space<vmem>>) offsets(%dma_start3A_150 : memref<40xi32, #tpu.memory_space<vmem>>) semaphore(%arg15 : memref<!tpu.dma_semaphore, #tpu.memory_space<semaphore_mem>>)
    %multiple_of3A_158 = arith.constant 9720 : i32
    %multiple_of3A_159 = tpu.assume_multiple %multiple_of3A_158, 8 : i32
    "tpu.region"() ({
      %run_scoped3A = tpu.sem_alloc : memref<!tpu.dma_semaphore, #tpu.memory_space<semaphore_mem>>
      %dma_start3A_272 = tpu.memref_slice %arg8[%multiple_of3A_159] : memref<10000xi32, #tpu.memory_space<vmem>> -> memref<40xi32, #tpu.memory_space<vmem>>
      %dma_start3A_273 = arith.constant 0 : i32
      %dma_start3A_274 = arith.constant 0 : i32
      %dma_start3A_275 = tpu.memref_slice %arg6[%dma_start3A_273, %dma_start3A_274] : memref<10000x128xf32, #tpu.memory_space<vmem_shared>> -> memref<10000x128xf32, #tpu.memory_space<vmem_shared>>
      tpu.enqueue_indirect_dma source(%arg12 : memref<40x128xf32, #tpu.memory_space<vmem>>) target(%dma_start3A_275 : memref<10000x128xf32, #tpu.memory_space<vmem_shared>>) offsets(%dma_start3A_272 : memref<40xi32, #tpu.memory_space<vmem>>) semaphore(%run_scoped3A : memref<!tpu.dma_semaphore, #tpu.memory_space<semaphore_mem>>) {add = true}
      %dma_wait3A_276 = tpu.memref_slice %arg8[%multiple_of3A_159] : memref<10000xi32, #tpu.memory_space<vmem>> -> memref<40xi32, #tpu.memory_space<vmem>>
      %dma_wait3A_277 = arith.constant 0 : i32
      %dma_wait3A_278 = arith.constant 0 : i32
      %dma_wait3A_279 = tpu.memref_slice %arg6[%dma_wait3A_277, %dma_wait3A_278] : memref<10000x128xf32, #tpu.memory_space<vmem_shared>> -> memref<10000x128xf32, #tpu.memory_space<vmem_shared>>
      tpu.wait_indirect_dma semaphore(%run_scoped3A : memref<!tpu.dma_semaphore, #tpu.memory_space<semaphore_mem>>) src(%arg12 : memref<40x128xf32, #tpu.memory_space<vmem>>) dst(%dma_wait3A_279 : memref<10000x128xf32, #tpu.memory_space<vmem_shared>>)
      tpu.yield
    }) : () -> ()
    %dma_wait3A_160 = arith.constant 0 : i32
    %dma_wait3A_161 = arith.constant 0 : i32
    %dma_wait3A_162 = tpu.memref_slice %arg2[%arg0, %dma_wait3A_160, %dma_wait3A_161] : memref<2x10000x128xf32, #tpu.memory_space<hbm>> -> memref<1x10000x128xf32, #tpu.memory_space<hbm>>
    %dma_wait3A_163 = tpu.memref_squeeze %dma_wait3A_162 : memref<1x10000x128xf32, #tpu.memory_space<hbm>> -> memref<10000x128xf32, #tpu.memory_space<hbm>>
    %dma_wait3A_164 = arith.constant 0 : i32
    %dma_wait3A_165 = arith.constant 0 : i32
    %dma_wait3A_166 = tpu.memref_slice %dma_wait3A_163[%dma_wait3A_164, %dma_wait3A_165] : memref<10000x128xf32, #tpu.memory_space<hbm>> -> memref<40x128xf32, #tpu.memory_space<hbm>>
    %dma_wait3A_167 = arith.constant 0 : i32
    %dma_wait3A_168 = arith.constant 0 : i32
    %dma_wait3A_169 = tpu.memref_slice %arg2[%arg0, %dma_wait3A_167, %dma_wait3A_168] : memref<2x10000x128xf32, #tpu.memory_space<hbm>> -> memref<1x10000x128xf32, #tpu.memory_space<hbm>>
    %dma_wait3A_170 = tpu.memref_squeeze %dma_wait3A_169 : memref<1x10000x128xf32, #tpu.memory_space<hbm>> -> memref<10000x128xf32, #tpu.memory_space<hbm>>
    %dma_wait3A_171 = arith.constant 0 : i32
    %dma_wait3A_172 = arith.constant 0 : i32
    %dma_wait3A_173 = tpu.memref_slice %dma_wait3A_170[%dma_wait3A_171, %dma_wait3A_172] : memref<10000x128xf32, #tpu.memory_space<hbm>> -> memref<40x128xf32, #tpu.memory_space<hbm>>
    tpu.wait_dma2 semaphore(%arg15 : memref<!tpu.dma_semaphore, #tpu.memory_space<semaphore_mem>>) src(%dma_wait3A_173 : memref<40x128xf32, #tpu.memory_space<hbm>>) dst(%arg13 : memref<40x128xf32, #tpu.memory_space<vmem>>)
    %multiple_of3A_174 = arith.constant 9960 : i32
    %multiple_of3A_175 = tpu.assume_multiple %multiple_of3A_174, 8 : i32
    %dma_start3A_176 = tpu.memref_slice %arg7[%multiple_of3A_175] : memref<10000xi32, #tpu.memory_space<vmem>> -> memref<40xi32, #tpu.memory_space<vmem>>
    %dma_start3A_177 = arith.constant 0 : i32
    %dma_start3A_178 = arith.constant 0 : i32
    %dma_start3A_179 = tpu.memref_slice %arg2[%arg0, %dma_start3A_177, %dma_start3A_178] : memref<2x10000x128xf32, #tpu.memory_space<hbm>> -> memref<1x10000x128xf32, #tpu.memory_space<hbm>>
    %dma_start3A_180 = tpu.memref_squeeze %dma_start3A_179 : memref<1x10000x128xf32, #tpu.memory_space<hbm>> -> memref<10000x128xf32, #tpu.memory_space<hbm>>
    %dma_start3A_181 = arith.constant 0 : i32
    %dma_start3A_182 = arith.constant 0 : i32
    %dma_start3A_183 = tpu.memref_slice %dma_start3A_180[%dma_start3A_181, %dma_start3A_182] : memref<10000x128xf32, #tpu.memory_space<hbm>> -> memref<10000x128xf32, #tpu.memory_space<hbm>>
    tpu.enqueue_indirect_dma source(%dma_start3A_183 : memref<10000x128xf32, #tpu.memory_space<hbm>>) target(%arg12 : memref<40x128xf32, #tpu.memory_space<vmem>>) offsets(%dma_start3A_176 : memref<40xi32, #tpu.memory_space<vmem>>) semaphore(%arg15 : memref<!tpu.dma_semaphore, #tpu.memory_space<semaphore_mem>>)
    %multiple_of3A_184 = arith.constant 9760 : i32
    %multiple_of3A_185 = tpu.assume_multiple %multiple_of3A_184, 8 : i32
    "tpu.region"() ({
      %run_scoped3A = tpu.sem_alloc : memref<!tpu.dma_semaphore, #tpu.memory_space<semaphore_mem>>
      %dma_start3A_272 = tpu.memref_slice %arg8[%multiple_of3A_185] : memref<10000xi32, #tpu.memory_space<vmem>> -> memref<40xi32, #tpu.memory_space<vmem>>
      %dma_start3A_273 = arith.constant 0 : i32
      %dma_start3A_274 = arith.constant 0 : i32
      %dma_start3A_275 = tpu.memref_slice %arg6[%dma_start3A_273, %dma_start3A_274] : memref<10000x128xf32, #tpu.memory_space<vmem_shared>> -> memref<10000x128xf32, #tpu.memory_space<vmem_shared>>
      tpu.enqueue_indirect_dma source(%arg13 : memref<40x128xf32, #tpu.memory_space<vmem>>) target(%dma_start3A_275 : memref<10000x128xf32, #tpu.memory_space<vmem_shared>>) offsets(%dma_start3A_272 : memref<40xi32, #tpu.memory_space<vmem>>) semaphore(%run_scoped3A : memref<!tpu.dma_semaphore, #tpu.memory_space<semaphore_mem>>) {add = true}
      %dma_wait3A_276 = tpu.memref_slice %arg8[%multiple_of3A_185] : memref<10000xi32, #tpu.memory_space<vmem>> -> memref<40xi32, #tpu.memory_space<vmem>>
      %dma_wait3A_277 = arith.constant 0 : i32
      %dma_wait3A_278 = arith.constant 0 : i32
      %dma_wait3A_279 = tpu.memref_slice %arg6[%dma_wait3A_277, %dma_wait3A_278] : memref<10000x128xf32, #tpu.memory_space<vmem_shared>> -> memref<10000x128xf32, #tpu.memory_space<vmem_shared>>
      tpu.wait_indirect_dma semaphore(%run_scoped3A : memref<!tpu.dma_semaphore, #tpu.memory_space<semaphore_mem>>) src(%arg13 : memref<40x128xf32, #tpu.memory_space<vmem>>) dst(%dma_wait3A_279 : memref<10000x128xf32, #tpu.memory_space<vmem_shared>>)
      tpu.yield
    }) : () -> ()
    %dma_wait3A_186 = arith.constant 0 : i32
    %dma_wait3A_187 = arith.constant 0 : i32
    %dma_wait3A_188 = tpu.memref_slice %arg2[%arg0, %dma_wait3A_186, %dma_wait3A_187] : memref<2x10000x128xf32, #tpu.memory_space<hbm>> -> memref<1x10000x128xf32, #tpu.memory_space<hbm>>
    %dma_wait3A_189 = tpu.memref_squeeze %dma_wait3A_188 : memref<1x10000x128xf32, #tpu.memory_space<hbm>> -> memref<10000x128xf32, #tpu.memory_space<hbm>>
    %dma_wait3A_190 = arith.constant 0 : i32
    %dma_wait3A_191 = arith.constant 0 : i32
    %dma_wait3A_192 = tpu.memref_slice %dma_wait3A_189[%dma_wait3A_190, %dma_wait3A_191] : memref<10000x128xf32, #tpu.memory_space<hbm>> -> memref<40x128xf32, #tpu.memory_space<hbm>>
    %dma_wait3A_193 = arith.constant 0 : i32
    %dma_wait3A_194 = arith.constant 0 : i32
    %dma_wait3A_195 = tpu.memref_slice %arg2[%arg0, %dma_wait3A_193, %dma_wait3A_194] : memref<2x10000x128xf32, #tpu.memory_space<hbm>> -> memref<1x10000x128xf32, #tpu.memory_space<hbm>>
    %dma_wait3A_196 = tpu.memref_squeeze %dma_wait3A_195 : memref<1x10000x128xf32, #tpu.memory_space<hbm>> -> memref<10000x128xf32, #tpu.memory_space<hbm>>
    %dma_wait3A_197 = arith.constant 0 : i32
    %dma_wait3A_198 = arith.constant 0 : i32
    %dma_wait3A_199 = tpu.memref_slice %dma_wait3A_196[%dma_wait3A_197, %dma_wait3A_198] : memref<10000x128xf32, #tpu.memory_space<hbm>> -> memref<40x128xf32, #tpu.memory_space<hbm>>
    tpu.wait_dma2 semaphore(%arg15 : memref<!tpu.dma_semaphore, #tpu.memory_space<semaphore_mem>>) src(%dma_wait3A_199 : memref<40x128xf32, #tpu.memory_space<hbm>>) dst(%arg14 : memref<40x128xf32, #tpu.memory_space<vmem>>)
    %multiple_of3A_200 = arith.constant 9800 : i32
    %multiple_of3A_201 = tpu.assume_multiple %multiple_of3A_200, 8 : i32
    "tpu.region"() ({
      %run_scoped3A = tpu.sem_alloc : memref<!tpu.dma_semaphore, #tpu.memory_space<semaphore_mem>>
      %dma_start3A_272 = tpu.memref_slice %arg8[%multiple_of3A_201] : memref<10000xi32, #tpu.memory_space<vmem>> -> memref<40xi32, #tpu.memory_space<vmem>>
      %dma_start3A_273 = arith.constant 0 : i32
      %dma_start3A_274 = arith.constant 0 : i32
      %dma_start3A_275 = tpu.memref_slice %arg6[%dma_start3A_273, %dma_start3A_274] : memref<10000x128xf32, #tpu.memory_space<vmem_shared>> -> memref<10000x128xf32, #tpu.memory_space<vmem_shared>>
      tpu.enqueue_indirect_dma source(%arg14 : memref<40x128xf32, #tpu.memory_space<vmem>>) target(%dma_start3A_275 : memref<10000x128xf32, #tpu.memory_space<vmem_shared>>) offsets(%dma_start3A_272 : memref<40xi32, #tpu.memory_space<vmem>>) semaphore(%run_scoped3A : memref<!tpu.dma_semaphore, #tpu.memory_space<semaphore_mem>>) {add = true}
      %dma_wait3A_276 = tpu.memref_slice %arg8[%multiple_of3A_201] : memref<10000xi32, #tpu.memory_space<vmem>> -> memref<40xi32, #tpu.memory_space<vmem>>
      %dma_wait3A_277 = arith.constant 0 : i32
      %dma_wait3A_278 = arith.constant 0 : i32
      %dma_wait3A_279 = tpu.memref_slice %arg6[%dma_wait3A_277, %dma_wait3A_278] : memref<10000x128xf32, #tpu.memory_space<vmem_shared>> -> memref<10000x128xf32, #tpu.memory_space<vmem_shared>>
      tpu.wait_indirect_dma semaphore(%run_scoped3A : memref<!tpu.dma_semaphore, #tpu.memory_space<semaphore_mem>>) src(%arg14 : memref<40x128xf32, #tpu.memory_space<vmem>>) dst(%dma_wait3A_279 : memref<10000x128xf32, #tpu.memory_space<vmem_shared>>)
      tpu.yield
    }) : () -> ()
    %dma_wait3A_202 = arith.constant 0 : i32
    %dma_wait3A_203 = arith.constant 0 : i32
    %dma_wait3A_204 = tpu.memref_slice %arg2[%arg0, %dma_wait3A_202, %dma_wait3A_203] : memref<2x10000x128xf32, #tpu.memory_space<hbm>> -> memref<1x10000x128xf32, #tpu.memory_space<hbm>>
    %dma_wait3A_205 = tpu.memref_squeeze %dma_wait3A_204 : memref<1x10000x128xf32, #tpu.memory_space<hbm>> -> memref<10000x128xf32, #tpu.memory_space<hbm>>
    %dma_wait3A_206 = arith.constant 0 : i32
    %dma_wait3A_207 = arith.constant 0 : i32
    %dma_wait3A_208 = tpu.memref_slice %dma_wait3A_205[%dma_wait3A_206, %dma_wait3A_207] : memref<10000x128xf32, #tpu.memory_space<hbm>> -> memref<40x128xf32, #tpu.memory_space<hbm>>
    %dma_wait3A_209 = arith.constant 0 : i32
    %dma_wait3A_210 = arith.constant 0 : i32
    %dma_wait3A_211 = tpu.memref_slice %arg2[%arg0, %dma_wait3A_209, %dma_wait3A_210] : memref<2x10000x128xf32, #tpu.memory_space<hbm>> -> memref<1x10000x128xf32, #tpu.memory_space<hbm>>
    %dma_wait3A_212 = tpu.memref_squeeze %dma_wait3A_211 : memref<1x10000x128xf32, #tpu.memory_space<hbm>> -> memref<10000x128xf32, #tpu.memory_space<hbm>>
    %dma_wait3A_213 = arith.constant 0 : i32
    %dma_wait3A_214 = arith.constant 0 : i32
    %dma_wait3A_215 = tpu.memref_slice %dma_wait3A_212[%dma_wait3A_213, %dma_wait3A_214] : memref<10000x128xf32, #tpu.memory_space<hbm>> -> memref<40x128xf32, #tpu.memory_space<hbm>>
    tpu.wait_dma2 semaphore(%arg15 : memref<!tpu.dma_semaphore, #tpu.memory_space<semaphore_mem>>) src(%dma_wait3A_215 : memref<40x128xf32, #tpu.memory_space<hbm>>) dst(%arg9 : memref<40x128xf32, #tpu.memory_space<vmem>>)
    %multiple_of3A_216 = arith.constant 9840 : i32
    %multiple_of3A_217 = tpu.assume_multiple %multiple_of3A_216, 8 : i32
    "tpu.region"() ({
      %run_scoped3A = tpu.sem_alloc : memref<!tpu.dma_semaphore, #tpu.memory_space<semaphore_mem>>
      %dma_start3A_272 = tpu.memref_slice %arg8[%multiple_of3A_217] : memref<10000xi32, #tpu.memory_space<vmem>> -> memref<40xi32, #tpu.memory_space<vmem>>
      %dma_start3A_273 = arith.constant 0 : i32
      %dma_start3A_274 = arith.constant 0 : i32
      %dma_start3A_275 = tpu.memref_slice %arg6[%dma_start3A_273, %dma_start3A_274] : memref<10000x128xf32, #tpu.memory_space<vmem_shared>> -> memref<10000x128xf32, #tpu.memory_space<vmem_shared>>
      tpu.enqueue_indirect_dma source(%arg9 : memref<40x128xf32, #tpu.memory_space<vmem>>) target(%dma_start3A_275 : memref<10000x128xf32, #tpu.memory_space<vmem_shared>>) offsets(%dma_start3A_272 : memref<40xi32, #tpu.memory_space<vmem>>) semaphore(%run_scoped3A : memref<!tpu.dma_semaphore, #tpu.memory_space<semaphore_mem>>) {add = true}
      %dma_wait3A_276 = tpu.memref_slice %arg8[%multiple_of3A_217] : memref<10000xi32, #tpu.memory_space<vmem>> -> memref<40xi32, #tpu.memory_space<vmem>>
      %dma_wait3A_277 = arith.constant 0 : i32
      %dma_wait3A_278 = arith.constant 0 : i32
      %dma_wait3A_279 = tpu.memref_slice %arg6[%dma_wait3A_277, %dma_wait3A_278] : memref<10000x128xf32, #tpu.memory_space<vmem_shared>> -> memref<10000x128xf32, #tpu.memory_space<vmem_shared>>
      tpu.wait_indirect_dma semaphore(%run_scoped3A : memref<!tpu.dma_semaphore, #tpu.memory_space<semaphore_mem>>) src(%arg9 : memref<40x128xf32, #tpu.memory_space<vmem>>) dst(%dma_wait3A_279 : memref<10000x128xf32, #tpu.memory_space<vmem_shared>>)
      tpu.yield
    }) : () -> ()
    %dma_wait3A_218 = arith.constant 0 : i32
    %dma_wait3A_219 = arith.constant 0 : i32
    %dma_wait3A_220 = tpu.memref_slice %arg2[%arg0, %dma_wait3A_218, %dma_wait3A_219] : memref<2x10000x128xf32, #tpu.memory_space<hbm>> -> memref<1x10000x128xf32, #tpu.memory_space<hbm>>
    %dma_wait3A_221 = tpu.memref_squeeze %dma_wait3A_220 : memref<1x10000x128xf32, #tpu.memory_space<hbm>> -> memref<10000x128xf32, #tpu.memory_space<hbm>>
    %dma_wait3A_222 = arith.constant 0 : i32
    %dma_wait3A_223 = arith.constant 0 : i32
    %dma_wait3A_224 = tpu.memref_slice %dma_wait3A_221[%dma_wait3A_222, %dma_wait3A_223] : memref<10000x128xf32, #tpu.memory_space<hbm>> -> memref<40x128xf32, #tpu.memory_space<hbm>>
    %dma_wait3A_225 = arith.constant 0 : i32
    %dma_wait3A_226 = arith.constant 0 : i32
    %dma_wait3A_227 = tpu.memref_slice %arg2[%arg0, %dma_wait3A_225, %dma_wait3A_226] : memref<2x10000x128xf32, #tpu.memory_space<hbm>> -> memref<1x10000x128xf32, #tpu.memory_space<hbm>>
    %dma_wait3A_228 = tpu.memref_squeeze %dma_wait3A_227 : memref<1x10000x128xf32, #tpu.memory_space<hbm>> -> memref<10000x128xf32, #tpu.memory_space<hbm>>
    %dma_wait3A_229 = arith.constant 0 : i32
    %dma_wait3A_230 = arith.constant 0 : i32
    %dma_wait3A_231 = tpu.memref_slice %dma_wait3A_228[%dma_wait3A_229, %dma_wait3A_230] : memref<10000x128xf32, #tpu.memory_space<hbm>> -> memref<40x128xf32, #tpu.memory_space<hbm>>
    tpu.wait_dma2 semaphore(%arg15 : memref<!tpu.dma_semaphore, #tpu.memory_space<semaphore_mem>>) src(%dma_wait3A_231 : memref<40x128xf32, #tpu.memory_space<hbm>>) dst(%arg10 : memref<40x128xf32, #tpu.memory_space<vmem>>)
    %multiple_of3A_232 = arith.constant 9880 : i32
    %multiple_of3A_233 = tpu.assume_multiple %multiple_of3A_232, 8 : i32
    "tpu.region"() ({
      %run_scoped3A = tpu.sem_alloc : memref<!tpu.dma_semaphore, #tpu.memory_space<semaphore_mem>>
      %dma_start3A_272 = tpu.memref_slice %arg8[%multiple_of3A_233] : memref<10000xi32, #tpu.memory_space<vmem>> -> memref<40xi32, #tpu.memory_space<vmem>>
      %dma_start3A_273 = arith.constant 0 : i32
      %dma_start3A_274 = arith.constant 0 : i32
      %dma_start3A_275 = tpu.memref_slice %arg6[%dma_start3A_273, %dma_start3A_274] : memref<10000x128xf32, #tpu.memory_space<vmem_shared>> -> memref<10000x128xf32, #tpu.memory_space<vmem_shared>>
      tpu.enqueue_indirect_dma source(%arg10 : memref<40x128xf32, #tpu.memory_space<vmem>>) target(%dma_start3A_275 : memref<10000x128xf32, #tpu.memory_space<vmem_shared>>) offsets(%dma_start3A_272 : memref<40xi32, #tpu.memory_space<vmem>>) semaphore(%run_scoped3A : memref<!tpu.dma_semaphore, #tpu.memory_space<semaphore_mem>>) {add = true}
      %dma_wait3A_276 = tpu.memref_slice %arg8[%multiple_of3A_233] : memref<10000xi32, #tpu.memory_space<vmem>> -> memref<40xi32, #tpu.memory_space<vmem>>
      %dma_wait3A_277 = arith.constant 0 : i32
      %dma_wait3A_278 = arith.constant 0 : i32
      %dma_wait3A_279 = tpu.memref_slice %arg6[%dma_wait3A_277, %dma_wait3A_278] : memref<10000x128xf32, #tpu.memory_space<vmem_shared>> -> memref<10000x128xf32, #tpu.memory_space<vmem_shared>>
      tpu.wait_indirect_dma semaphore(%run_scoped3A : memref<!tpu.dma_semaphore, #tpu.memory_space<semaphore_mem>>) src(%arg10 : memref<40x128xf32, #tpu.memory_space<vmem>>) dst(%dma_wait3A_279 : memref<10000x128xf32, #tpu.memory_space<vmem_shared>>)
      tpu.yield
    }) : () -> ()
    %dma_wait3A_234 = arith.constant 0 : i32
    %dma_wait3A_235 = arith.constant 0 : i32
    %dma_wait3A_236 = tpu.memref_slice %arg2[%arg0, %dma_wait3A_234, %dma_wait3A_235] : memref<2x10000x128xf32, #tpu.memory_space<hbm>> -> memref<1x10000x128xf32, #tpu.memory_space<hbm>>
    %dma_wait3A_237 = tpu.memref_squeeze %dma_wait3A_236 : memref<1x10000x128xf32, #tpu.memory_space<hbm>> -> memref<10000x128xf32, #tpu.memory_space<hbm>>
    %dma_wait3A_238 = arith.constant 0 : i32
    %dma_wait3A_239 = arith.constant 0 : i32
    %dma_wait3A_240 = tpu.memref_slice %dma_wait3A_237[%dma_wait3A_238, %dma_wait3A_239] : memref<10000x128xf32, #tpu.memory_space<hbm>> -> memref<40x128xf32, #tpu.memory_space<hbm>>
    %dma_wait3A_241 = arith.constant 0 : i32
    %dma_wait3A_242 = arith.constant 0 : i32
    %dma_wait3A_243 = tpu.memref_slice %arg2[%arg0, %dma_wait3A_241, %dma_wait3A_242] : memref<2x10000x128xf32, #tpu.memory_space<hbm>> -> memref<1x10000x128xf32, #tpu.memory_space<hbm>>
    %dma_wait3A_244 = tpu.memref_squeeze %dma_wait3A_243 : memref<1x10000x128xf32, #tpu.memory_space<hbm>> -> memref<10000x128xf32, #tpu.memory_space<hbm>>
    %dma_wait3A_245 = arith.constant 0 : i32
    %dma_wait3A_246 = arith.constant 0 : i32
    %dma_wait3A_247 = tpu.memref_slice %dma_wait3A_244[%dma_wait3A_245, %dma_wait3A_246] : memref<10000x128xf32, #tpu.memory_space<hbm>> -> memref<40x128xf32, #tpu.memory_space<hbm>>
    tpu.wait_dma2 semaphore(%arg15 : memref<!tpu.dma_semaphore, #tpu.memory_space<semaphore_mem>>) src(%dma_wait3A_247 : memref<40x128xf32, #tpu.memory_space<hbm>>) dst(%arg11 : memref<40x128xf32, #tpu.memory_space<vmem>>)
    %multiple_of3A_248 = arith.constant 9920 : i32
    %multiple_of3A_249 = tpu.assume_multiple %multiple_of3A_248, 8 : i32
    "tpu.region"() ({
      %run_scoped3A = tpu.sem_alloc : memref<!tpu.dma_semaphore, #tpu.memory_space<semaphore_mem>>
      %dma_start3A_272 = tpu.memref_slice %arg8[%multiple_of3A_249] : memref<10000xi32, #tpu.memory_space<vmem>> -> memref<40xi32, #tpu.memory_space<vmem>>
      %dma_start3A_273 = arith.constant 0 : i32
      %dma_start3A_274 = arith.constant 0 : i32
      %dma_start3A_275 = tpu.memref_slice %arg6[%dma_start3A_273, %dma_start3A_274] : memref<10000x128xf32, #tpu.memory_space<vmem_shared>> -> memref<10000x128xf32, #tpu.memory_space<vmem_shared>>
      tpu.enqueue_indirect_dma source(%arg11 : memref<40x128xf32, #tpu.memory_space<vmem>>) target(%dma_start3A_275 : memref<10000x128xf32, #tpu.memory_space<vmem_shared>>) offsets(%dma_start3A_272 : memref<40xi32, #tpu.memory_space<vmem>>) semaphore(%run_scoped3A : memref<!tpu.dma_semaphore, #tpu.memory_space<semaphore_mem>>) {add = true}
      %dma_wait3A_276 = tpu.memref_slice %arg8[%multiple_of3A_249] : memref<10000xi32, #tpu.memory_space<vmem>> -> memref<40xi32, #tpu.memory_space<vmem>>
      %dma_wait3A_277 = arith.constant 0 : i32
      %dma_wait3A_278 = arith.constant 0 : i32
      %dma_wait3A_279 = tpu.memref_slice %arg6[%dma_wait3A_277, %dma_wait3A_278] : memref<10000x128xf32, #tpu.memory_space<vmem_shared>> -> memref<10000x128xf32, #tpu.memory_space<vmem_shared>>
      tpu.wait_indirect_dma semaphore(%run_scoped3A : memref<!tpu.dma_semaphore, #tpu.memory_space<semaphore_mem>>) src(%arg11 : memref<40x128xf32, #tpu.memory_space<vmem>>) dst(%dma_wait3A_279 : memref<10000x128xf32, #tpu.memory_space<vmem_shared>>)
      tpu.yield
    }) : () -> ()
    %dma_wait3A_250 = arith.constant 0 : i32
    %dma_wait3A_251 = arith.constant 0 : i32
    %dma_wait3A_252 = tpu.memref_slice %arg2[%arg0, %dma_wait3A_250, %dma_wait3A_251] : memref<2x10000x128xf32, #tpu.memory_space<hbm>> -> memref<1x10000x128xf32, #tpu.memory_space<hbm>>
    %dma_wait3A_253 = tpu.memref_squeeze %dma_wait3A_252 : memref<1x10000x128xf32, #tpu.memory_space<hbm>> -> memref<10000x128xf32, #tpu.memory_space<hbm>>
    %dma_wait3A_254 = arith.constant 0 : i32
    %dma_wait3A_255 = arith.constant 0 : i32
    %dma_wait3A_256 = tpu.memref_slice %dma_wait3A_253[%dma_wait3A_254, %dma_wait3A_255] : memref<10000x128xf32, #tpu.memory_space<hbm>> -> memref<40x128xf32, #tpu.memory_space<hbm>>
    %dma_wait3A_257 = arith.constant 0 : i32
    %dma_wait3A_258 = arith.constant 0 : i32
    %dma_wait3A_259 = tpu.memref_slice %arg2[%arg0, %dma_wait3A_257, %dma_wait3A_258] : memref<2x10000x128xf32, #tpu.memory_space<hbm>> -> memref<1x10000x128xf32, #tpu.memory_space<hbm>>
    %dma_wait3A_260 = tpu.memref_squeeze %dma_wait3A_259 : memref<1x10000x128xf32, #tpu.memory_space<hbm>> -> memref<10000x128xf32, #tpu.memory_space<hbm>>
    %dma_wait3A_261 = arith.constant 0 : i32
    %dma_wait3A_262 = arith.constant 0 : i32
    %dma_wait3A_263 = tpu.memref_slice %dma_wait3A_260[%dma_wait3A_261, %dma_wait3A_262] : memref<10000x128xf32, #tpu.memory_space<hbm>> -> memref<40x128xf32, #tpu.memory_space<hbm>>
    tpu.wait_dma2 semaphore(%arg15 : memref<!tpu.dma_semaphore, #tpu.memory_space<semaphore_mem>>) src(%dma_wait3A_263 : memref<40x128xf32, #tpu.memory_space<hbm>>) dst(%arg12 : memref<40x128xf32, #tpu.memory_space<vmem>>)
    %multiple_of3A_264 = arith.constant 9960 : i32
    %multiple_of3A_265 = tpu.assume_multiple %multiple_of3A_264, 8 : i32
    "tpu.region"() ({
      %run_scoped3A = tpu.sem_alloc : memref<!tpu.dma_semaphore, #tpu.memory_space<semaphore_mem>>
      %dma_start3A_272 = tpu.memref_slice %arg8[%multiple_of3A_265] : memref<10000xi32, #tpu.memory_space<vmem>> -> memref<40xi32, #tpu.memory_space<vmem>>
      %dma_start3A_273 = arith.constant 0 : i32
      %dma_start3A_274 = arith.constant 0 : i32
      %dma_start3A_275 = tpu.memref_slice %arg6[%dma_start3A_273, %dma_start3A_274] : memref<10000x128xf32, #tpu.memory_space<vmem_shared>> -> memref<10000x128xf32, #tpu.memory_space<vmem_shared>>
      tpu.enqueue_indirect_dma source(%arg12 : memref<40x128xf32, #tpu.memory_space<vmem>>) target(%dma_start3A_275 : memref<10000x128xf32, #tpu.memory_space<vmem_shared>>) offsets(%dma_start3A_272 : memref<40xi32, #tpu.memory_space<vmem>>) semaphore(%run_scoped3A : memref<!tpu.dma_semaphore, #tpu.memory_space<semaphore_mem>>) {add = true}
      %dma_wait3A_276 = tpu.memref_slice %arg8[%multiple_of3A_265] : memref<10000xi32, #tpu.memory_space<vmem>> -> memref<40xi32, #tpu.memory_space<vmem>>
      %dma_wait3A_277 = arith.constant 0 : i32
      %dma_wait3A_278 = arith.constant 0 : i32
      %dma_wait3A_279 = tpu.memref_slice %arg6[%dma_wait3A_277, %dma_wait3A_278] : memref<10000x128xf32, #tpu.memory_space<vmem_shared>> -> memref<10000x128xf32, #tpu.memory_space<vmem_shared>>
      tpu.wait_indirect_dma semaphore(%run_scoped3A : memref<!tpu.dma_semaphore, #tpu.memory_space<semaphore_mem>>) src(%arg12 : memref<40x128xf32, #tpu.memory_space<vmem>>) dst(%dma_wait3A_279 : memref<10000x128xf32, #tpu.memory_space<vmem_shared>>)
      tpu.yield
    }) : () -> ()
    %barrier3A_266 = arith.constant 0 : index
    tpu.barrier barrier_id(%barrier3A_266)
    %eq3A_267 = arith.constant 0 : i32
    %eq3A_268 = arith.cmpi eq, %arg1, %eq3A_267 : i32
    %convert_element_type3A_269 = arith.extui %eq3A_268 : i1 to i32
    %cond3A_270 = arith.constant 0 : i32
    %cond3A_271 = arith.cmpi ne, %convert_element_type3A_269, %cond3A_270 : i32
    scf.if %cond3A_271 {
      "tpu.region"() ({
        %run_scoped3A = tpu.sem_alloc : memref<!tpu.dma_semaphore, #tpu.memory_space<semaphore_mem>>
        %dma_start3A_272 = arith.constant 0 : i32
        %dma_start3A_273 = arith.constant 0 : i32
        %dma_start3A_274 = tpu.memref_slice %arg5[%arg0, %dma_start3A_272, %dma_start3A_273] : memref<2x10000x128xf32, #tpu.memory_space<hbm>> -> memref<1x10000x128xf32, #tpu.memory_space<hbm>>
        %dma_start3A_275 = tpu.memref_squeeze %dma_start3A_274 : memref<1x10000x128xf32, #tpu.memory_space<hbm>> -> memref<10000x128xf32, #tpu.memory_space<hbm>>
        tpu.enqueue_dma source(%arg6 : memref<10000x128xf32, #tpu.memory_space<vmem_shared>>) target(%dma_start3A_275 : memref<10000x128xf32, #tpu.memory_space<hbm>>) target_semaphore(%run_scoped3A : memref<!tpu.dma_semaphore, #tpu.memory_space<semaphore_mem>>)
        %dma_wait3A_276 = arith.constant 0 : i32
        %dma_wait3A_277 = arith.constant 0 : i32
        %dma_wait3A_278 = tpu.memref_slice %arg5[%arg0, %dma_wait3A_276, %dma_wait3A_277] : memref<2x10000x128xf32, #tpu.memory_space<hbm>> -> memref<1x10000x128xf32, #tpu.memory_space<hbm>>
        %dma_wait3A_279 = tpu.memref_squeeze %dma_wait3A_278 : memref<1x10000x128xf32, #tpu.memory_space<hbm>> -> memref<10000x128xf32, #tpu.memory_space<hbm>>
        tpu.wait_dma2 semaphore(%run_scoped3A : memref<!tpu.dma_semaphore, #tpu.memory_space<semaphore_mem>>) src(%arg6 : memref<10000x128xf32, #tpu.memory_space<vmem_shared>>) dst(%dma_wait3A_279 : memref<10000x128xf32, #tpu.memory_space<hbm>>)
        tpu.yield
      }) : () -> ()
    } else {
    }
    return
  }
}

#map = affine_map<(d0, d1) -> (0)>
#map1 = affine_map<(d0, d1) -> (0, 0)>
module attributes {stable_mosaic.version = 14 : i64} {
  func.func @_deg_body(%arg0: i32, %arg1: i32, %arg2: memref<160000xi32, #tpu.memory_space<hbm>>, %arg3: memref<32x10000xf32, #tpu.memory_space<hbm>>, %arg4: memref<10000xf32, #tpu.memory_space<vmem>>, %arg5: memref<5016xi32, #tpu.memory_space<vmem>>) attributes {dimension_semantics = [#tpu.dimension_semantics<core_parallel>, #tpu.dimension_semantics<subcore_parallel>], iteration_bounds = array<i64: 2, 16>, scalar_prefetch = 0 : i64, scratch_operands = 2 : i64, tpu.core_type = #tpu.core_type<sc_vector_subcore>, window_params = [{transform_indices = #map}, {transform_indices = #map1}]} {
    %mul3A = arith.constant 16 : i32
    %mul3A_0 = arith.muli %arg0, %mul3A : i32
    %add3A = arith.addi %mul3A_0, %arg1 : i32
    %scan3A = arith.constant 0 : i32
    %scan3A_1 = arith.constant 0 : i32
    %scan3A_2 = arith.constant 625 : i32
    %scan3A_3 = arith.addi %scan3A_1, %scan3A_2 : i32
    %scan3A_4 = arith.constant 1 : i32
    scf.for %scan3A_18 = %scan3A_1 to %scan3A_3 step %scan3A_4  : i32 {
      %broadcast_in_dim3A_19 = arith.constant 0.000000e+00 : f32
      %broadcast_in_dim3A_20 = vector.broadcast %broadcast_in_dim3A_19 : f32 to vector<16xf32>
      %mul3A_21 = arith.constant 16 : i32
      %mul3A_22 = arith.muli %scan3A_18, %mul3A_21 : i32
      %swap3A = arith.index_cast %mul3A_22 : i32 to index
      %swap3A_23 = tpu.vector_load %arg4[%swap3A] {strides = array<i32>} : memref<10000xf32, #tpu.memory_space<vmem>>, vector<16xf32>,
      tpu.vector_store %arg4[%swap3A], %broadcast_in_dim3A_20 {strides = array<i32>} : memref<10000xf32, #tpu.memory_space<vmem>>, vector<16xf32>,
    }
    %scan3A_5 = arith.constant 625 : i32
    %mul3A_6 = arith.constant 5000 : i32
    %mul3A_7 = arith.muli %add3A, %mul3A_6 : i32
    "tpu.region"() ({
      %run_scoped3A = tpu.sem_alloc : memref<!tpu.dma_semaphore, #tpu.memory_space<semaphore_mem>>
      %dma_start3A = arith.constant 0 : i32
      %dma_start3A_18 = tpu.memref_slice %arg5[%dma_start3A] : memref<5016xi32, #tpu.memory_space<vmem>> -> memref<5000xi32, #tpu.memory_space<vmem>>
      %dma_start3A_19 = tpu.memref_slice %arg2[%mul3A_7] : memref<160000xi32, #tpu.memory_space<hbm>> -> memref<5000xi32, #tpu.memory_space<hbm>>
      %dma_start3A_20 = arith.constant 0 : i32
      %dma_start3A_21 = tpu.memref_slice %arg5[%dma_start3A_20] : memref<5016xi32, #tpu.memory_space<vmem>> -> memref<5000xi32, #tpu.memory_space<vmem>>
      %dma_start3A_22 = tpu.memref_slice %arg2[%mul3A_7] : memref<160000xi32, #tpu.memory_space<hbm>> -> memref<5000xi32, #tpu.memory_space<hbm>>
      tpu.enqueue_dma source(%dma_start3A_22 : memref<5000xi32, #tpu.memory_space<hbm>>) target(%dma_start3A_21 : memref<5000xi32, #tpu.memory_space<vmem>>) target_semaphore(%run_scoped3A : memref<!tpu.dma_semaphore, #tpu.memory_space<semaphore_mem>>)
      %dma_wait3A = arith.constant 0 : i32
      %dma_wait3A_23 = tpu.memref_slice %arg5[%dma_wait3A] : memref<5016xi32, #tpu.memory_space<vmem>> -> memref<5000xi32, #tpu.memory_space<vmem>>
      %dma_wait3A_24 = tpu.memref_slice %arg2[%mul3A_7] : memref<160000xi32, #tpu.memory_space<hbm>> -> memref<5000xi32, #tpu.memory_space<hbm>>
      %dma_wait3A_25 = arith.constant 0 : i32
      %dma_wait3A_26 = tpu.memref_slice %arg5[%dma_wait3A_25] : memref<5016xi32, #tpu.memory_space<vmem>> -> memref<5000xi32, #tpu.memory_space<vmem>>
      %dma_wait3A_27 = tpu.memref_slice %arg2[%mul3A_7] : memref<160000xi32, #tpu.memory_space<hbm>> -> memref<5000xi32, #tpu.memory_space<hbm>>
      tpu.wait_dma2 semaphore(%run_scoped3A : memref<!tpu.dma_semaphore, #tpu.memory_space<semaphore_mem>>) src(%dma_wait3A_27 : memref<5000xi32, #tpu.memory_space<hbm>>) dst(%dma_wait3A_26 : memref<5000xi32, #tpu.memory_space<vmem>>)
      tpu.yield
    }) : () -> ()
    %broadcast_in_dim3A = arith.constant 1.000000e+00 : f32
    %broadcast_in_dim3A_8 = vector.broadcast %broadcast_in_dim3A : f32 to vector<16xf32>
    %scan3A_9 = arith.constant 0 : i32
    %scan3A_10 = arith.constant 0 : i32
    %scan3A_11 = arith.constant 312 : i32
    %scan3A_12 = arith.addi %scan3A_10, %scan3A_11 : i32
    %scan3A_13 = arith.constant 1 : i32
    scf.for %scan3A_18 = %scan3A_10 to %scan3A_12 step %scan3A_13  : i32 {
      %mul3A_19 = arith.constant 16 : i32
      %mul3A_20 = arith.muli %scan3A_18, %mul3A_19 : i32
      %get3A_21 = arith.index_cast %mul3A_20 : i32 to index
      %get3A_22 = tpu.vector_load %arg5[%get3A_21] {strides = array<i32>} : memref<5016xi32, #tpu.memory_space<vmem>>, vector<16xi32>,
      tpu.vector_store_idx %arg4[%get3A_22], %broadcast_in_dim3A_8 {add = true} : memref<10000xf32, #tpu.memory_space<vmem>>[vector<16xi32>], vector<16xf32>,
    }
    %scan3A_14 = arith.constant 312 : i32
    %get3A = arith.constant 4992 : index
    %get3A_15 = tpu.vector_load %arg5[%get3A] {strides = array<i32>} : memref<5016xi32, #tpu.memory_space<vmem>>, vector<16xi32>,
    %iota3A = tpu.iota {dimensions = array<i32: 0>} : vector<16xi32>
    %lt3A = arith.constant 8 : i32
    %lt3A_16 = vector.broadcast %lt3A : i32 to vector<16xi32>
    %lt3A_17 = arith.cmpi slt, %iota3A, %lt3A_16 : vector<16xi32>
    tpu.vector_store_idx %arg4[%get3A_15], %broadcast_in_dim3A_8 masked %lt3A_17 {add = true} : memref<10000xf32, #tpu.memory_space<vmem>>[vector<16xi32>], vector<16xf32>, vector<16xi1>
    "tpu.region"() ({
      %run_scoped3A = tpu.sem_alloc : memref<!tpu.dma_semaphore, #tpu.memory_space<semaphore_mem>>
      %dma_start3A = arith.constant 0 : i32
      %dma_start3A_18 = tpu.memref_slice %arg3[%add3A, %dma_start3A] : memref<32x10000xf32, #tpu.memory_space<hbm>> -> memref<1x10000xf32, #tpu.memory_space<hbm>>
      %dma_start3A_19 = tpu.memref_squeeze %dma_start3A_18 : memref<1x10000xf32, #tpu.memory_space<hbm>> -> memref<10000xf32, #tpu.memory_space<hbm>>
      %dma_start3A_20 = arith.constant 0 : i32
      %dma_start3A_21 = tpu.memref_slice %arg3[%add3A, %dma_start3A_20] : memref<32x10000xf32, #tpu.memory_space<hbm>> -> memref<1x10000xf32, #tpu.memory_space<hbm>>
      %dma_start3A_22 = tpu.memref_squeeze %dma_start3A_21 : memref<1x10000xf32, #tpu.memory_space<hbm>> -> memref<10000xf32, #tpu.memory_space<hbm>>
      tpu.enqueue_dma source(%arg4 : memref<10000xf32, #tpu.memory_space<vmem>>) target(%dma_start3A_22 : memref<10000xf32, #tpu.memory_space<hbm>>) target_semaphore(%run_scoped3A : memref<!tpu.dma_semaphore, #tpu.memory_space<semaphore_mem>>)
      %dma_wait3A = arith.constant 0 : i32
      %dma_wait3A_23 = tpu.memref_slice %arg3[%add3A, %dma_wait3A] : memref<32x10000xf32, #tpu.memory_space<hbm>> -> memref<1x10000xf32, #tpu.memory_space<hbm>>
      %dma_wait3A_24 = tpu.memref_squeeze %dma_wait3A_23 : memref<1x10000xf32, #tpu.memory_space<hbm>> -> memref<10000xf32, #tpu.memory_space<hbm>>
      %dma_wait3A_25 = arith.constant 0 : i32
      %dma_wait3A_26 = tpu.memref_slice %arg3[%add3A, %dma_wait3A_25] : memref<32x10000xf32, #tpu.memory_space<hbm>> -> memref<1x10000xf32, #tpu.memory_space<hbm>>
      %dma_wait3A_27 = tpu.memref_squeeze %dma_wait3A_26 : memref<1x10000xf32, #tpu.memory_space<hbm>> -> memref<10000xf32, #tpu.memory_space<hbm>>
      tpu.wait_dma2 semaphore(%run_scoped3A : memref<!tpu.dma_semaphore, #tpu.memory_space<semaphore_mem>>) src(%arg4 : memref<10000xf32, #tpu.memory_space<vmem>>) dst(%dma_wait3A_27 : memref<10000xf32, #tpu.memory_space<hbm>>)
      tpu.yield
    }) : () -> ()
    return
  }
}

#map = affine_map<(d0, d1) -> (0, 0, 0)>
#map1 = affine_map<(d0, d1) -> (0)>
module attributes {stable_mosaic.version = 14 : i64} {
  func.func @_seg_body(%arg0: i32, %arg1: i32, %arg2: memref<2x10000x128xf32, #tpu.memory_space<hbm>>, %arg3: memref<160000xi32, #tpu.memory_space<hbm>>, %arg4: memref<160000xi32, #tpu.memory_space<hbm>>, %arg5: memref<2x10000x128xf32, #tpu.memory_space<hbm>>, %arg6: memref<10000x128xf32, #tpu.memory_space<vmem_shared>>, %arg7: memref<10000xi32, #tpu.memory_space<vmem>>, %arg8: memref<10000xi32, #tpu.memory_space<vmem>>, %arg9: memref<40x128xf32, #tpu.memory_space<vmem>>, %arg10: memref<40x128xf32, #tpu.memory_space<vmem>>, %arg11: memref<40x128xf32, #tpu.memory_space<vmem>>, %arg12: memref<40x128xf32, #tpu.memory_space<vmem>>, %arg13: memref<40x128xf32, #tpu.memory_space<vmem>>, %arg14: memref<40x128xf32, #tpu.memory_space<vmem>>, %arg15: memref<!tpu.dma_semaphore, #tpu.memory_space<semaphore_mem>>) attributes {dimension_semantics = [#tpu.dimension_semantics<core_parallel>, #tpu.dimension_semantics<subcore_parallel>], iteration_bounds = array<i64: 2, 16>, scalar_prefetch = 0 : i64, scratch_operands = 10 : i64, tpu.core_type = #tpu.core_type<sc_vector_subcore>, window_params = [{transform_indices = #map}, {transform_indices = #map1}, {transform_indices = #map1}, {transform_indices = #map}]} {
    %eq3A = arith.constant 0 : i32
    %eq3A_0 = arith.cmpi eq, %arg1, %eq3A : i32
    %convert_element_type3A = arith.extui %eq3A_0 : i1 to i32
    %cond3A = arith.constant 0 : i32
    %cond3A_1 = arith.cmpi ne, %convert_element_type3A, %cond3A : i32
    scf.if %cond3A_1 {
      "tpu.region"() ({
        %run_scoped3A = tpu.sem_alloc : memref<!tpu.dma_semaphore, #tpu.memory_space<semaphore_mem>>
        %dma_start3A_272 = arith.constant 0 : i32
        %dma_start3A_273 = arith.constant 0 : i32
        %dma_start3A_274 = tpu.memref_slice %arg2[%arg0, %dma_start3A_272, %dma_start3A_273] : memref<2x10000x128xf32, #tpu.memory_space<hbm>> -> memref<1x10000x128xf32, #tpu.memory_space<hbm>>
        %dma_start3A_275 = tpu.memref_squeeze %dma_start3A_274 : memref<1x10000x128xf32, #tpu.memory_space<hbm>> -> memref<10000x128xf32, #tpu.memory_space<hbm>>
        tpu.enqueue_dma source(%dma_start3A_275 : memref<10000x128xf32, #tpu.memory_space<hbm>>) target(%arg6 : memref<10000x128xf32, #tpu.memory_space<vmem_shared>>) target_semaphore(%run_scoped3A : memref<!tpu.dma_semaphore, #tpu.memory_space<semaphore_mem>>)
        %dma_wait3A_276 = arith.constant 0 : i32
        %dma_wait3A_277 = arith.constant 0 : i32
        %dma_wait3A_278 = tpu.memref_slice %arg2[%arg0, %dma_wait3A_276, %dma_wait3A_277] : memref<2x10000x128xf32, #tpu.memory_space<hbm>> -> memref<1x10000x128xf32, #tpu.memory_space<hbm>>
        %dma_wait3A_279 = tpu.memref_squeeze %dma_wait3A_278 : memref<1x10000x128xf32, #tpu.memory_space<hbm>> -> memref<10000x128xf32, #tpu.memory_space<hbm>>
        tpu.wait_dma2 semaphore(%run_scoped3A : memref<!tpu.dma_semaphore, #tpu.memory_space<semaphore_mem>>) src(%dma_wait3A_279 : memref<10000x128xf32, #tpu.memory_space<hbm>>) dst(%arg6 : memref<10000x128xf32, #tpu.memory_space<vmem_shared>>)
        tpu.yield
      }) : () -> ()
    } else {
    }
    %mul3A = arith.constant 10000 : i32
    %mul3A_2 = arith.muli %arg1, %mul3A : i32
    %multiple_of3A = tpu.assume_multiple %mul3A_2, 8 : i32
    "tpu.region"() ({
      %run_scoped3A = tpu.sem_alloc : memref<!tpu.dma_semaphore, #tpu.memory_space<semaphore_mem>>
      %dma_start3A_272 = tpu.memref_slice %arg3[%multiple_of3A] : memref<160000xi32, #tpu.memory_space<hbm>> -> memref<10000xi32, #tpu.memory_space<hbm>>
      %dma_start3A_273 = tpu.memref_slice %arg3[%multiple_of3A] : memref<160000xi32, #tpu.memory_space<hbm>> -> memref<10000xi32, #tpu.memory_space<hbm>>
      tpu.enqueue_dma source(%dma_start3A_273 : memref<10000xi32, #tpu.memory_space<hbm>>) target(%arg7 : memref<10000xi32, #tpu.memory_space<vmem>>) target_semaphore(%run_scoped3A : memref<!tpu.dma_semaphore, #tpu.memory_space<semaphore_mem>>)
      %dma_wait3A_274 = tpu.memref_slice %arg3[%multiple_of3A] : memref<160000xi32, #tpu.memory_space<hbm>> -> memref<10000xi32, #tpu.memory_space<hbm>>
      %dma_wait3A_275 = tpu.memref_slice %arg3[%multiple_of3A] : memref<160000xi32, #tpu.memory_space<hbm>> -> memref<10000xi32, #tpu.memory_space<hbm>>
      tpu.wait_dma2 semaphore(%run_scoped3A : memref<!tpu.dma_semaphore, #tpu.memory_space<semaphore_mem>>) src(%dma_wait3A_275 : memref<10000xi32, #tpu.memory_space<hbm>>) dst(%arg7 : memref<10000xi32, #tpu.memory_space<vmem>>)
      tpu.yield
    }) : () -> ()
    "tpu.region"() ({
      %run_scoped3A = tpu.sem_alloc : memref<!tpu.dma_semaphore, #tpu.memory_space<semaphore_mem>>
      %dma_start3A_272 = tpu.memref_slice %arg4[%multiple_of3A] : memref<160000xi32, #tpu.memory_space<hbm>> -> memref<10000xi32, #tpu.memory_space<hbm>>
      %dma_start3A_273 = tpu.memref_slice %arg4[%multiple_of3A] : memref<160000xi32, #tpu.memory_space<hbm>> -> memref<10000xi32, #tpu.memory_space<hbm>>
      tpu.enqueue_dma source(%dma_start3A_273 : memref<10000xi32, #tpu.memory_space<hbm>>) target(%arg8 : memref<10000xi32, #tpu.memory_space<vmem>>) target_semaphore(%run_scoped3A : memref<!tpu.dma_semaphore, #tpu.memory_space<semaphore_mem>>)
      %dma_wait3A_274 = tpu.memref_slice %arg4[%multiple_of3A] : memref<160000xi32, #tpu.memory_space<hbm>> -> memref<10000xi32, #tpu.memory_space<hbm>>
      %dma_wait3A_275 = tpu.memref_slice %arg4[%multiple_of3A] : memref<160000xi32, #tpu.memory_space<hbm>> -> memref<10000xi32, #tpu.memory_space<hbm>>
      tpu.wait_dma2 semaphore(%run_scoped3A : memref<!tpu.dma_semaphore, #tpu.memory_space<semaphore_mem>>) src(%dma_wait3A_275 : memref<10000xi32, #tpu.memory_space<hbm>>) dst(%arg8 : memref<10000xi32, #tpu.memory_space<vmem>>)
      tpu.yield
    }) : () -> ()
    %barrier3A = arith.constant 0 : index
    tpu.barrier barrier_id(%barrier3A)
    %multiple_of3A_3 = arith.constant 0 : i32
    %multiple_of3A_4 = tpu.assume_multiple %multiple_of3A_3, 8 : i32
    %dma_start3A = tpu.memref_slice %arg7[%multiple_of3A_4] : memref<10000xi32, #tpu.memory_space<vmem>> -> memref<40xi32, #tpu.memory_space<vmem>>
    %dma_start3A_5 = arith.constant 0 : i32
    %dma_start3A_6 = arith.constant 0 : i32
    %dma_start3A_7 = tpu.memref_slice %arg2[%arg0, %dma_start3A_5, %dma_start3A_6] : memref<2x10000x128xf32, #tpu.memory_space<hbm>> -> memref<1x10000x128xf32, #tpu.memory_space<hbm>>
    %dma_start3A_8 = tpu.memref_squeeze %dma_start3A_7 : memref<1x10000x128xf32, #tpu.memory_space<hbm>> -> memref<10000x128xf32, #tpu.memory_space<hbm>>
    %dma_start3A_9 = arith.constant 0 : i32
    %dma_start3A_10 = arith.constant 0 : i32
    %dma_start3A_11 = tpu.memref_slice %dma_start3A_8[%dma_start3A_9, %dma_start3A_10] : memref<10000x128xf32, #tpu.memory_space<hbm>> -> memref<10000x128xf32, #tpu.memory_space<hbm>>
    tpu.enqueue_indirect_dma source(%dma_start3A_11 : memref<10000x128xf32, #tpu.memory_space<hbm>>) target(%arg9 : memref<40x128xf32, #tpu.memory_space<vmem>>) offsets(%dma_start3A : memref<40xi32, #tpu.memory_space<vmem>>) semaphore(%arg15 : memref<!tpu.dma_semaphore, #tpu.memory_space<semaphore_mem>>)
    %multiple_of3A_12 = arith.constant 40 : i32
    %multiple_of3A_13 = tpu.assume_multiple %multiple_of3A_12, 8 : i32
    %dma_start3A_14 = tpu.memref_slice %arg7[%multiple_of3A_13] : memref<10000xi32, #tpu.memory_space<vmem>> -> memref<40xi32, #tpu.memory_space<vmem>>
    %dma_start3A_15 = arith.constant 0 : i32
    %dma_start3A_16 = arith.constant 0 : i32
    %dma_start3A_17 = tpu.memref_slice %arg2[%arg0, %dma_start3A_15, %dma_start3A_16] : memref<2x10000x128xf32, #tpu.memory_space<hbm>> -> memref<1x10000x128xf32, #tpu.memory_space<hbm>>
    %dma_start3A_18 = tpu.memref_squeeze %dma_start3A_17 : memref<1x10000x128xf32, #tpu.memory_space<hbm>> -> memref<10000x128xf32, #tpu.memory_space<hbm>>
    %dma_start3A_19 = arith.constant 0 : i32
    %dma_start3A_20 = arith.constant 0 : i32
    %dma_start3A_21 = tpu.memref_slice %dma_start3A_18[%dma_start3A_19, %dma_start3A_20] : memref<10000x128xf32, #tpu.memory_space<hbm>> -> memref<10000x128xf32, #tpu.memory_space<hbm>>
    tpu.enqueue_indirect_dma source(%dma_start3A_21 : memref<10000x128xf32, #tpu.memory_space<hbm>>) target(%arg10 : memref<40x128xf32, #tpu.memory_space<vmem>>) offsets(%dma_start3A_14 : memref<40xi32, #tpu.memory_space<vmem>>) semaphore(%arg15 : memref<!tpu.dma_semaphore, #tpu.memory_space<semaphore_mem>>)
    %multiple_of3A_22 = arith.constant 80 : i32
    %multiple_of3A_23 = tpu.assume_multiple %multiple_of3A_22, 8 : i32
    %dma_start3A_24 = tpu.memref_slice %arg7[%multiple_of3A_23] : memref<10000xi32, #tpu.memory_space<vmem>> -> memref<40xi32, #tpu.memory_space<vmem>>
    %dma_start3A_25 = arith.constant 0 : i32
    %dma_start3A_26 = arith.constant 0 : i32
    %dma_start3A_27 = tpu.memref_slice %arg2[%arg0, %dma_start3A_25, %dma_start3A_26] : memref<2x10000x128xf32, #tpu.memory_space<hbm>> -> memref<1x10000x128xf32, #tpu.memory_space<hbm>>
    %dma_start3A_28 = tpu.memref_squeeze %dma_start3A_27 : memref<1x10000x128xf32, #tpu.memory_space<hbm>> -> memref<10000x128xf32, #tpu.memory_space<hbm>>
    %dma_start3A_29 = arith.constant 0 : i32
    %dma_start3A_30 = arith.constant 0 : i32
    %dma_start3A_31 = tpu.memref_slice %dma_start3A_28[%dma_start3A_29, %dma_start3A_30] : memref<10000x128xf32, #tpu.memory_space<hbm>> -> memref<10000x128xf32, #tpu.memory_space<hbm>>
    tpu.enqueue_indirect_dma source(%dma_start3A_31 : memref<10000x128xf32, #tpu.memory_space<hbm>>) target(%arg11 : memref<40x128xf32, #tpu.memory_space<vmem>>) offsets(%dma_start3A_24 : memref<40xi32, #tpu.memory_space<vmem>>) semaphore(%arg15 : memref<!tpu.dma_semaphore, #tpu.memory_space<semaphore_mem>>)
    %multiple_of3A_32 = arith.constant 120 : i32
    %multiple_of3A_33 = tpu.assume_multiple %multiple_of3A_32, 8 : i32
    %dma_start3A_34 = tpu.memref_slice %arg7[%multiple_of3A_33] : memref<10000xi32, #tpu.memory_space<vmem>> -> memref<40xi32, #tpu.memory_space<vmem>>
    %dma_start3A_35 = arith.constant 0 : i32
    %dma_start3A_36 = arith.constant 0 : i32
    %dma_start3A_37 = tpu.memref_slice %arg2[%arg0, %dma_start3A_35, %dma_start3A_36] : memref<2x10000x128xf32, #tpu.memory_space<hbm>> -> memref<1x10000x128xf32, #tpu.memory_space<hbm>>
    %dma_start3A_38 = tpu.memref_squeeze %dma_start3A_37 : memref<1x10000x128xf32, #tpu.memory_space<hbm>> -> memref<10000x128xf32, #tpu.memory_space<hbm>>
    %dma_start3A_39 = arith.constant 0 : i32
    %dma_start3A_40 = arith.constant 0 : i32
    %dma_start3A_41 = tpu.memref_slice %dma_start3A_38[%dma_start3A_39, %dma_start3A_40] : memref<10000x128xf32, #tpu.memory_space<hbm>> -> memref<10000x128xf32, #tpu.memory_space<hbm>>
    tpu.enqueue_indirect_dma source(%dma_start3A_41 : memref<10000x128xf32, #tpu.memory_space<hbm>>) target(%arg12 : memref<40x128xf32, #tpu.memory_space<vmem>>) offsets(%dma_start3A_34 : memref<40xi32, #tpu.memory_space<vmem>>) semaphore(%arg15 : memref<!tpu.dma_semaphore, #tpu.memory_space<semaphore_mem>>)
    %multiple_of3A_42 = arith.constant 160 : i32
    %multiple_of3A_43 = tpu.assume_multiple %multiple_of3A_42, 8 : i32
    %dma_start3A_44 = tpu.memref_slice %arg7[%multiple_of3A_43] : memref<10000xi32, #tpu.memory_space<vmem>> -> memref<40xi32, #tpu.memory_space<vmem>>
    %dma_start3A_45 = arith.constant 0 : i32
    %dma_start3A_46 = arith.constant 0 : i32
    %dma_start3A_47 = tpu.memref_slice %arg2[%arg0, %dma_start3A_45, %dma_start3A_46] : memref<2x10000x128xf32, #tpu.memory_space<hbm>> -> memref<1x10000x128xf32, #tpu.memory_space<hbm>>
    %dma_start3A_48 = tpu.memref_squeeze %dma_start3A_47 : memref<1x10000x128xf32, #tpu.memory_space<hbm>> -> memref<10000x128xf32, #tpu.memory_space<hbm>>
    %dma_start3A_49 = arith.constant 0 : i32
    %dma_start3A_50 = arith.constant 0 : i32
    %dma_start3A_51 = tpu.memref_slice %dma_start3A_48[%dma_start3A_49, %dma_start3A_50] : memref<10000x128xf32, #tpu.memory_space<hbm>> -> memref<10000x128xf32, #tpu.memory_space<hbm>>
    tpu.enqueue_indirect_dma source(%dma_start3A_51 : memref<10000x128xf32, #tpu.memory_space<hbm>>) target(%arg13 : memref<40x128xf32, #tpu.memory_space<vmem>>) offsets(%dma_start3A_44 : memref<40xi32, #tpu.memory_space<vmem>>) semaphore(%arg15 : memref<!tpu.dma_semaphore, #tpu.memory_space<semaphore_mem>>)
    %scan3A = arith.constant 0 : i32
    %scan3A_52 = arith.constant 0 : i32
    %scan3A_53 = arith.constant 40 : i32
    %scan3A_54 = arith.addi %scan3A_52, %scan3A_53 : i32
    %scan3A_55 = arith.constant 1 : i32
    scf.for %scan3A_272 = %scan3A_52 to %scan3A_54 step %scan3A_55  : i32 {
      %mul3A_273 = arith.constant 6 : i32
      %mul3A_274 = arith.muli %mul3A_273, %scan3A_272 : i32
      %add3A = arith.constant 0 : i32
      %add3A_275 = arith.addi %mul3A_274, %add3A : i32
      %dma_wait3A_276 = arith.constant 0 : i32
      %dma_wait3A_277 = arith.constant 0 : i32
      %dma_wait3A_278 = tpu.memref_slice %arg2[%arg0, %dma_wait3A_276, %dma_wait3A_277] : memref<2x10000x128xf32, #tpu.memory_space<hbm>> -> memref<1x10000x128xf32, #tpu.memory_space<hbm>>
      %dma_wait3A_279 = tpu.memref_squeeze %dma_wait3A_278 : memref<1x10000x128xf32, #tpu.memory_space<hbm>> -> memref<10000x128xf32, #tpu.memory_space<hbm>>
      %dma_wait3A_280 = arith.constant 0 : i32
      %dma_wait3A_281 = arith.constant 0 : i32
      %dma_wait3A_282 = tpu.memref_slice %dma_wait3A_279[%dma_wait3A_280, %dma_wait3A_281] : memref<10000x128xf32, #tpu.memory_space<hbm>> -> memref<40x128xf32, #tpu.memory_space<hbm>>
      %dma_wait3A_283 = arith.constant 0 : i32
      %dma_wait3A_284 = arith.constant 0 : i32
      %dma_wait3A_285 = tpu.memref_slice %arg2[%arg0, %dma_wait3A_283, %dma_wait3A_284] : memref<2x10000x128xf32, #tpu.memory_space<hbm>> -> memref<1x10000x128xf32, #tpu.memory_space<hbm>>
      %dma_wait3A_286 = tpu.memref_squeeze %dma_wait3A_285 : memref<1x10000x128xf32, #tpu.memory_space<hbm>> -> memref<10000x128xf32, #tpu.memory_space<hbm>>
      %dma_wait3A_287 = arith.constant 0 : i32
      %dma_wait3A_288 = arith.constant 0 : i32
      %dma_wait3A_289 = tpu.memref_slice %dma_wait3A_286[%dma_wait3A_287, %dma_wait3A_288] : memref<10000x128xf32, #tpu.memory_space<hbm>> -> memref<40x128xf32, #tpu.memory_space<hbm>>
      tpu.wait_dma2 semaphore(%arg15 : memref<!tpu.dma_semaphore, #tpu.memory_space<semaphore_mem>>) src(%dma_wait3A_289 : memref<40x128xf32, #tpu.memory_space<hbm>>) dst(%arg9 : memref<40x128xf32, #tpu.memory_space<vmem>>)
      %add3A_290 = arith.constant 6 : i32
      %add3A_291 = arith.addi %add3A_275, %add3A_290 : i32
      %sub3A = arith.constant 1 : i32
      %sub3A_292 = arith.subi %add3A_291, %sub3A : i32
      %mul3A_293 = arith.constant 40 : i32
      %mul3A_294 = arith.muli %sub3A_292, %mul3A_293 : i32
      %multiple_of3A_295 = tpu.assume_multiple %mul3A_294, 8 : i32
      %dma_start3A_296 = tpu.memref_slice %arg7[%multiple_of3A_295] : memref<10000xi32, #tpu.memory_space<vmem>> -> memref<40xi32, #tpu.memory_space<vmem>>
      %dma_start3A_297 = arith.constant 0 : i32
      %dma_start3A_298 = arith.constant 0 : i32
      %dma_start3A_299 = tpu.memref_slice %arg2[%arg0, %dma_start3A_297, %dma_start3A_298] : memref<2x10000x128xf32, #tpu.memory_space<hbm>> -> memref<1x10000x128xf32, #tpu.memory_space<hbm>>
      %dma_start3A_300 = tpu.memref_squeeze %dma_start3A_299 : memref<1x10000x128xf32, #tpu.memory_space<hbm>> -> memref<10000x128xf32, #tpu.memory_space<hbm>>
      %dma_start3A_301 = arith.constant 0 : i32
      %dma_start3A_302 = arith.constant 0 : i32
      %dma_start3A_303 = tpu.memref_slice %dma_start3A_300[%dma_start3A_301, %dma_start3A_302] : memref<10000x128xf32, #tpu.memory_space<hbm>> -> memref<10000x128xf32, #tpu.memory_space<hbm>>
      tpu.enqueue_indirect_dma source(%dma_start3A_303 : memref<10000x128xf32, #tpu.memory_space<hbm>>) target(%arg14 : memref<40x128xf32, #tpu.memory_space<vmem>>) offsets(%dma_start3A_296 : memref<40xi32, #tpu.memory_space<vmem>>) semaphore(%arg15 : memref<!tpu.dma_semaphore, #tpu.memory_space<semaphore_mem>>)
      %mul3A_304 = arith.constant 40 : i32
      %mul3A_305 = arith.muli %add3A_275, %mul3A_304 : i32
      %multiple_of3A_306 = tpu.assume_multiple %mul3A_305, 8 : i32
      "tpu.region"() ({
        %run_scoped3A = tpu.sem_alloc : memref<!tpu.dma_semaphore, #tpu.memory_space<semaphore_mem>>
        %dma_start3A_487 = tpu.memref_slice %arg8[%multiple_of3A_306] : memref<10000xi32, #tpu.memory_space<vmem>> -> memref<40xi32, #tpu.memory_space<vmem>>
        %dma_start3A_488 = arith.constant 0 : i32
        %dma_start3A_489 = arith.constant 0 : i32
        %dma_start3A_490 = tpu.memref_slice %arg6[%dma_start3A_488, %dma_start3A_489] : memref<10000x128xf32, #tpu.memory_space<vmem_shared>> -> memref<10000x128xf32, #tpu.memory_space<vmem_shared>>
        tpu.enqueue_indirect_dma source(%arg9 : memref<40x128xf32, #tpu.memory_space<vmem>>) target(%dma_start3A_490 : memref<10000x128xf32, #tpu.memory_space<vmem_shared>>) offsets(%dma_start3A_487 : memref<40xi32, #tpu.memory_space<vmem>>) semaphore(%run_scoped3A : memref<!tpu.dma_semaphore, #tpu.memory_space<semaphore_mem>>) {add = true}
        %dma_wait3A_491 = tpu.memref_slice %arg8[%multiple_of3A_306] : memref<10000xi32, #tpu.memory_space<vmem>> -> memref<40xi32, #tpu.memory_space<vmem>>
        %dma_wait3A_492 = arith.constant 0 : i32
        %dma_wait3A_493 = arith.constant 0 : i32
        %dma_wait3A_494 = tpu.memref_slice %arg6[%dma_wait3A_492, %dma_wait3A_493] : memref<10000x128xf32, #tpu.memory_space<vmem_shared>> -> memref<10000x128xf32, #tpu.memory_space<vmem_shared>>
        tpu.wait_indirect_dma semaphore(%run_scoped3A : memref<!tpu.dma_semaphore, #tpu.memory_space<semaphore_mem>>) src(%arg9 : memref<40x128xf32, #tpu.memory_space<vmem>>) dst(%dma_wait3A_494 : memref<10000x128xf32, #tpu.memory_space<vmem_shared>>)
        tpu.yield
      }) : () -> ()
      %mul3A_307 = arith.constant 6 : i32
      %mul3A_308 = arith.muli %mul3A_307, %scan3A_272 : i32
      %add3A_309 = arith.constant 1 : i32
      %add3A_310 = arith.addi %mul3A_308, %add3A_309 : i32
      %dma_wait3A_311 = arith.constant 0 : i32
      %dma_wait3A_312 = arith.constant 0 : i32
      %dma_wait3A_313 = tpu.memref_slice %arg2[%arg0, %dma_wait3A_311, %dma_wait3A_312] : memref<2x10000x128xf32, #tpu.memory_space<hbm>> -> memref<1x10000x128xf32, #tpu.memory_space<hbm>>
      %dma_wait3A_314 = tpu.memref_squeeze %dma_wait3A_313 : memref<1x10000x128xf32, #tpu.memory_space<hbm>> -> memref<10000x128xf32, #tpu.memory_space<hbm>>
      %dma_wait3A_315 = arith.constant 0 : i32
      %dma_wait3A_316 = arith.constant 0 : i32
      %dma_wait3A_317 = tpu.memref_slice %dma_wait3A_314[%dma_wait3A_315, %dma_wait3A_316] : memref<10000x128xf32, #tpu.memory_space<hbm>> -> memref<40x128xf32, #tpu.memory_space<hbm>>
      %dma_wait3A_318 = arith.constant 0 : i32
      %dma_wait3A_319 = arith.constant 0 : i32
      %dma_wait3A_320 = tpu.memref_slice %arg2[%arg0, %dma_wait3A_318, %dma_wait3A_319] : memref<2x10000x128xf32, #tpu.memory_space<hbm>> -> memref<1x10000x128xf32, #tpu.memory_space<hbm>>
      %dma_wait3A_321 = tpu.memref_squeeze %dma_wait3A_320 : memref<1x10000x128xf32, #tpu.memory_space<hbm>> -> memref<10000x128xf32, #tpu.memory_space<hbm>>
      %dma_wait3A_322 = arith.constant 0 : i32
      %dma_wait3A_323 = arith.constant 0 : i32
      %dma_wait3A_324 = tpu.memref_slice %dma_wait3A_321[%dma_wait3A_322, %dma_wait3A_323] : memref<10000x128xf32, #tpu.memory_space<hbm>> -> memref<40x128xf32, #tpu.memory_space<hbm>>
      tpu.wait_dma2 semaphore(%arg15 : memref<!tpu.dma_semaphore, #tpu.memory_space<semaphore_mem>>) src(%dma_wait3A_324 : memref<40x128xf32, #tpu.memory_space<hbm>>) dst(%arg10 : memref<40x128xf32, #tpu.memory_space<vmem>>)
      %add3A_325 = arith.constant 6 : i32
      %add3A_326 = arith.addi %add3A_310, %add3A_325 : i32
      %sub3A_327 = arith.constant 1 : i32
      %sub3A_328 = arith.subi %add3A_326, %sub3A_327 : i32
      %mul3A_329 = arith.constant 40 : i32
      %mul3A_330 = arith.muli %sub3A_328, %mul3A_329 : i32
      %multiple_of3A_331 = tpu.assume_multiple %mul3A_330, 8 : i32
      %dma_start3A_332 = tpu.memref_slice %arg7[%multiple_of3A_331] : memref<10000xi32, #tpu.memory_space<vmem>> -> memref<40xi32, #tpu.memory_space<vmem>>
      %dma_start3A_333 = arith.constant 0 : i32
      %dma_start3A_334 = arith.constant 0 : i32
      %dma_start3A_335 = tpu.memref_slice %arg2[%arg0, %dma_start3A_333, %dma_start3A_334] : memref<2x10000x128xf32, #tpu.memory_space<hbm>> -> memref<1x10000x128xf32, #tpu.memory_space<hbm>>
      %dma_start3A_336 = tpu.memref_squeeze %dma_start3A_335 : memref<1x10000x128xf32, #tpu.memory_space<hbm>> -> memref<10000x128xf32, #tpu.memory_space<hbm>>
      %dma_start3A_337 = arith.constant 0 : i32
      %dma_start3A_338 = arith.constant 0 : i32
      %dma_start3A_339 = tpu.memref_slice %dma_start3A_336[%dma_start3A_337, %dma_start3A_338] : memref<10000x128xf32, #tpu.memory_space<hbm>> -> memref<10000x128xf32, #tpu.memory_space<hbm>>
      tpu.enqueue_indirect_dma source(%dma_start3A_339 : memref<10000x128xf32, #tpu.memory_space<hbm>>) target(%arg9 : memref<40x128xf32, #tpu.memory_space<vmem>>) offsets(%dma_start3A_332 : memref<40xi32, #tpu.memory_space<vmem>>) semaphore(%arg15 : memref<!tpu.dma_semaphore, #tpu.memory_space<semaphore_mem>>)
      %mul3A_340 = arith.constant 40 : i32
      %mul3A_341 = arith.muli %add3A_310, %mul3A_340 : i32
      %multiple_of3A_342 = tpu.assume_multiple %mul3A_341, 8 : i32
      "tpu.region"() ({
        %run_scoped3A = tpu.sem_alloc : memref<!tpu.dma_semaphore, #tpu.memory_space<semaphore_mem>>
        %dma_start3A_487 = tpu.memref_slice %arg8[%multiple_of3A_342] : memref<10000xi32, #tpu.memory_space<vmem>> -> memref<40xi32, #tpu.memory_space<vmem>>
        %dma_start3A_488 = arith.constant 0 : i32
        %dma_start3A_489 = arith.constant 0 : i32
        %dma_start3A_490 = tpu.memref_slice %arg6[%dma_start3A_488, %dma_start3A_489] : memref<10000x128xf32, #tpu.memory_space<vmem_shared>> -> memref<10000x128xf32, #tpu.memory_space<vmem_shared>>
        tpu.enqueue_indirect_dma source(%arg10 : memref<40x128xf32, #tpu.memory_space<vmem>>) target(%dma_start3A_490 : memref<10000x128xf32, #tpu.memory_space<vmem_shared>>) offsets(%dma_start3A_487 : memref<40xi32, #tpu.memory_space<vmem>>) semaphore(%run_scoped3A : memref<!tpu.dma_semaphore, #tpu.memory_space<semaphore_mem>>) {add = true}
        %dma_wait3A_491 = tpu.memref_slice %arg8[%multiple_of3A_342] : memref<10000xi32, #tpu.memory_space<vmem>> -> memref<40xi32, #tpu.memory_space<vmem>>
        %dma_wait3A_492 = arith.constant 0 : i32
        %dma_wait3A_493 = arith.constant 0 : i32
        %dma_wait3A_494 = tpu.memref_slice %arg6[%dma_wait3A_492, %dma_wait3A_493] : memref<10000x128xf32, #tpu.memory_space<vmem_shared>> -> memref<10000x128xf32, #tpu.memory_space<vmem_shared>>
        tpu.wait_indirect_dma semaphore(%run_scoped3A : memref<!tpu.dma_semaphore, #tpu.memory_space<semaphore_mem>>) src(%arg10 : memref<40x128xf32, #tpu.memory_space<vmem>>) dst(%dma_wait3A_494 : memref<10000x128xf32, #tpu.memory_space<vmem_shared>>)
        tpu.yield
      }) : () -> ()
      %mul3A_343 = arith.constant 6 : i32
      %mul3A_344 = arith.muli %mul3A_343, %scan3A_272 : i32
      %add3A_345 = arith.constant 2 : i32
      %add3A_346 = arith.addi %mul3A_344, %add3A_345 : i32
      %dma_wait3A_347 = arith.constant 0 : i32
      %dma_wait3A_348 = arith.constant 0 : i32
      %dma_wait3A_349 = tpu.memref_slice %arg2[%arg0, %dma_wait3A_347, %dma_wait3A_348] : memref<2x10000x128xf32, #tpu.memory_space<hbm>> -> memref<1x10000x128xf32, #tpu.memory_space<hbm>>
      %dma_wait3A_350 = tpu.memref_squeeze %dma_wait3A_349 : memref<1x10000x128xf32, #tpu.memory_space<hbm>> -> memref<10000x128xf32, #tpu.memory_space<hbm>>
      %dma_wait3A_351 = arith.constant 0 : i32
      %dma_wait3A_352 = arith.constant 0 : i32
      %dma_wait3A_353 = tpu.memref_slice %dma_wait3A_350[%dma_wait3A_351, %dma_wait3A_352] : memref<10000x128xf32, #tpu.memory_space<hbm>> -> memref<40x128xf32, #tpu.memory_space<hbm>>
      %dma_wait3A_354 = arith.constant 0 : i32
      %dma_wait3A_355 = arith.constant 0 : i32
      %dma_wait3A_356 = tpu.memref_slice %arg2[%arg0, %dma_wait3A_354, %dma_wait3A_355] : memref<2x10000x128xf32, #tpu.memory_space<hbm>> -> memref<1x10000x128xf32, #tpu.memory_space<hbm>>
      %dma_wait3A_357 = tpu.memref_squeeze %dma_wait3A_356 : memref<1x10000x128xf32, #tpu.memory_space<hbm>> -> memref<10000x128xf32, #tpu.memory_space<hbm>>
      %dma_wait3A_358 = arith.constant 0 : i32
      %dma_wait3A_359 = arith.constant 0 : i32
      %dma_wait3A_360 = tpu.memref_slice %dma_wait3A_357[%dma_wait3A_358, %dma_wait3A_359] : memref<10000x128xf32, #tpu.memory_space<hbm>> -> memref<40x128xf32, #tpu.memory_space<hbm>>
      tpu.wait_dma2 semaphore(%arg15 : memref<!tpu.dma_semaphore, #tpu.memory_space<semaphore_mem>>) src(%dma_wait3A_360 : memref<40x128xf32, #tpu.memory_space<hbm>>) dst(%arg11 : memref<40x128xf32, #tpu.memory_space<vmem>>)
      %add3A_361 = arith.constant 6 : i32
      %add3A_362 = arith.addi %add3A_346, %add3A_361 : i32
      %sub3A_363 = arith.constant 1 : i32
      %sub3A_364 = arith.subi %add3A_362, %sub3A_363 : i32
      %mul3A_365 = arith.constant 40 : i32
      %mul3A_366 = arith.muli %sub3A_364, %mul3A_365 : i32
      %multiple_of3A_367 = tpu.assume_multiple %mul3A_366, 8 : i32
      %dma_start3A_368 = tpu.memref_slice %arg7[%multiple_of3A_367] : memref<10000xi32, #tpu.memory_space<vmem>> -> memref<40xi32, #tpu.memory_space<vmem>>
      %dma_start3A_369 = arith.constant 0 : i32
      %dma_start3A_370 = arith.constant 0 : i32
      %dma_start3A_371 = tpu.memref_slice %arg2[%arg0, %dma_start3A_369, %dma_start3A_370] : memref<2x10000x128xf32, #tpu.memory_space<hbm>> -> memref<1x10000x128xf32, #tpu.memory_space<hbm>>
      %dma_start3A_372 = tpu.memref_squeeze %dma_start3A_371 : memref<1x10000x128xf32, #tpu.memory_space<hbm>> -> memref<10000x128xf32, #tpu.memory_space<hbm>>
      %dma_start3A_373 = arith.constant 0 : i32
      %dma_start3A_374 = arith.constant 0 : i32
      %dma_start3A_375 = tpu.memref_slice %dma_start3A_372[%dma_start3A_373, %dma_start3A_374] : memref<10000x128xf32, #tpu.memory_space<hbm>> -> memref<10000x128xf32, #tpu.memory_space<hbm>>
      tpu.enqueue_indirect_dma source(%dma_start3A_375 : memref<10000x128xf32, #tpu.memory_space<hbm>>) target(%arg10 : memref<40x128xf32, #tpu.memory_space<vmem>>) offsets(%dma_start3A_368 : memref<40xi32, #tpu.memory_space<vmem>>) semaphore(%arg15 : memref<!tpu.dma_semaphore, #tpu.memory_space<semaphore_mem>>)
      %mul3A_376 = arith.constant 40 : i32
      %mul3A_377 = arith.muli %add3A_346, %mul3A_376 : i32
      %multiple_of3A_378 = tpu.assume_multiple %mul3A_377, 8 : i32
      "tpu.region"() ({
        %run_scoped3A = tpu.sem_alloc : memref<!tpu.dma_semaphore, #tpu.memory_space<semaphore_mem>>
        %dma_start3A_487 = tpu.memref_slice %arg8[%multiple_of3A_378] : memref<10000xi32, #tpu.memory_space<vmem>> -> memref<40xi32, #tpu.memory_space<vmem>>
        %dma_start3A_488 = arith.constant 0 : i32
        %dma_start3A_489 = arith.constant 0 : i32
        %dma_start3A_490 = tpu.memref_slice %arg6[%dma_start3A_488, %dma_start3A_489] : memref<10000x128xf32, #tpu.memory_space<vmem_shared>> -> memref<10000x128xf32, #tpu.memory_space<vmem_shared>>
        tpu.enqueue_indirect_dma source(%arg11 : memref<40x128xf32, #tpu.memory_space<vmem>>) target(%dma_start3A_490 : memref<10000x128xf32, #tpu.memory_space<vmem_shared>>) offsets(%dma_start3A_487 : memref<40xi32, #tpu.memory_space<vmem>>) semaphore(%run_scoped3A : memref<!tpu.dma_semaphore, #tpu.memory_space<semaphore_mem>>) {add = true}
        %dma_wait3A_491 = tpu.memref_slice %arg8[%multiple_of3A_378] : memref<10000xi32, #tpu.memory_space<vmem>> -> memref<40xi32, #tpu.memory_space<vmem>>
        %dma_wait3A_492 = arith.constant 0 : i32
        %dma_wait3A_493 = arith.constant 0 : i32
        %dma_wait3A_494 = tpu.memref_slice %arg6[%dma_wait3A_492, %dma_wait3A_493] : memref<10000x128xf32, #tpu.memory_space<vmem_shared>> -> memref<10000x128xf32, #tpu.memory_space<vmem_shared>>
        tpu.wait_indirect_dma semaphore(%run_scoped3A : memref<!tpu.dma_semaphore, #tpu.memory_space<semaphore_mem>>) src(%arg11 : memref<40x128xf32, #tpu.memory_space<vmem>>) dst(%dma_wait3A_494 : memref<10000x128xf32, #tpu.memory_space<vmem_shared>>)
        tpu.yield
      }) : () -> ()
      %mul3A_379 = arith.constant 6 : i32
      %mul3A_380 = arith.muli %mul3A_379, %scan3A_272 : i32
      %add3A_381 = arith.constant 3 : i32
      %add3A_382 = arith.addi %mul3A_380, %add3A_381 : i32
      %dma_wait3A_383 = arith.constant 0 : i32
      %dma_wait3A_384 = arith.constant 0 : i32
      %dma_wait3A_385 = tpu.memref_slice %arg2[%arg0, %dma_wait3A_383, %dma_wait3A_384] : memref<2x10000x128xf32, #tpu.memory_space<hbm>> -> memref<1x10000x128xf32, #tpu.memory_space<hbm>>
      %dma_wait3A_386 = tpu.memref_squeeze %dma_wait3A_385 : memref<1x10000x128xf32, #tpu.memory_space<hbm>> -> memref<10000x128xf32, #tpu.memory_space<hbm>>
      %dma_wait3A_387 = arith.constant 0 : i32
      %dma_wait3A_388 = arith.constant 0 : i32
      %dma_wait3A_389 = tpu.memref_slice %dma_wait3A_386[%dma_wait3A_387, %dma_wait3A_388] : memref<10000x128xf32, #tpu.memory_space<hbm>> -> memref<40x128xf32, #tpu.memory_space<hbm>>
      %dma_wait3A_390 = arith.constant 0 : i32
      %dma_wait3A_391 = arith.constant 0 : i32
      %dma_wait3A_392 = tpu.memref_slice %arg2[%arg0, %dma_wait3A_390, %dma_wait3A_391] : memref<2x10000x128xf32, #tpu.memory_space<hbm>> -> memref<1x10000x128xf32, #tpu.memory_space<hbm>>
      %dma_wait3A_393 = tpu.memref_squeeze %dma_wait3A_392 : memref<1x10000x128xf32, #tpu.memory_space<hbm>> -> memref<10000x128xf32, #tpu.memory_space<hbm>>
      %dma_wait3A_394 = arith.constant 0 : i32
      %dma_wait3A_395 = arith.constant 0 : i32
      %dma_wait3A_396 = tpu.memref_slice %dma_wait3A_393[%dma_wait3A_394, %dma_wait3A_395] : memref<10000x128xf32, #tpu.memory_space<hbm>> -> memref<40x128xf32, #tpu.memory_space<hbm>>
      tpu.wait_dma2 semaphore(%arg15 : memref<!tpu.dma_semaphore, #tpu.memory_space<semaphore_mem>>) src(%dma_wait3A_396 : memref<40x128xf32, #tpu.memory_space<hbm>>) dst(%arg12 : memref<40x128xf32, #tpu.memory_space<vmem>>)
      %add3A_397 = arith.constant 6 : i32
      %add3A_398 = arith.addi %add3A_382, %add3A_397 : i32
      %sub3A_399 = arith.constant 1 : i32
      %sub3A_400 = arith.subi %add3A_398, %sub3A_399 : i32
      %mul3A_401 = arith.constant 40 : i32
      %mul3A_402 = arith.muli %sub3A_400, %mul3A_401 : i32
      %multiple_of3A_403 = tpu.assume_multiple %mul3A_402, 8 : i32
      %dma_start3A_404 = tpu.memref_slice %arg7[%multiple_of3A_403] : memref<10000xi32, #tpu.memory_space<vmem>> -> memref<40xi32, #tpu.memory_space<vmem>>
      %dma_start3A_405 = arith.constant 0 : i32
      %dma_start3A_406 = arith.constant 0 : i32
      %dma_start3A_407 = tpu.memref_slice %arg2[%arg0, %dma_start3A_405, %dma_start3A_406] : memref<2x10000x128xf32, #tpu.memory_space<hbm>> -> memref<1x10000x128xf32, #tpu.memory_space<hbm>>
      %dma_start3A_408 = tpu.memref_squeeze %dma_start3A_407 : memref<1x10000x128xf32, #tpu.memory_space<hbm>> -> memref<10000x128xf32, #tpu.memory_space<hbm>>
      %dma_start3A_409 = arith.constant 0 : i32
      %dma_start3A_410 = arith.constant 0 : i32
      %dma_start3A_411 = tpu.memref_slice %dma_start3A_408[%dma_start3A_409, %dma_start3A_410] : memref<10000x128xf32, #tpu.memory_space<hbm>> -> memref<10000x128xf32, #tpu.memory_space<hbm>>
      tpu.enqueue_indirect_dma source(%dma_start3A_411 : memref<10000x128xf32, #tpu.memory_space<hbm>>) target(%arg11 : memref<40x128xf32, #tpu.memory_space<vmem>>) offsets(%dma_start3A_404 : memref<40xi32, #tpu.memory_space<vmem>>) semaphore(%arg15 : memref<!tpu.dma_semaphore, #tpu.memory_space<semaphore_mem>>)
      %mul3A_412 = arith.constant 40 : i32
      %mul3A_413 = arith.muli %add3A_382, %mul3A_412 : i32
      %multiple_of3A_414 = tpu.assume_multiple %mul3A_413, 8 : i32
      "tpu.region"() ({
        %run_scoped3A = tpu.sem_alloc : memref<!tpu.dma_semaphore, #tpu.memory_space<semaphore_mem>>
        %dma_start3A_487 = tpu.memref_slice %arg8[%multiple_of3A_414] : memref<10000xi32, #tpu.memory_space<vmem>> -> memref<40xi32, #tpu.memory_space<vmem>>
        %dma_start3A_488 = arith.constant 0 : i32
        %dma_start3A_489 = arith.constant 0 : i32
        %dma_start3A_490 = tpu.memref_slice %arg6[%dma_start3A_488, %dma_start3A_489] : memref<10000x128xf32, #tpu.memory_space<vmem_shared>> -> memref<10000x128xf32, #tpu.memory_space<vmem_shared>>
        tpu.enqueue_indirect_dma source(%arg12 : memref<40x128xf32, #tpu.memory_space<vmem>>) target(%dma_start3A_490 : memref<10000x128xf32, #tpu.memory_space<vmem_shared>>) offsets(%dma_start3A_487 : memref<40xi32, #tpu.memory_space<vmem>>) semaphore(%run_scoped3A : memref<!tpu.dma_semaphore, #tpu.memory_space<semaphore_mem>>) {add = true}
        %dma_wait3A_491 = tpu.memref_slice %arg8[%multiple_of3A_414] : memref<10000xi32, #tpu.memory_space<vmem>> -> memref<40xi32, #tpu.memory_space<vmem>>
        %dma_wait3A_492 = arith.constant 0 : i32
        %dma_wait3A_493 = arith.constant 0 : i32
        %dma_wait3A_494 = tpu.memref_slice %arg6[%dma_wait3A_492, %dma_wait3A_493] : memref<10000x128xf32, #tpu.memory_space<vmem_shared>> -> memref<10000x128xf32, #tpu.memory_space<vmem_shared>>
        tpu.wait_indirect_dma semaphore(%run_scoped3A : memref<!tpu.dma_semaphore, #tpu.memory_space<semaphore_mem>>) src(%arg12 : memref<40x128xf32, #tpu.memory_space<vmem>>) dst(%dma_wait3A_494 : memref<10000x128xf32, #tpu.memory_space<vmem_shared>>)
        tpu.yield
      }) : () -> ()
      %mul3A_415 = arith.constant 6 : i32
      %mul3A_416 = arith.muli %mul3A_415, %scan3A_272 : i32
      %add3A_417 = arith.constant 4 : i32
      %add3A_418 = arith.addi %mul3A_416, %add3A_417 : i32
      %dma_wait3A_419 = arith.constant 0 : i32
      %dma_wait3A_420 = arith.constant 0 : i32
      %dma_wait3A_421 = tpu.memref_slice %arg2[%arg0, %dma_wait3A_419, %dma_wait3A_420] : memref<2x10000x128xf32, #tpu.memory_space<hbm>> -> memref<1x10000x128xf32, #tpu.memory_space<hbm>>
      %dma_wait3A_422 = tpu.memref_squeeze %dma_wait3A_421 : memref<1x10000x128xf32, #tpu.memory_space<hbm>> -> memref<10000x128xf32, #tpu.memory_space<hbm>>
      %dma_wait3A_423 = arith.constant 0 : i32
      %dma_wait3A_424 = arith.constant 0 : i32
      %dma_wait3A_425 = tpu.memref_slice %dma_wait3A_422[%dma_wait3A_423, %dma_wait3A_424] : memref<10000x128xf32, #tpu.memory_space<hbm>> -> memref<40x128xf32, #tpu.memory_space<hbm>>
      %dma_wait3A_426 = arith.constant 0 : i32
      %dma_wait3A_427 = arith.constant 0 : i32
      %dma_wait3A_428 = tpu.memref_slice %arg2[%arg0, %dma_wait3A_426, %dma_wait3A_427] : memref<2x10000x128xf32, #tpu.memory_space<hbm>> -> memref<1x10000x128xf32, #tpu.memory_space<hbm>>
      %dma_wait3A_429 = tpu.memref_squeeze %dma_wait3A_428 : memref<1x10000x128xf32, #tpu.memory_space<hbm>> -> memref<10000x128xf32, #tpu.memory_space<hbm>>
      %dma_wait3A_430 = arith.constant 0 : i32
      %dma_wait3A_431 = arith.constant 0 : i32
      %dma_wait3A_432 = tpu.memref_slice %dma_wait3A_429[%dma_wait3A_430, %dma_wait3A_431] : memref<10000x128xf32, #tpu.memory_space<hbm>> -> memref<40x128xf32, #tpu.memory_space<hbm>>
      tpu.wait_dma2 semaphore(%arg15 : memref<!tpu.dma_semaphore, #tpu.memory_space<semaphore_mem>>) src(%dma_wait3A_432 : memref<40x128xf32, #tpu.memory_space<hbm>>) dst(%arg13 : memref<40x128xf32, #tpu.memory_space<vmem>>)
      %add3A_433 = arith.constant 6 : i32
      %add3A_434 = arith.addi %add3A_418, %add3A_433 : i32
      %sub3A_435 = arith.constant 1 : i32
      %sub3A_436 = arith.subi %add3A_434, %sub3A_435 : i32
      %mul3A_437 = arith.constant 40 : i32
      %mul3A_438 = arith.muli %sub3A_436, %mul3A_437 : i32
      %multiple_of3A_439 = tpu.assume_multiple %mul3A_438, 8 : i32
      %dma_start3A_440 = tpu.memref_slice %arg7[%multiple_of3A_439] : memref<10000xi32, #tpu.memory_space<vmem>> -> memref<40xi32, #tpu.memory_space<vmem>>
      %dma_start3A_441 = arith.constant 0 : i32
      %dma_start3A_442 = arith.constant 0 : i32
      %dma_start3A_443 = tpu.memref_slice %arg2[%arg0, %dma_start3A_441, %dma_start3A_442] : memref<2x10000x128xf32, #tpu.memory_space<hbm>> -> memref<1x10000x128xf32, #tpu.memory_space<hbm>>
      %dma_start3A_444 = tpu.memref_squeeze %dma_start3A_443 : memref<1x10000x128xf32, #tpu.memory_space<hbm>> -> memref<10000x128xf32, #tpu.memory_space<hbm>>
      %dma_start3A_445 = arith.constant 0 : i32
      %dma_start3A_446 = arith.constant 0 : i32
      %dma_start3A_447 = tpu.memref_slice %dma_start3A_444[%dma_start3A_445, %dma_start3A_446] : memref<10000x128xf32, #tpu.memory_space<hbm>> -> memref<10000x128xf32, #tpu.memory_space<hbm>>
      tpu.enqueue_indirect_dma source(%dma_start3A_447 : memref<10000x128xf32, #tpu.memory_space<hbm>>) target(%arg12 : memref<40x128xf32, #tpu.memory_space<vmem>>) offsets(%dma_start3A_440 : memref<40xi32, #tpu.memory_space<vmem>>) semaphore(%arg15 : memref<!tpu.dma_semaphore, #tpu.memory_space<semaphore_mem>>)
      %mul3A_448 = arith.constant 40 : i32
      %mul3A_449 = arith.muli %add3A_418, %mul3A_448 : i32
      %multiple_of3A_450 = tpu.assume_multiple %mul3A_449, 8 : i32
      "tpu.region"() ({
        %run_scoped3A = tpu.sem_alloc : memref<!tpu.dma_semaphore, #tpu.memory_space<semaphore_mem>>
        %dma_start3A_487 = tpu.memref_slice %arg8[%multiple_of3A_450] : memref<10000xi32, #tpu.memory_space<vmem>> -> memref<40xi32, #tpu.memory_space<vmem>>
        %dma_start3A_488 = arith.constant 0 : i32
        %dma_start3A_489 = arith.constant 0 : i32
        %dma_start3A_490 = tpu.memref_slice %arg6[%dma_start3A_488, %dma_start3A_489] : memref<10000x128xf32, #tpu.memory_space<vmem_shared>> -> memref<10000x128xf32, #tpu.memory_space<vmem_shared>>
        tpu.enqueue_indirect_dma source(%arg13 : memref<40x128xf32, #tpu.memory_space<vmem>>) target(%dma_start3A_490 : memref<10000x128xf32, #tpu.memory_space<vmem_shared>>) offsets(%dma_start3A_487 : memref<40xi32, #tpu.memory_space<vmem>>) semaphore(%run_scoped3A : memref<!tpu.dma_semaphore, #tpu.memory_space<semaphore_mem>>) {add = true}
        %dma_wait3A_491 = tpu.memref_slice %arg8[%multiple_of3A_450] : memref<10000xi32, #tpu.memory_space<vmem>> -> memref<40xi32, #tpu.memory_space<vmem>>
        %dma_wait3A_492 = arith.constant 0 : i32
        %dma_wait3A_493 = arith.constant 0 : i32
        %dma_wait3A_494 = tpu.memref_slice %arg6[%dma_wait3A_492, %dma_wait3A_493] : memref<10000x128xf32, #tpu.memory_space<vmem_shared>> -> memref<10000x128xf32, #tpu.memory_space<vmem_shared>>
        tpu.wait_indirect_dma semaphore(%run_scoped3A : memref<!tpu.dma_semaphore, #tpu.memory_space<semaphore_mem>>) src(%arg13 : memref<40x128xf32, #tpu.memory_space<vmem>>) dst(%dma_wait3A_494 : memref<10000x128xf32, #tpu.memory_space<vmem_shared>>)
        tpu.yield
      }) : () -> ()
      %mul3A_451 = arith.constant 6 : i32
      %mul3A_452 = arith.muli %mul3A_451, %scan3A_272 : i32
      %add3A_453 = arith.constant 5 : i32
      %add3A_454 = arith.addi %mul3A_452, %add3A_453 : i32
      %dma_wait3A_455 = arith.constant 0 : i32
      %dma_wait3A_456 = arith.constant 0 : i32
      %dma_wait3A_457 = tpu.memref_slice %arg2[%arg0, %dma_wait3A_455, %dma_wait3A_456] : memref<2x10000x128xf32, #tpu.memory_space<hbm>> -> memref<1x10000x128xf32, #tpu.memory_space<hbm>>
      %dma_wait3A_458 = tpu.memref_squeeze %dma_wait3A_457 : memref<1x10000x128xf32, #tpu.memory_space<hbm>> -> memref<10000x128xf32, #tpu.memory_space<hbm>>
      %dma_wait3A_459 = arith.constant 0 : i32
      %dma_wait3A_460 = arith.constant 0 : i32
      %dma_wait3A_461 = tpu.memref_slice %dma_wait3A_458[%dma_wait3A_459, %dma_wait3A_460] : memref<10000x128xf32, #tpu.memory_space<hbm>> -> memref<40x128xf32, #tpu.memory_space<hbm>>
      %dma_wait3A_462 = arith.constant 0 : i32
      %dma_wait3A_463 = arith.constant 0 : i32
      %dma_wait3A_464 = tpu.memref_slice %arg2[%arg0, %dma_wait3A_462, %dma_wait3A_463] : memref<2x10000x128xf32, #tpu.memory_space<hbm>> -> memref<1x10000x128xf32, #tpu.memory_space<hbm>>
      %dma_wait3A_465 = tpu.memref_squeeze %dma_wait3A_464 : memref<1x10000x128xf32, #tpu.memory_space<hbm>> -> memref<10000x128xf32, #tpu.memory_space<hbm>>
      %dma_wait3A_466 = arith.constant 0 : i32
      %dma_wait3A_467 = arith.constant 0 : i32
      %dma_wait3A_468 = tpu.memref_slice %dma_wait3A_465[%dma_wait3A_466, %dma_wait3A_467] : memref<10000x128xf32, #tpu.memory_space<hbm>> -> memref<40x128xf32, #tpu.memory_space<hbm>>
      tpu.wait_dma2 semaphore(%arg15 : memref<!tpu.dma_semaphore, #tpu.memory_space<semaphore_mem>>) src(%dma_wait3A_468 : memref<40x128xf32, #tpu.memory_space<hbm>>) dst(%arg14 : memref<40x128xf32, #tpu.memory_space<vmem>>)
      %add3A_469 = arith.constant 6 : i32
      %add3A_470 = arith.addi %add3A_454, %add3A_469 : i32
      %sub3A_471 = arith.constant 1 : i32
      %sub3A_472 = arith.subi %add3A_470, %sub3A_471 : i32
      %mul3A_473 = arith.constant 40 : i32
      %mul3A_474 = arith.muli %sub3A_472, %mul3A_473 : i32
      %multiple_of3A_475 = tpu.assume_multiple %mul3A_474, 8 : i32
      %dma_start3A_476 = tpu.memref_slice %arg7[%multiple_of3A_475] : memref<10000xi32, #tpu.memory_space<vmem>> -> memref<40xi32, #tpu.memory_space<vmem>>
      %dma_start3A_477 = arith.constant 0 : i32
      %dma_start3A_478 = arith.constant 0 : i32
      %dma_start3A_479 = tpu.memref_slice %arg2[%arg0, %dma_start3A_477, %dma_start3A_478] : memref<2x10000x128xf32, #tpu.memory_space<hbm>> -> memref<1x10000x128xf32, #tpu.memory_space<hbm>>
      %dma_start3A_480 = tpu.memref_squeeze %dma_start3A_479 : memref<1x10000x128xf32, #tpu.memory_space<hbm>> -> memref<10000x128xf32, #tpu.memory_space<hbm>>
      %dma_start3A_481 = arith.constant 0 : i32
      %dma_start3A_482 = arith.constant 0 : i32
      %dma_start3A_483 = tpu.memref_slice %dma_start3A_480[%dma_start3A_481, %dma_start3A_482] : memref<10000x128xf32, #tpu.memory_space<hbm>> -> memref<10000x128xf32, #tpu.memory_space<hbm>>
      tpu.enqueue_indirect_dma source(%dma_start3A_483 : memref<10000x128xf32, #tpu.memory_space<hbm>>) target(%arg13 : memref<40x128xf32, #tpu.memory_space<vmem>>) offsets(%dma_start3A_476 : memref<40xi32, #tpu.memory_space<vmem>>) semaphore(%arg15 : memref<!tpu.dma_semaphore, #tpu.memory_space<semaphore_mem>>)
      %mul3A_484 = arith.constant 40 : i32
      %mul3A_485 = arith.muli %add3A_454, %mul3A_484 : i32
      %multiple_of3A_486 = tpu.assume_multiple %mul3A_485, 8 : i32
      "tpu.region"() ({
        %run_scoped3A = tpu.sem_alloc : memref<!tpu.dma_semaphore, #tpu.memory_space<semaphore_mem>>
        %dma_start3A_487 = tpu.memref_slice %arg8[%multiple_of3A_486] : memref<10000xi32, #tpu.memory_space<vmem>> -> memref<40xi32, #tpu.memory_space<vmem>>
        %dma_start3A_488 = arith.constant 0 : i32
        %dma_start3A_489 = arith.constant 0 : i32
        %dma_start3A_490 = tpu.memref_slice %arg6[%dma_start3A_488, %dma_start3A_489] : memref<10000x128xf32, #tpu.memory_space<vmem_shared>> -> memref<10000x128xf32, #tpu.memory_space<vmem_shared>>
        tpu.enqueue_indirect_dma source(%arg14 : memref<40x128xf32, #tpu.memory_space<vmem>>) target(%dma_start3A_490 : memref<10000x128xf32, #tpu.memory_space<vmem_shared>>) offsets(%dma_start3A_487 : memref<40xi32, #tpu.memory_space<vmem>>) semaphore(%run_scoped3A : memref<!tpu.dma_semaphore, #tpu.memory_space<semaphore_mem>>) {add = true}
        %dma_wait3A_491 = tpu.memref_slice %arg8[%multiple_of3A_486] : memref<10000xi32, #tpu.memory_space<vmem>> -> memref<40xi32, #tpu.memory_space<vmem>>
        %dma_wait3A_492 = arith.constant 0 : i32
        %dma_wait3A_493 = arith.constant 0 : i32
        %dma_wait3A_494 = tpu.memref_slice %arg6[%dma_wait3A_492, %dma_wait3A_493] : memref<10000x128xf32, #tpu.memory_space<vmem_shared>> -> memref<10000x128xf32, #tpu.memory_space<vmem_shared>>
        tpu.wait_indirect_dma semaphore(%run_scoped3A : memref<!tpu.dma_semaphore, #tpu.memory_space<semaphore_mem>>) src(%arg14 : memref<40x128xf32, #tpu.memory_space<vmem>>) dst(%dma_wait3A_494 : memref<10000x128xf32, #tpu.memory_space<vmem_shared>>)
        tpu.yield
      }) : () -> ()
    }
    %scan3A_56 = arith.constant 40 : i32
    %dma_wait3A = arith.constant 0 : i32
    %dma_wait3A_57 = arith.constant 0 : i32
    %dma_wait3A_58 = tpu.memref_slice %arg2[%arg0, %dma_wait3A, %dma_wait3A_57] : memref<2x10000x128xf32, #tpu.memory_space<hbm>> -> memref<1x10000x128xf32, #tpu.memory_space<hbm>>
    %dma_wait3A_59 = tpu.memref_squeeze %dma_wait3A_58 : memref<1x10000x128xf32, #tpu.memory_space<hbm>> -> memref<10000x128xf32, #tpu.memory_space<hbm>>
    %dma_wait3A_60 = arith.constant 0 : i32
    %dma_wait3A_61 = arith.constant 0 : i32
    %dma_wait3A_62 = tpu.memref_slice %dma_wait3A_59[%dma_wait3A_60, %dma_wait3A_61] : memref<10000x128xf32, #tpu.memory_space<hbm>> -> memref<40x128xf32, #tpu.memory_space<hbm>>
    %dma_wait3A_63 = arith.constant 0 : i32
    %dma_wait3A_64 = arith.constant 0 : i32
    %dma_wait3A_65 = tpu.memref_slice %arg2[%arg0, %dma_wait3A_63, %dma_wait3A_64] : memref<2x10000x128xf32, #tpu.memory_space<hbm>> -> memref<1x10000x128xf32, #tpu.memory_space<hbm>>
    %dma_wait3A_66 = tpu.memref_squeeze %dma_wait3A_65 : memref<1x10000x128xf32, #tpu.memory_space<hbm>> -> memref<10000x128xf32, #tpu.memory_space<hbm>>
    %dma_wait3A_67 = arith.constant 0 : i32
    %dma_wait3A_68 = arith.constant 0 : i32
    %dma_wait3A_69 = tpu.memref_slice %dma_wait3A_66[%dma_wait3A_67, %dma_wait3A_68] : memref<10000x128xf32, #tpu.memory_space<hbm>> -> memref<40x128xf32, #tpu.memory_space<hbm>>
    tpu.wait_dma2 semaphore(%arg15 : memref<!tpu.dma_semaphore, #tpu.memory_space<semaphore_mem>>) src(%dma_wait3A_69 : memref<40x128xf32, #tpu.memory_space<hbm>>) dst(%arg9 : memref<40x128xf32, #tpu.memory_space<vmem>>)
    %multiple_of3A_70 = arith.constant 9800 : i32
    %multiple_of3A_71 = tpu.assume_multiple %multiple_of3A_70, 8 : i32
    %dma_start3A_72 = tpu.memref_slice %arg7[%multiple_of3A_71] : memref<10000xi32, #tpu.memory_space<vmem>> -> memref<40xi32, #tpu.memory_space<vmem>>
    %dma_start3A_73 = arith.constant 0 : i32
    %dma_start3A_74 = arith.constant 0 : i32
    %dma_start3A_75 = tpu.memref_slice %arg2[%arg0, %dma_start3A_73, %dma_start3A_74] : memref<2x10000x128xf32, #tpu.memory_space<hbm>> -> memref<1x10000x128xf32, #tpu.memory_space<hbm>>
    %dma_start3A_76 = tpu.memref_squeeze %dma_start3A_75 : memref<1x10000x128xf32, #tpu.memory_space<hbm>> -> memref<10000x128xf32, #tpu.memory_space<hbm>>
    %dma_start3A_77 = arith.constant 0 : i32
    %dma_start3A_78 = arith.constant 0 : i32
    %dma_start3A_79 = tpu.memref_slice %dma_start3A_76[%dma_start3A_77, %dma_start3A_78] : memref<10000x128xf32, #tpu.memory_space<hbm>> -> memref<10000x128xf32, #tpu.memory_space<hbm>>
    tpu.enqueue_indirect_dma source(%dma_start3A_79 : memref<10000x128xf32, #tpu.memory_space<hbm>>) target(%arg14 : memref<40x128xf32, #tpu.memory_space<vmem>>) offsets(%dma_start3A_72 : memref<40xi32, #tpu.memory_space<vmem>>) semaphore(%arg15 : memref<!tpu.dma_semaphore, #tpu.memory_space<semaphore_mem>>)
    %multiple_of3A_80 = arith.constant 9600 : i32
    %multiple_of3A_81 = tpu.assume_multiple %multiple_of3A_80, 8 : i32
    "tpu.region"() ({
      %run_scoped3A = tpu.sem_alloc : memref<!tpu.dma_semaphore, #tpu.memory_space<semaphore_mem>>
      %dma_start3A_272 = tpu.memref_slice %arg8[%multiple_of3A_81] : memref<10000xi32, #tpu.memory_space<vmem>> -> memref<40xi32, #tpu.memory_space<vmem>>
      %dma_start3A_273 = arith.constant 0 : i32
      %dma_start3A_274 = arith.constant 0 : i32
      %dma_start3A_275 = tpu.memref_slice %arg6[%dma_start3A_273, %dma_start3A_274] : memref<10000x128xf32, #tpu.memory_space<vmem_shared>> -> memref<10000x128xf32, #tpu.memory_space<vmem_shared>>
      tpu.enqueue_indirect_dma source(%arg9 : memref<40x128xf32, #tpu.memory_space<vmem>>) target(%dma_start3A_275 : memref<10000x128xf32, #tpu.memory_space<vmem_shared>>) offsets(%dma_start3A_272 : memref<40xi32, #tpu.memory_space<vmem>>) semaphore(%run_scoped3A : memref<!tpu.dma_semaphore, #tpu.memory_space<semaphore_mem>>) {add = true}
      %dma_wait3A_276 = tpu.memref_slice %arg8[%multiple_of3A_81] : memref<10000xi32, #tpu.memory_space<vmem>> -> memref<40xi32, #tpu.memory_space<vmem>>
      %dma_wait3A_277 = arith.constant 0 : i32
      %dma_wait3A_278 = arith.constant 0 : i32
      %dma_wait3A_279 = tpu.memref_slice %arg6[%dma_wait3A_277, %dma_wait3A_278] : memref<10000x128xf32, #tpu.memory_space<vmem_shared>> -> memref<10000x128xf32, #tpu.memory_space<vmem_shared>>
      tpu.wait_indirect_dma semaphore(%run_scoped3A : memref<!tpu.dma_semaphore, #tpu.memory_space<semaphore_mem>>) src(%arg9 : memref<40x128xf32, #tpu.memory_space<vmem>>) dst(%dma_wait3A_279 : memref<10000x128xf32, #tpu.memory_space<vmem_shared>>)
      tpu.yield
    }) : () -> ()
    %dma_wait3A_82 = arith.constant 0 : i32
    %dma_wait3A_83 = arith.constant 0 : i32
    %dma_wait3A_84 = tpu.memref_slice %arg2[%arg0, %dma_wait3A_82, %dma_wait3A_83] : memref<2x10000x128xf32, #tpu.memory_space<hbm>> -> memref<1x10000x128xf32, #tpu.memory_space<hbm>>
    %dma_wait3A_85 = tpu.memref_squeeze %dma_wait3A_84 : memref<1x10000x128xf32, #tpu.memory_space<hbm>> -> memref<10000x128xf32, #tpu.memory_space<hbm>>
    %dma_wait3A_86 = arith.constant 0 : i32
    %dma_wait3A_87 = arith.constant 0 : i32
    %dma_wait3A_88 = tpu.memref_slice %dma_wait3A_85[%dma_wait3A_86, %dma_wait3A_87] : memref<10000x128xf32, #tpu.memory_space<hbm>> -> memref<40x128xf32, #tpu.memory_space<hbm>>
    %dma_wait3A_89 = arith.constant 0 : i32
    %dma_wait3A_90 = arith.constant 0 : i32
    %dma_wait3A_91 = tpu.memref_slice %arg2[%arg0, %dma_wait3A_89, %dma_wait3A_90] : memref<2x10000x128xf32, #tpu.memory_space<hbm>> -> memref<1x10000x128xf32, #tpu.memory_space<hbm>>
    %dma_wait3A_92 = tpu.memref_squeeze %dma_wait3A_91 : memref<1x10000x128xf32, #tpu.memory_space<hbm>> -> memref<10000x128xf32, #tpu.memory_space<hbm>>
    %dma_wait3A_93 = arith.constant 0 : i32
    %dma_wait3A_94 = arith.constant 0 : i32
    %dma_wait3A_95 = tpu.memref_slice %dma_wait3A_92[%dma_wait3A_93, %dma_wait3A_94] : memref<10000x128xf32, #tpu.memory_space<hbm>> -> memref<40x128xf32, #tpu.memory_space<hbm>>
    tpu.wait_dma2 semaphore(%arg15 : memref<!tpu.dma_semaphore, #tpu.memory_space<semaphore_mem>>) src(%dma_wait3A_95 : memref<40x128xf32, #tpu.memory_space<hbm>>) dst(%arg10 : memref<40x128xf32, #tpu.memory_space<vmem>>)
    %multiple_of3A_96 = arith.constant 9840 : i32
    %multiple_of3A_97 = tpu.assume_multiple %multiple_of3A_96, 8 : i32
    %dma_start3A_98 = tpu.memref_slice %arg7[%multiple_of3A_97] : memref<10000xi32, #tpu.memory_space<vmem>> -> memref<40xi32, #tpu.memory_space<vmem>>
    %dma_start3A_99 = arith.constant 0 : i32
    %dma_start3A_100 = arith.constant 0 : i32
    %dma_start3A_101 = tpu.memref_slice %arg2[%arg0, %dma_start3A_99, %dma_start3A_100] : memref<2x10000x128xf32, #tpu.memory_space<hbm>> -> memref<1x10000x128xf32, #tpu.memory_space<hbm>>
    %dma_start3A_102 = tpu.memref_squeeze %dma_start3A_101 : memref<1x10000x128xf32, #tpu.memory_space<hbm>> -> memref<10000x128xf32, #tpu.memory_space<hbm>>
    %dma_start3A_103 = arith.constant 0 : i32
    %dma_start3A_104 = arith.constant 0 : i32
    %dma_start3A_105 = tpu.memref_slice %dma_start3A_102[%dma_start3A_103, %dma_start3A_104] : memref<10000x128xf32, #tpu.memory_space<hbm>> -> memref<10000x128xf32, #tpu.memory_space<hbm>>
    tpu.enqueue_indirect_dma source(%dma_start3A_105 : memref<10000x128xf32, #tpu.memory_space<hbm>>) target(%arg9 : memref<40x128xf32, #tpu.memory_space<vmem>>) offsets(%dma_start3A_98 : memref<40xi32, #tpu.memory_space<vmem>>) semaphore(%arg15 : memref<!tpu.dma_semaphore, #tpu.memory_space<semaphore_mem>>)
    %multiple_of3A_106 = arith.constant 9640 : i32
    %multiple_of3A_107 = tpu.assume_multiple %multiple_of3A_106, 8 : i32
    "tpu.region"() ({
      %run_scoped3A = tpu.sem_alloc : memref<!tpu.dma_semaphore, #tpu.memory_space<semaphore_mem>>
      %dma_start3A_272 = tpu.memref_slice %arg8[%multiple_of3A_107] : memref<10000xi32, #tpu.memory_space<vmem>> -> memref<40xi32, #tpu.memory_space<vmem>>
      %dma_start3A_273 = arith.constant 0 : i32
      %dma_start3A_274 = arith.constant 0 : i32
      %dma_start3A_275 = tpu.memref_slice %arg6[%dma_start3A_273, %dma_start3A_274] : memref<10000x128xf32, #tpu.memory_space<vmem_shared>> -> memref<10000x128xf32, #tpu.memory_space<vmem_shared>>
      tpu.enqueue_indirect_dma source(%arg10 : memref<40x128xf32, #tpu.memory_space<vmem>>) target(%dma_start3A_275 : memref<10000x128xf32, #tpu.memory_space<vmem_shared>>) offsets(%dma_start3A_272 : memref<40xi32, #tpu.memory_space<vmem>>) semaphore(%run_scoped3A : memref<!tpu.dma_semaphore, #tpu.memory_space<semaphore_mem>>) {add = true}
      %dma_wait3A_276 = tpu.memref_slice %arg8[%multiple_of3A_107] : memref<10000xi32, #tpu.memory_space<vmem>> -> memref<40xi32, #tpu.memory_space<vmem>>
      %dma_wait3A_277 = arith.constant 0 : i32
      %dma_wait3A_278 = arith.constant 0 : i32
      %dma_wait3A_279 = tpu.memref_slice %arg6[%dma_wait3A_277, %dma_wait3A_278] : memref<10000x128xf32, #tpu.memory_space<vmem_shared>> -> memref<10000x128xf32, #tpu.memory_space<vmem_shared>>
      tpu.wait_indirect_dma semaphore(%run_scoped3A : memref<!tpu.dma_semaphore, #tpu.memory_space<semaphore_mem>>) src(%arg10 : memref<40x128xf32, #tpu.memory_space<vmem>>) dst(%dma_wait3A_279 : memref<10000x128xf32, #tpu.memory_space<vmem_shared>>)
      tpu.yield
    }) : () -> ()
    %dma_wait3A_108 = arith.constant 0 : i32
    %dma_wait3A_109 = arith.constant 0 : i32
    %dma_wait3A_110 = tpu.memref_slice %arg2[%arg0, %dma_wait3A_108, %dma_wait3A_109] : memref<2x10000x128xf32, #tpu.memory_space<hbm>> -> memref<1x10000x128xf32, #tpu.memory_space<hbm>>
    %dma_wait3A_111 = tpu.memref_squeeze %dma_wait3A_110 : memref<1x10000x128xf32, #tpu.memory_space<hbm>> -> memref<10000x128xf32, #tpu.memory_space<hbm>>
    %dma_wait3A_112 = arith.constant 0 : i32
    %dma_wait3A_113 = arith.constant 0 : i32
    %dma_wait3A_114 = tpu.memref_slice %dma_wait3A_111[%dma_wait3A_112, %dma_wait3A_113] : memref<10000x128xf32, #tpu.memory_space<hbm>> -> memref<40x128xf32, #tpu.memory_space<hbm>>
    %dma_wait3A_115 = arith.constant 0 : i32
    %dma_wait3A_116 = arith.constant 0 : i32
    %dma_wait3A_117 = tpu.memref_slice %arg2[%arg0, %dma_wait3A_115, %dma_wait3A_116] : memref<2x10000x128xf32, #tpu.memory_space<hbm>> -> memref<1x10000x128xf32, #tpu.memory_space<hbm>>
    %dma_wait3A_118 = tpu.memref_squeeze %dma_wait3A_117 : memref<1x10000x128xf32, #tpu.memory_space<hbm>> -> memref<10000x128xf32, #tpu.memory_space<hbm>>
    %dma_wait3A_119 = arith.constant 0 : i32
    %dma_wait3A_120 = arith.constant 0 : i32
    %dma_wait3A_121 = tpu.memref_slice %dma_wait3A_118[%dma_wait3A_119, %dma_wait3A_120] : memref<10000x128xf32, #tpu.memory_space<hbm>> -> memref<40x128xf32, #tpu.memory_space<hbm>>
    tpu.wait_dma2 semaphore(%arg15 : memref<!tpu.dma_semaphore, #tpu.memory_space<semaphore_mem>>) src(%dma_wait3A_121 : memref<40x128xf32, #tpu.memory_space<hbm>>) dst(%arg11 : memref<40x128xf32, #tpu.memory_space<vmem>>)
    %multiple_of3A_122 = arith.constant 9880 : i32
    %multiple_of3A_123 = tpu.assume_multiple %multiple_of3A_122, 8 : i32
    %dma_start3A_124 = tpu.memref_slice %arg7[%multiple_of3A_123] : memref<10000xi32, #tpu.memory_space<vmem>> -> memref<40xi32, #tpu.memory_space<vmem>>
    %dma_start3A_125 = arith.constant 0 : i32
    %dma_start3A_126 = arith.constant 0 : i32
    %dma_start3A_127 = tpu.memref_slice %arg2[%arg0, %dma_start3A_125, %dma_start3A_126] : memref<2x10000x128xf32, #tpu.memory_space<hbm>> -> memref<1x10000x128xf32, #tpu.memory_space<hbm>>
    %dma_start3A_128 = tpu.memref_squeeze %dma_start3A_127 : memref<1x10000x128xf32, #tpu.memory_space<hbm>> -> memref<10000x128xf32, #tpu.memory_space<hbm>>
    %dma_start3A_129 = arith.constant 0 : i32
    %dma_start3A_130 = arith.constant 0 : i32
    %dma_start3A_131 = tpu.memref_slice %dma_start3A_128[%dma_start3A_129, %dma_start3A_130] : memref<10000x128xf32, #tpu.memory_space<hbm>> -> memref<10000x128xf32, #tpu.memory_space<hbm>>
    tpu.enqueue_indirect_dma source(%dma_start3A_131 : memref<10000x128xf32, #tpu.memory_space<hbm>>) target(%arg10 : memref<40x128xf32, #tpu.memory_space<vmem>>) offsets(%dma_start3A_124 : memref<40xi32, #tpu.memory_space<vmem>>) semaphore(%arg15 : memref<!tpu.dma_semaphore, #tpu.memory_space<semaphore_mem>>)
    %multiple_of3A_132 = arith.constant 9680 : i32
    %multiple_of3A_133 = tpu.assume_multiple %multiple_of3A_132, 8 : i32
    "tpu.region"() ({
      %run_scoped3A = tpu.sem_alloc : memref<!tpu.dma_semaphore, #tpu.memory_space<semaphore_mem>>
      %dma_start3A_272 = tpu.memref_slice %arg8[%multiple_of3A_133] : memref<10000xi32, #tpu.memory_space<vmem>> -> memref<40xi32, #tpu.memory_space<vmem>>
      %dma_start3A_273 = arith.constant 0 : i32
      %dma_start3A_274 = arith.constant 0 : i32
      %dma_start3A_275 = tpu.memref_slice %arg6[%dma_start3A_273, %dma_start3A_274] : memref<10000x128xf32, #tpu.memory_space<vmem_shared>> -> memref<10000x128xf32, #tpu.memory_space<vmem_shared>>
      tpu.enqueue_indirect_dma source(%arg11 : memref<40x128xf32, #tpu.memory_space<vmem>>) target(%dma_start3A_275 : memref<10000x128xf32, #tpu.memory_space<vmem_shared>>) offsets(%dma_start3A_272 : memref<40xi32, #tpu.memory_space<vmem>>) semaphore(%run_scoped3A : memref<!tpu.dma_semaphore, #tpu.memory_space<semaphore_mem>>) {add = true}
      %dma_wait3A_276 = tpu.memref_slice %arg8[%multiple_of3A_133] : memref<10000xi32, #tpu.memory_space<vmem>> -> memref<40xi32, #tpu.memory_space<vmem>>
      %dma_wait3A_277 = arith.constant 0 : i32
      %dma_wait3A_278 = arith.constant 0 : i32
      %dma_wait3A_279 = tpu.memref_slice %arg6[%dma_wait3A_277, %dma_wait3A_278] : memref<10000x128xf32, #tpu.memory_space<vmem_shared>> -> memref<10000x128xf32, #tpu.memory_space<vmem_shared>>
      tpu.wait_indirect_dma semaphore(%run_scoped3A : memref<!tpu.dma_semaphore, #tpu.memory_space<semaphore_mem>>) src(%arg11 : memref<40x128xf32, #tpu.memory_space<vmem>>) dst(%dma_wait3A_279 : memref<10000x128xf32, #tpu.memory_space<vmem_shared>>)
      tpu.yield
    }) : () -> ()
    %dma_wait3A_134 = arith.constant 0 : i32
    %dma_wait3A_135 = arith.constant 0 : i32
    %dma_wait3A_136 = tpu.memref_slice %arg2[%arg0, %dma_wait3A_134, %dma_wait3A_135] : memref<2x10000x128xf32, #tpu.memory_space<hbm>> -> memref<1x10000x128xf32, #tpu.memory_space<hbm>>
    %dma_wait3A_137 = tpu.memref_squeeze %dma_wait3A_136 : memref<1x10000x128xf32, #tpu.memory_space<hbm>> -> memref<10000x128xf32, #tpu.memory_space<hbm>>
    %dma_wait3A_138 = arith.constant 0 : i32
    %dma_wait3A_139 = arith.constant 0 : i32
    %dma_wait3A_140 = tpu.memref_slice %dma_wait3A_137[%dma_wait3A_138, %dma_wait3A_139] : memref<10000x128xf32, #tpu.memory_space<hbm>> -> memref<40x128xf32, #tpu.memory_space<hbm>>
    %dma_wait3A_141 = arith.constant 0 : i32
    %dma_wait3A_142 = arith.constant 0 : i32
    %dma_wait3A_143 = tpu.memref_slice %arg2[%arg0, %dma_wait3A_141, %dma_wait3A_142] : memref<2x10000x128xf32, #tpu.memory_space<hbm>> -> memref<1x10000x128xf32, #tpu.memory_space<hbm>>
    %dma_wait3A_144 = tpu.memref_squeeze %dma_wait3A_143 : memref<1x10000x128xf32, #tpu.memory_space<hbm>> -> memref<10000x128xf32, #tpu.memory_space<hbm>>
    %dma_wait3A_145 = arith.constant 0 : i32
    %dma_wait3A_146 = arith.constant 0 : i32
    %dma_wait3A_147 = tpu.memref_slice %dma_wait3A_144[%dma_wait3A_145, %dma_wait3A_146] : memref<10000x128xf32, #tpu.memory_space<hbm>> -> memref<40x128xf32, #tpu.memory_space<hbm>>
    tpu.wait_dma2 semaphore(%arg15 : memref<!tpu.dma_semaphore, #tpu.memory_space<semaphore_mem>>) src(%dma_wait3A_147 : memref<40x128xf32, #tpu.memory_space<hbm>>) dst(%arg12 : memref<40x128xf32, #tpu.memory_space<vmem>>)
    %multiple_of3A_148 = arith.constant 9920 : i32
    %multiple_of3A_149 = tpu.assume_multiple %multiple_of3A_148, 8 : i32
    %dma_start3A_150 = tpu.memref_slice %arg7[%multiple_of3A_149] : memref<10000xi32, #tpu.memory_space<vmem>> -> memref<40xi32, #tpu.memory_space<vmem>>
    %dma_start3A_151 = arith.constant 0 : i32
    %dma_start3A_152 = arith.constant 0 : i32
    %dma_start3A_153 = tpu.memref_slice %arg2[%arg0, %dma_start3A_151, %dma_start3A_152] : memref<2x10000x128xf32, #tpu.memory_space<hbm>> -> memref<1x10000x128xf32, #tpu.memory_space<hbm>>
    %dma_start3A_154 = tpu.memref_squeeze %dma_start3A_153 : memref<1x10000x128xf32, #tpu.memory_space<hbm>> -> memref<10000x128xf32, #tpu.memory_space<hbm>>
    %dma_start3A_155 = arith.constant 0 : i32
    %dma_start3A_156 = arith.constant 0 : i32
    %dma_start3A_157 = tpu.memref_slice %dma_start3A_154[%dma_start3A_155, %dma_start3A_156] : memref<10000x128xf32, #tpu.memory_space<hbm>> -> memref<10000x128xf32, #tpu.memory_space<hbm>>
    tpu.enqueue_indirect_dma source(%dma_start3A_157 : memref<10000x128xf32, #tpu.memory_space<hbm>>) target(%arg11 : memref<40x128xf32, #tpu.memory_space<vmem>>) offsets(%dma_start3A_150 : memref<40xi32, #tpu.memory_space<vmem>>) semaphore(%arg15 : memref<!tpu.dma_semaphore, #tpu.memory_space<semaphore_mem>>)
    %multiple_of3A_158 = arith.constant 9720 : i32
    %multiple_of3A_159 = tpu.assume_multiple %multiple_of3A_158, 8 : i32
    "tpu.region"() ({
      %run_scoped3A = tpu.sem_alloc : memref<!tpu.dma_semaphore, #tpu.memory_space<semaphore_mem>>
      %dma_start3A_272 = tpu.memref_slice %arg8[%multiple_of3A_159] : memref<10000xi32, #tpu.memory_space<vmem>> -> memref<40xi32, #tpu.memory_space<vmem>>
      %dma_start3A_273 = arith.constant 0 : i32
      %dma_start3A_274 = arith.constant 0 : i32
      %dma_start3A_275 = tpu.memref_slice %arg6[%dma_start3A_273, %dma_start3A_274] : memref<10000x128xf32, #tpu.memory_space<vmem_shared>> -> memref<10000x128xf32, #tpu.memory_space<vmem_shared>>
      tpu.enqueue_indirect_dma source(%arg12 : memref<40x128xf32, #tpu.memory_space<vmem>>) target(%dma_start3A_275 : memref<10000x128xf32, #tpu.memory_space<vmem_shared>>) offsets(%dma_start3A_272 : memref<40xi32, #tpu.memory_space<vmem>>) semaphore(%run_scoped3A : memref<!tpu.dma_semaphore, #tpu.memory_space<semaphore_mem>>) {add = true}
      %dma_wait3A_276 = tpu.memref_slice %arg8[%multiple_of3A_159] : memref<10000xi32, #tpu.memory_space<vmem>> -> memref<40xi32, #tpu.memory_space<vmem>>
      %dma_wait3A_277 = arith.constant 0 : i32
      %dma_wait3A_278 = arith.constant 0 : i32
      %dma_wait3A_279 = tpu.memref_slice %arg6[%dma_wait3A_277, %dma_wait3A_278] : memref<10000x128xf32, #tpu.memory_space<vmem_shared>> -> memref<10000x128xf32, #tpu.memory_space<vmem_shared>>
      tpu.wait_indirect_dma semaphore(%run_scoped3A : memref<!tpu.dma_semaphore, #tpu.memory_space<semaphore_mem>>) src(%arg12 : memref<40x128xf32, #tpu.memory_space<vmem>>) dst(%dma_wait3A_279 : memref<10000x128xf32, #tpu.memory_space<vmem_shared>>)
      tpu.yield
    }) : () -> ()
    %dma_wait3A_160 = arith.constant 0 : i32
    %dma_wait3A_161 = arith.constant 0 : i32
    %dma_wait3A_162 = tpu.memref_slice %arg2[%arg0, %dma_wait3A_160, %dma_wait3A_161] : memref<2x10000x128xf32, #tpu.memory_space<hbm>> -> memref<1x10000x128xf32, #tpu.memory_space<hbm>>
    %dma_wait3A_163 = tpu.memref_squeeze %dma_wait3A_162 : memref<1x10000x128xf32, #tpu.memory_space<hbm>> -> memref<10000x128xf32, #tpu.memory_space<hbm>>
    %dma_wait3A_164 = arith.constant 0 : i32
    %dma_wait3A_165 = arith.constant 0 : i32
    %dma_wait3A_166 = tpu.memref_slice %dma_wait3A_163[%dma_wait3A_164, %dma_wait3A_165] : memref<10000x128xf32, #tpu.memory_space<hbm>> -> memref<40x128xf32, #tpu.memory_space<hbm>>
    %dma_wait3A_167 = arith.constant 0 : i32
    %dma_wait3A_168 = arith.constant 0 : i32
    %dma_wait3A_169 = tpu.memref_slice %arg2[%arg0, %dma_wait3A_167, %dma_wait3A_168] : memref<2x10000x128xf32, #tpu.memory_space<hbm>> -> memref<1x10000x128xf32, #tpu.memory_space<hbm>>
    %dma_wait3A_170 = tpu.memref_squeeze %dma_wait3A_169 : memref<1x10000x128xf32, #tpu.memory_space<hbm>> -> memref<10000x128xf32, #tpu.memory_space<hbm>>
    %dma_wait3A_171 = arith.constant 0 : i32
    %dma_wait3A_172 = arith.constant 0 : i32
    %dma_wait3A_173 = tpu.memref_slice %dma_wait3A_170[%dma_wait3A_171, %dma_wait3A_172] : memref<10000x128xf32, #tpu.memory_space<hbm>> -> memref<40x128xf32, #tpu.memory_space<hbm>>
    tpu.wait_dma2 semaphore(%arg15 : memref<!tpu.dma_semaphore, #tpu.memory_space<semaphore_mem>>) src(%dma_wait3A_173 : memref<40x128xf32, #tpu.memory_space<hbm>>) dst(%arg13 : memref<40x128xf32, #tpu.memory_space<vmem>>)
    %multiple_of3A_174 = arith.constant 9960 : i32
    %multiple_of3A_175 = tpu.assume_multiple %multiple_of3A_174, 8 : i32
    %dma_start3A_176 = tpu.memref_slice %arg7[%multiple_of3A_175] : memref<10000xi32, #tpu.memory_space<vmem>> -> memref<40xi32, #tpu.memory_space<vmem>>
    %dma_start3A_177 = arith.constant 0 : i32
    %dma_start3A_178 = arith.constant 0 : i32
    %dma_start3A_179 = tpu.memref_slice %arg2[%arg0, %dma_start3A_177, %dma_start3A_178] : memref<2x10000x128xf32, #tpu.memory_space<hbm>> -> memref<1x10000x128xf32, #tpu.memory_space<hbm>>
    %dma_start3A_180 = tpu.memref_squeeze %dma_start3A_179 : memref<1x10000x128xf32, #tpu.memory_space<hbm>> -> memref<10000x128xf32, #tpu.memory_space<hbm>>
    %dma_start3A_181 = arith.constant 0 : i32
    %dma_start3A_182 = arith.constant 0 : i32
    %dma_start3A_183 = tpu.memref_slice %dma_start3A_180[%dma_start3A_181, %dma_start3A_182] : memref<10000x128xf32, #tpu.memory_space<hbm>> -> memref<10000x128xf32, #tpu.memory_space<hbm>>
    tpu.enqueue_indirect_dma source(%dma_start3A_183 : memref<10000x128xf32, #tpu.memory_space<hbm>>) target(%arg12 : memref<40x128xf32, #tpu.memory_space<vmem>>) offsets(%dma_start3A_176 : memref<40xi32, #tpu.memory_space<vmem>>) semaphore(%arg15 : memref<!tpu.dma_semaphore, #tpu.memory_space<semaphore_mem>>)
    %multiple_of3A_184 = arith.constant 9760 : i32
    %multiple_of3A_185 = tpu.assume_multiple %multiple_of3A_184, 8 : i32
    "tpu.region"() ({
      %run_scoped3A = tpu.sem_alloc : memref<!tpu.dma_semaphore, #tpu.memory_space<semaphore_mem>>
      %dma_start3A_272 = tpu.memref_slice %arg8[%multiple_of3A_185] : memref<10000xi32, #tpu.memory_space<vmem>> -> memref<40xi32, #tpu.memory_space<vmem>>
      %dma_start3A_273 = arith.constant 0 : i32
      %dma_start3A_274 = arith.constant 0 : i32
      %dma_start3A_275 = tpu.memref_slice %arg6[%dma_start3A_273, %dma_start3A_274] : memref<10000x128xf32, #tpu.memory_space<vmem_shared>> -> memref<10000x128xf32, #tpu.memory_space<vmem_shared>>
      tpu.enqueue_indirect_dma source(%arg13 : memref<40x128xf32, #tpu.memory_space<vmem>>) target(%dma_start3A_275 : memref<10000x128xf32, #tpu.memory_space<vmem_shared>>) offsets(%dma_start3A_272 : memref<40xi32, #tpu.memory_space<vmem>>) semaphore(%run_scoped3A : memref<!tpu.dma_semaphore, #tpu.memory_space<semaphore_mem>>) {add = true}
      %dma_wait3A_276 = tpu.memref_slice %arg8[%multiple_of3A_185] : memref<10000xi32, #tpu.memory_space<vmem>> -> memref<40xi32, #tpu.memory_space<vmem>>
      %dma_wait3A_277 = arith.constant 0 : i32
      %dma_wait3A_278 = arith.constant 0 : i32
      %dma_wait3A_279 = tpu.memref_slice %arg6[%dma_wait3A_277, %dma_wait3A_278] : memref<10000x128xf32, #tpu.memory_space<vmem_shared>> -> memref<10000x128xf32, #tpu.memory_space<vmem_shared>>
      tpu.wait_indirect_dma semaphore(%run_scoped3A : memref<!tpu.dma_semaphore, #tpu.memory_space<semaphore_mem>>) src(%arg13 : memref<40x128xf32, #tpu.memory_space<vmem>>) dst(%dma_wait3A_279 : memref<10000x128xf32, #tpu.memory_space<vmem_shared>>)
      tpu.yield
    }) : () -> ()
    %dma_wait3A_186 = arith.constant 0 : i32
    %dma_wait3A_187 = arith.constant 0 : i32
    %dma_wait3A_188 = tpu.memref_slice %arg2[%arg0, %dma_wait3A_186, %dma_wait3A_187] : memref<2x10000x128xf32, #tpu.memory_space<hbm>> -> memref<1x10000x128xf32, #tpu.memory_space<hbm>>
    %dma_wait3A_189 = tpu.memref_squeeze %dma_wait3A_188 : memref<1x10000x128xf32, #tpu.memory_space<hbm>> -> memref<10000x128xf32, #tpu.memory_space<hbm>>
    %dma_wait3A_190 = arith.constant 0 : i32
    %dma_wait3A_191 = arith.constant 0 : i32
    %dma_wait3A_192 = tpu.memref_slice %dma_wait3A_189[%dma_wait3A_190, %dma_wait3A_191] : memref<10000x128xf32, #tpu.memory_space<hbm>> -> memref<40x128xf32, #tpu.memory_space<hbm>>
    %dma_wait3A_193 = arith.constant 0 : i32
    %dma_wait3A_194 = arith.constant 0 : i32
    %dma_wait3A_195 = tpu.memref_slice %arg2[%arg0, %dma_wait3A_193, %dma_wait3A_194] : memref<2x10000x128xf32, #tpu.memory_space<hbm>> -> memref<1x10000x128xf32, #tpu.memory_space<hbm>>
    %dma_wait3A_196 = tpu.memref_squeeze %dma_wait3A_195 : memref<1x10000x128xf32, #tpu.memory_space<hbm>> -> memref<10000x128xf32, #tpu.memory_space<hbm>>
    %dma_wait3A_197 = arith.constant 0 : i32
    %dma_wait3A_198 = arith.constant 0 : i32
    %dma_wait3A_199 = tpu.memref_slice %dma_wait3A_196[%dma_wait3A_197, %dma_wait3A_198] : memref<10000x128xf32, #tpu.memory_space<hbm>> -> memref<40x128xf32, #tpu.memory_space<hbm>>
    tpu.wait_dma2 semaphore(%arg15 : memref<!tpu.dma_semaphore, #tpu.memory_space<semaphore_mem>>) src(%dma_wait3A_199 : memref<40x128xf32, #tpu.memory_space<hbm>>) dst(%arg14 : memref<40x128xf32, #tpu.memory_space<vmem>>)
    %multiple_of3A_200 = arith.constant 9800 : i32
    %multiple_of3A_201 = tpu.assume_multiple %multiple_of3A_200, 8 : i32
    "tpu.region"() ({
      %run_scoped3A = tpu.sem_alloc : memref<!tpu.dma_semaphore, #tpu.memory_space<semaphore_mem>>
      %dma_start3A_272 = tpu.memref_slice %arg8[%multiple_of3A_201] : memref<10000xi32, #tpu.memory_space<vmem>> -> memref<40xi32, #tpu.memory_space<vmem>>
      %dma_start3A_273 = arith.constant 0 : i32
      %dma_start3A_274 = arith.constant 0 : i32
      %dma_start3A_275 = tpu.memref_slice %arg6[%dma_start3A_273, %dma_start3A_274] : memref<10000x128xf32, #tpu.memory_space<vmem_shared>> -> memref<10000x128xf32, #tpu.memory_space<vmem_shared>>
      tpu.enqueue_indirect_dma source(%arg14 : memref<40x128xf32, #tpu.memory_space<vmem>>) target(%dma_start3A_275 : memref<10000x128xf32, #tpu.memory_space<vmem_shared>>) offsets(%dma_start3A_272 : memref<40xi32, #tpu.memory_space<vmem>>) semaphore(%run_scoped3A : memref<!tpu.dma_semaphore, #tpu.memory_space<semaphore_mem>>) {add = true}
      %dma_wait3A_276 = tpu.memref_slice %arg8[%multiple_of3A_201] : memref<10000xi32, #tpu.memory_space<vmem>> -> memref<40xi32, #tpu.memory_space<vmem>>
      %dma_wait3A_277 = arith.constant 0 : i32
      %dma_wait3A_278 = arith.constant 0 : i32
      %dma_wait3A_279 = tpu.memref_slice %arg6[%dma_wait3A_277, %dma_wait3A_278] : memref<10000x128xf32, #tpu.memory_space<vmem_shared>> -> memref<10000x128xf32, #tpu.memory_space<vmem_shared>>
      tpu.wait_indirect_dma semaphore(%run_scoped3A : memref<!tpu.dma_semaphore, #tpu.memory_space<semaphore_mem>>) src(%arg14 : memref<40x128xf32, #tpu.memory_space<vmem>>) dst(%dma_wait3A_279 : memref<10000x128xf32, #tpu.memory_space<vmem_shared>>)
      tpu.yield
    }) : () -> ()
    %dma_wait3A_202 = arith.constant 0 : i32
    %dma_wait3A_203 = arith.constant 0 : i32
    %dma_wait3A_204 = tpu.memref_slice %arg2[%arg0, %dma_wait3A_202, %dma_wait3A_203] : memref<2x10000x128xf32, #tpu.memory_space<hbm>> -> memref<1x10000x128xf32, #tpu.memory_space<hbm>>
    %dma_wait3A_205 = tpu.memref_squeeze %dma_wait3A_204 : memref<1x10000x128xf32, #tpu.memory_space<hbm>> -> memref<10000x128xf32, #tpu.memory_space<hbm>>
    %dma_wait3A_206 = arith.constant 0 : i32
    %dma_wait3A_207 = arith.constant 0 : i32
    %dma_wait3A_208 = tpu.memref_slice %dma_wait3A_205[%dma_wait3A_206, %dma_wait3A_207] : memref<10000x128xf32, #tpu.memory_space<hbm>> -> memref<40x128xf32, #tpu.memory_space<hbm>>
    %dma_wait3A_209 = arith.constant 0 : i32
    %dma_wait3A_210 = arith.constant 0 : i32
    %dma_wait3A_211 = tpu.memref_slice %arg2[%arg0, %dma_wait3A_209, %dma_wait3A_210] : memref<2x10000x128xf32, #tpu.memory_space<hbm>> -> memref<1x10000x128xf32, #tpu.memory_space<hbm>>
    %dma_wait3A_212 = tpu.memref_squeeze %dma_wait3A_211 : memref<1x10000x128xf32, #tpu.memory_space<hbm>> -> memref<10000x128xf32, #tpu.memory_space<hbm>>
    %dma_wait3A_213 = arith.constant 0 : i32
    %dma_wait3A_214 = arith.constant 0 : i32
    %dma_wait3A_215 = tpu.memref_slice %dma_wait3A_212[%dma_wait3A_213, %dma_wait3A_214] : memref<10000x128xf32, #tpu.memory_space<hbm>> -> memref<40x128xf32, #tpu.memory_space<hbm>>
    tpu.wait_dma2 semaphore(%arg15 : memref<!tpu.dma_semaphore, #tpu.memory_space<semaphore_mem>>) src(%dma_wait3A_215 : memref<40x128xf32, #tpu.memory_space<hbm>>) dst(%arg9 : memref<40x128xf32, #tpu.memory_space<vmem>>)
    %multiple_of3A_216 = arith.constant 9840 : i32
    %multiple_of3A_217 = tpu.assume_multiple %multiple_of3A_216, 8 : i32
    "tpu.region"() ({
      %run_scoped3A = tpu.sem_alloc : memref<!tpu.dma_semaphore, #tpu.memory_space<semaphore_mem>>
      %dma_start3A_272 = tpu.memref_slice %arg8[%multiple_of3A_217] : memref<10000xi32, #tpu.memory_space<vmem>> -> memref<40xi32, #tpu.memory_space<vmem>>
      %dma_start3A_273 = arith.constant 0 : i32
      %dma_start3A_274 = arith.constant 0 : i32
      %dma_start3A_275 = tpu.memref_slice %arg6[%dma_start3A_273, %dma_start3A_274] : memref<10000x128xf32, #tpu.memory_space<vmem_shared>> -> memref<10000x128xf32, #tpu.memory_space<vmem_shared>>
      tpu.enqueue_indirect_dma source(%arg9 : memref<40x128xf32, #tpu.memory_space<vmem>>) target(%dma_start3A_275 : memref<10000x128xf32, #tpu.memory_space<vmem_shared>>) offsets(%dma_start3A_272 : memref<40xi32, #tpu.memory_space<vmem>>) semaphore(%run_scoped3A : memref<!tpu.dma_semaphore, #tpu.memory_space<semaphore_mem>>) {add = true}
      %dma_wait3A_276 = tpu.memref_slice %arg8[%multiple_of3A_217] : memref<10000xi32, #tpu.memory_space<vmem>> -> memref<40xi32, #tpu.memory_space<vmem>>
      %dma_wait3A_277 = arith.constant 0 : i32
      %dma_wait3A_278 = arith.constant 0 : i32
      %dma_wait3A_279 = tpu.memref_slice %arg6[%dma_wait3A_277, %dma_wait3A_278] : memref<10000x128xf32, #tpu.memory_space<vmem_shared>> -> memref<10000x128xf32, #tpu.memory_space<vmem_shared>>
      tpu.wait_indirect_dma semaphore(%run_scoped3A : memref<!tpu.dma_semaphore, #tpu.memory_space<semaphore_mem>>) src(%arg9 : memref<40x128xf32, #tpu.memory_space<vmem>>) dst(%dma_wait3A_279 : memref<10000x128xf32, #tpu.memory_space<vmem_shared>>)
      tpu.yield
    }) : () -> ()
    %dma_wait3A_218 = arith.constant 0 : i32
    %dma_wait3A_219 = arith.constant 0 : i32
    %dma_wait3A_220 = tpu.memref_slice %arg2[%arg0, %dma_wait3A_218, %dma_wait3A_219] : memref<2x10000x128xf32, #tpu.memory_space<hbm>> -> memref<1x10000x128xf32, #tpu.memory_space<hbm>>
    %dma_wait3A_221 = tpu.memref_squeeze %dma_wait3A_220 : memref<1x10000x128xf32, #tpu.memory_space<hbm>> -> memref<10000x128xf32, #tpu.memory_space<hbm>>
    %dma_wait3A_222 = arith.constant 0 : i32
    %dma_wait3A_223 = arith.constant 0 : i32
    %dma_wait3A_224 = tpu.memref_slice %dma_wait3A_221[%dma_wait3A_222, %dma_wait3A_223] : memref<10000x128xf32, #tpu.memory_space<hbm>> -> memref<40x128xf32, #tpu.memory_space<hbm>>
    %dma_wait3A_225 = arith.constant 0 : i32
    %dma_wait3A_226 = arith.constant 0 : i32
    %dma_wait3A_227 = tpu.memref_slice %arg2[%arg0, %dma_wait3A_225, %dma_wait3A_226] : memref<2x10000x128xf32, #tpu.memory_space<hbm>> -> memref<1x10000x128xf32, #tpu.memory_space<hbm>>
    %dma_wait3A_228 = tpu.memref_squeeze %dma_wait3A_227 : memref<1x10000x128xf32, #tpu.memory_space<hbm>> -> memref<10000x128xf32, #tpu.memory_space<hbm>>
    %dma_wait3A_229 = arith.constant 0 : i32
    %dma_wait3A_230 = arith.constant 0 : i32
    %dma_wait3A_231 = tpu.memref_slice %dma_wait3A_228[%dma_wait3A_229, %dma_wait3A_230] : memref<10000x128xf32, #tpu.memory_space<hbm>> -> memref<40x128xf32, #tpu.memory_space<hbm>>
    tpu.wait_dma2 semaphore(%arg15 : memref<!tpu.dma_semaphore, #tpu.memory_space<semaphore_mem>>) src(%dma_wait3A_231 : memref<40x128xf32, #tpu.memory_space<hbm>>) dst(%arg10 : memref<40x128xf32, #tpu.memory_space<vmem>>)
    %multiple_of3A_232 = arith.constant 9880 : i32
    %multiple_of3A_233 = tpu.assume_multiple %multiple_of3A_232, 8 : i32
    "tpu.region"() ({
      %run_scoped3A = tpu.sem_alloc : memref<!tpu.dma_semaphore, #tpu.memory_space<semaphore_mem>>
      %dma_start3A_272 = tpu.memref_slice %arg8[%multiple_of3A_233] : memref<10000xi32, #tpu.memory_space<vmem>> -> memref<40xi32, #tpu.memory_space<vmem>>
      %dma_start3A_273 = arith.constant 0 : i32
      %dma_start3A_274 = arith.constant 0 : i32
      %dma_start3A_275 = tpu.memref_slice %arg6[%dma_start3A_273, %dma_start3A_274] : memref<10000x128xf32, #tpu.memory_space<vmem_shared>> -> memref<10000x128xf32, #tpu.memory_space<vmem_shared>>
      tpu.enqueue_indirect_dma source(%arg10 : memref<40x128xf32, #tpu.memory_space<vmem>>) target(%dma_start3A_275 : memref<10000x128xf32, #tpu.memory_space<vmem_shared>>) offsets(%dma_start3A_272 : memref<40xi32, #tpu.memory_space<vmem>>) semaphore(%run_scoped3A : memref<!tpu.dma_semaphore, #tpu.memory_space<semaphore_mem>>) {add = true}
      %dma_wait3A_276 = tpu.memref_slice %arg8[%multiple_of3A_233] : memref<10000xi32, #tpu.memory_space<vmem>> -> memref<40xi32, #tpu.memory_space<vmem>>
      %dma_wait3A_277 = arith.constant 0 : i32
      %dma_wait3A_278 = arith.constant 0 : i32
      %dma_wait3A_279 = tpu.memref_slice %arg6[%dma_wait3A_277, %dma_wait3A_278] : memref<10000x128xf32, #tpu.memory_space<vmem_shared>> -> memref<10000x128xf32, #tpu.memory_space<vmem_shared>>
      tpu.wait_indirect_dma semaphore(%run_scoped3A : memref<!tpu.dma_semaphore, #tpu.memory_space<semaphore_mem>>) src(%arg10 : memref<40x128xf32, #tpu.memory_space<vmem>>) dst(%dma_wait3A_279 : memref<10000x128xf32, #tpu.memory_space<vmem_shared>>)
      tpu.yield
    }) : () -> ()
    %dma_wait3A_234 = arith.constant 0 : i32
    %dma_wait3A_235 = arith.constant 0 : i32
    %dma_wait3A_236 = tpu.memref_slice %arg2[%arg0, %dma_wait3A_234, %dma_wait3A_235] : memref<2x10000x128xf32, #tpu.memory_space<hbm>> -> memref<1x10000x128xf32, #tpu.memory_space<hbm>>
    %dma_wait3A_237 = tpu.memref_squeeze %dma_wait3A_236 : memref<1x10000x128xf32, #tpu.memory_space<hbm>> -> memref<10000x128xf32, #tpu.memory_space<hbm>>
    %dma_wait3A_238 = arith.constant 0 : i32
    %dma_wait3A_239 = arith.constant 0 : i32
    %dma_wait3A_240 = tpu.memref_slice %dma_wait3A_237[%dma_wait3A_238, %dma_wait3A_239] : memref<10000x128xf32, #tpu.memory_space<hbm>> -> memref<40x128xf32, #tpu.memory_space<hbm>>
    %dma_wait3A_241 = arith.constant 0 : i32
    %dma_wait3A_242 = arith.constant 0 : i32
    %dma_wait3A_243 = tpu.memref_slice %arg2[%arg0, %dma_wait3A_241, %dma_wait3A_242] : memref<2x10000x128xf32, #tpu.memory_space<hbm>> -> memref<1x10000x128xf32, #tpu.memory_space<hbm>>
    %dma_wait3A_244 = tpu.memref_squeeze %dma_wait3A_243 : memref<1x10000x128xf32, #tpu.memory_space<hbm>> -> memref<10000x128xf32, #tpu.memory_space<hbm>>
    %dma_wait3A_245 = arith.constant 0 : i32
    %dma_wait3A_246 = arith.constant 0 : i32
    %dma_wait3A_247 = tpu.memref_slice %dma_wait3A_244[%dma_wait3A_245, %dma_wait3A_246] : memref<10000x128xf32, #tpu.memory_space<hbm>> -> memref<40x128xf32, #tpu.memory_space<hbm>>
    tpu.wait_dma2 semaphore(%arg15 : memref<!tpu.dma_semaphore, #tpu.memory_space<semaphore_mem>>) src(%dma_wait3A_247 : memref<40x128xf32, #tpu.memory_space<hbm>>) dst(%arg11 : memref<40x128xf32, #tpu.memory_space<vmem>>)
    %multiple_of3A_248 = arith.constant 9920 : i32
    %multiple_of3A_249 = tpu.assume_multiple %multiple_of3A_248, 8 : i32
    "tpu.region"() ({
      %run_scoped3A = tpu.sem_alloc : memref<!tpu.dma_semaphore, #tpu.memory_space<semaphore_mem>>
      %dma_start3A_272 = tpu.memref_slice %arg8[%multiple_of3A_249] : memref<10000xi32, #tpu.memory_space<vmem>> -> memref<40xi32, #tpu.memory_space<vmem>>
      %dma_start3A_273 = arith.constant 0 : i32
      %dma_start3A_274 = arith.constant 0 : i32
      %dma_start3A_275 = tpu.memref_slice %arg6[%dma_start3A_273, %dma_start3A_274] : memref<10000x128xf32, #tpu.memory_space<vmem_shared>> -> memref<10000x128xf32, #tpu.memory_space<vmem_shared>>
      tpu.enqueue_indirect_dma source(%arg11 : memref<40x128xf32, #tpu.memory_space<vmem>>) target(%dma_start3A_275 : memref<10000x128xf32, #tpu.memory_space<vmem_shared>>) offsets(%dma_start3A_272 : memref<40xi32, #tpu.memory_space<vmem>>) semaphore(%run_scoped3A : memref<!tpu.dma_semaphore, #tpu.memory_space<semaphore_mem>>) {add = true}
      %dma_wait3A_276 = tpu.memref_slice %arg8[%multiple_of3A_249] : memref<10000xi32, #tpu.memory_space<vmem>> -> memref<40xi32, #tpu.memory_space<vmem>>
      %dma_wait3A_277 = arith.constant 0 : i32
      %dma_wait3A_278 = arith.constant 0 : i32
      %dma_wait3A_279 = tpu.memref_slice %arg6[%dma_wait3A_277, %dma_wait3A_278] : memref<10000x128xf32, #tpu.memory_space<vmem_shared>> -> memref<10000x128xf32, #tpu.memory_space<vmem_shared>>
      tpu.wait_indirect_dma semaphore(%run_scoped3A : memref<!tpu.dma_semaphore, #tpu.memory_space<semaphore_mem>>) src(%arg11 : memref<40x128xf32, #tpu.memory_space<vmem>>) dst(%dma_wait3A_279 : memref<10000x128xf32, #tpu.memory_space<vmem_shared>>)
      tpu.yield
    }) : () -> ()
    %dma_wait3A_250 = arith.constant 0 : i32
    %dma_wait3A_251 = arith.constant 0 : i32
    %dma_wait3A_252 = tpu.memref_slice %arg2[%arg0, %dma_wait3A_250, %dma_wait3A_251] : memref<2x10000x128xf32, #tpu.memory_space<hbm>> -> memref<1x10000x128xf32, #tpu.memory_space<hbm>>
    %dma_wait3A_253 = tpu.memref_squeeze %dma_wait3A_252 : memref<1x10000x128xf32, #tpu.memory_space<hbm>> -> memref<10000x128xf32, #tpu.memory_space<hbm>>
    %dma_wait3A_254 = arith.constant 0 : i32
    %dma_wait3A_255 = arith.constant 0 : i32
    %dma_wait3A_256 = tpu.memref_slice %dma_wait3A_253[%dma_wait3A_254, %dma_wait3A_255] : memref<10000x128xf32, #tpu.memory_space<hbm>> -> memref<40x128xf32, #tpu.memory_space<hbm>>
    %dma_wait3A_257 = arith.constant 0 : i32
    %dma_wait3A_258 = arith.constant 0 : i32
    %dma_wait3A_259 = tpu.memref_slice %arg2[%arg0, %dma_wait3A_257, %dma_wait3A_258] : memref<2x10000x128xf32, #tpu.memory_space<hbm>> -> memref<1x10000x128xf32, #tpu.memory_space<hbm>>
    %dma_wait3A_260 = tpu.memref_squeeze %dma_wait3A_259 : memref<1x10000x128xf32, #tpu.memory_space<hbm>> -> memref<10000x128xf32, #tpu.memory_space<hbm>>
    %dma_wait3A_261 = arith.constant 0 : i32
    %dma_wait3A_262 = arith.constant 0 : i32
    %dma_wait3A_263 = tpu.memref_slice %dma_wait3A_260[%dma_wait3A_261, %dma_wait3A_262] : memref<10000x128xf32, #tpu.memory_space<hbm>> -> memref<40x128xf32, #tpu.memory_space<hbm>>
    tpu.wait_dma2 semaphore(%arg15 : memref<!tpu.dma_semaphore, #tpu.memory_space<semaphore_mem>>) src(%dma_wait3A_263 : memref<40x128xf32, #tpu.memory_space<hbm>>) dst(%arg12 : memref<40x128xf32, #tpu.memory_space<vmem>>)
    %multiple_of3A_264 = arith.constant 9960 : i32
    %multiple_of3A_265 = tpu.assume_multiple %multiple_of3A_264, 8 : i32
    "tpu.region"() ({
      %run_scoped3A = tpu.sem_alloc : memref<!tpu.dma_semaphore, #tpu.memory_space<semaphore_mem>>
      %dma_start3A_272 = tpu.memref_slice %arg8[%multiple_of3A_265] : memref<10000xi32, #tpu.memory_space<vmem>> -> memref<40xi32, #tpu.memory_space<vmem>>
      %dma_start3A_273 = arith.constant 0 : i32
      %dma_start3A_274 = arith.constant 0 : i32
      %dma_start3A_275 = tpu.memref_slice %arg6[%dma_start3A_273, %dma_start3A_274] : memref<10000x128xf32, #tpu.memory_space<vmem_shared>> -> memref<10000x128xf32, #tpu.memory_space<vmem_shared>>
      tpu.enqueue_indirect_dma source(%arg12 : memref<40x128xf32, #tpu.memory_space<vmem>>) target(%dma_start3A_275 : memref<10000x128xf32, #tpu.memory_space<vmem_shared>>) offsets(%dma_start3A_272 : memref<40xi32, #tpu.memory_space<vmem>>) semaphore(%run_scoped3A : memref<!tpu.dma_semaphore, #tpu.memory_space<semaphore_mem>>) {add = true}
      %dma_wait3A_276 = tpu.memref_slice %arg8[%multiple_of3A_265] : memref<10000xi32, #tpu.memory_space<vmem>> -> memref<40xi32, #tpu.memory_space<vmem>>
      %dma_wait3A_277 = arith.constant 0 : i32
      %dma_wait3A_278 = arith.constant 0 : i32
      %dma_wait3A_279 = tpu.memref_slice %arg6[%dma_wait3A_277, %dma_wait3A_278] : memref<10000x128xf32, #tpu.memory_space<vmem_shared>> -> memref<10000x128xf32, #tpu.memory_space<vmem_shared>>
      tpu.wait_indirect_dma semaphore(%run_scoped3A : memref<!tpu.dma_semaphore, #tpu.memory_space<semaphore_mem>>) src(%arg12 : memref<40x128xf32, #tpu.memory_space<vmem>>) dst(%dma_wait3A_279 : memref<10000x128xf32, #tpu.memory_space<vmem_shared>>)
      tpu.yield
    }) : () -> ()
    %barrier3A_266 = arith.constant 0 : index
    tpu.barrier barrier_id(%barrier3A_266)
    %eq3A_267 = arith.constant 0 : i32
    %eq3A_268 = arith.cmpi eq, %arg1, %eq3A_267 : i32
    %convert_element_type3A_269 = arith.extui %eq3A_268 : i1 to i32
    %cond3A_270 = arith.constant 0 : i32
    %cond3A_271 = arith.cmpi ne, %convert_element_type3A_269, %cond3A_270 : i32
    scf.if %cond3A_271 {
      "tpu.region"() ({
        %run_scoped3A = tpu.sem_alloc : memref<!tpu.dma_semaphore, #tpu.memory_space<semaphore_mem>>
        %dma_start3A_272 = arith.constant 0 : i32
        %dma_start3A_273 = arith.constant 0 : i32
        %dma_start3A_274 = tpu.memref_slice %arg5[%arg0, %dma_start3A_272, %dma_start3A_273] : memref<2x10000x128xf32, #tpu.memory_space<hbm>> -> memref<1x10000x128xf32, #tpu.memory_space<hbm>>
        %dma_start3A_275 = tpu.memref_squeeze %dma_start3A_274 : memref<1x10000x128xf32, #tpu.memory_space<hbm>> -> memref<10000x128xf32, #tpu.memory_space<hbm>>
        tpu.enqueue_dma source(%arg6 : memref<10000x128xf32, #tpu.memory_space<vmem_shared>>) target(%dma_start3A_275 : memref<10000x128xf32, #tpu.memory_space<hbm>>) target_semaphore(%run_scoped3A : memref<!tpu.dma_semaphore, #tpu.memory_space<semaphore_mem>>)
        %dma_wait3A_276 = arith.constant 0 : i32
        %dma_wait3A_277 = arith.constant 0 : i32
        %dma_wait3A_278 = tpu.memref_slice %arg5[%arg0, %dma_wait3A_276, %dma_wait3A_277] : memref<2x10000x128xf32, #tpu.memory_space<hbm>> -> memref<1x10000x128xf32, #tpu.memory_space<hbm>>
        %dma_wait3A_279 = tpu.memref_squeeze %dma_wait3A_278 : memref<1x10000x128xf32, #tpu.memory_space<hbm>> -> memref<10000x128xf32, #tpu.memory_space<hbm>>
        tpu.wait_dma2 semaphore(%run_scoped3A : memref<!tpu.dma_semaphore, #tpu.memory_space<semaphore_mem>>) src(%arg6 : memref<10000x128xf32, #tpu.memory_space<vmem_shared>>) dst(%dma_wait3A_279 : memref<10000x128xf32, #tpu.memory_space<hbm>>)
        tpu.yield
      }) : () -> ()
    } else {
    }
    return
  }
}

module attributes {stable_mosaic.version = 14 : i64} {
  func.func @_tc1_body(%arg0: i32, %arg1: memref<400x256xf32, #tpu.memory_space<vmem>>, %arg2: memref<256x256xf32, #tpu.memory_space<vmem>>, %arg3: memref<400x1xf32, #tpu.memory_space<vmem>>, %arg4: memref<2x400x128xf32, #tpu.memory_space<vmem>>) attributes {dimension_semantics = [#tpu.dimension_semantics<arbitrary>], iteration_bounds = array<i64: 25>, scalar_prefetch = 0 : i64, scratch_operands = 0 : i64, tpu.core_type = #tpu.core_type<tc>, window_params = [{transform_indices = @transform_0, window_bounds = array<i64: 400, 256>}, {pipeline_mode = #tpu.pipeline_mode<synchronous>, transform_indices = @transform_1, window_bounds = array<i64: 256, 256>}, {transform_indices = @transform_2, window_bounds = array<i64: 400, 1>}, {transform_indices = @transform_3, window_bounds = array<i64: 2, 400, 128>}]} {
    %get3A = arith.constant 0 : index
    %get3A_0 = arith.constant 0 : index
    %get3A_1 = vector.load %arg1[%get3A, %get3A_0] : memref<400x256xf32, #tpu.memory_space<vmem>>, vector<400x256xf32>
    %get3A_2 = arith.constant 0 : index
    %get3A_3 = arith.constant 0 : index
    %get3A_4 = vector.load %arg2[%get3A_2, %get3A_3] : memref<256x256xf32, #tpu.memory_space<vmem>>, vector<256x256xf32>
    %dot_general3A = arith.constant dense<0.000000e+00> : vector<400x256xf32>
    %dot_general3A_5 = tpu.matmul %get3A_1, %get3A_4, %dot_general3A {dimension_numbers = #tpu.dot_dimension_numbers<[1], [0], [0], [1], [0, 0, 1, 1], [], []>, transpose_lhs_hint = false} : vector<400x256xf32>, vector<256x256xf32>, vector<400x256xf32> -> vector<400x256xf32>
    %get3A_6 = arith.constant 0 : index
    %get3A_7 = arith.constant 0 : index
    %get3A_8 = vector.load %arg3[%get3A_6, %get3A_7] : memref<400x1xf32, #tpu.memory_space<vmem>>, vector<400x1xf32>
    %mul3A = vector.broadcast %get3A_8 : vector<400x1xf32> to vector<400x256xf32>
    %mul3A_9 = arith.mulf %dot_general3A_5, %mul3A : vector<400x256xf32>
    %slice3A = vector.extract_strided_slice %mul3A_9 {offsets = [0, 0], sizes = [400, 128], strides = [1, 1]} : vector<400x256xf32> to vector<400x128xf32>
    %swap3A = arith.constant 0 : index
    %swap3A_10 = arith.constant 0 : index
    %swap3A_11 = arith.constant 0 : index
    %swap3A_12 = vector.load %arg4[%swap3A, %swap3A_10, %swap3A_11] : memref<2x400x128xf32, #tpu.memory_space<vmem>>, vector<1x400x128xf32>
    %swap3A_13 = vector.shape_cast %swap3A_12 : vector<1x400x128xf32> to vector<400x128xf32>
    %swap3A_14 = vector.shape_cast %slice3A : vector<400x128xf32> to vector<1x400x128xf32>
    tpu.vector_store %arg4[%swap3A, %swap3A_10, %swap3A_11], %swap3A_14 {strides = array<i32>} : memref<2x400x128xf32, #tpu.memory_space<vmem>>, vector<1x400x128xf32>,
    %slice3A_15 = vector.extract_strided_slice %mul3A_9 {offsets = [0, 128], sizes = [400, 128], strides = [1, 1]} : vector<400x256xf32> to vector<400x128xf32>
    %swap3A_16 = arith.constant 1 : index
    %swap3A_17 = arith.constant 0 : index
    %swap3A_18 = arith.constant 0 : index
    %swap3A_19 = vector.load %arg4[%swap3A_16, %swap3A_17, %swap3A_18] : memref<2x400x128xf32, #tpu.memory_space<vmem>>, vector<1x400x128xf32>
    %swap3A_20 = vector.shape_cast %swap3A_19 : vector<1x400x128xf32> to vector<400x128xf32>
    %swap3A_21 = vector.shape_cast %slice3A_15 : vector<400x128xf32> to vector<1x400x128xf32>
    tpu.vector_store %arg4[%swap3A_16, %swap3A_17, %swap3A_18], %swap3A_21 {strides = array<i32>} : memref<2x400x128xf32, #tpu.memory_space<vmem>>, vector<1x400x128xf32>,
    return
  }
  func.func @transform_0(%arg0: i32) -> (i32, i32) {
    %c0_i32 = arith.constant 0 : i32
    %c0_i32_0 = arith.constant 0 : i32
    return %arg0, %c0_i32 : i32, i32
  }
  func.func @transform_1(%arg0: i32) -> (i32, i32) {
    %c0_i32 = arith.constant 0 : i32
    %c0_i32_0 = arith.constant 0 : i32
    %c0_i32_1 = arith.constant 0 : i32
    return %c0_i32, %c0_i32_0 : i32, i32
  }
  func.func @transform_2(%arg0: i32) -> (i32, i32) {
    %c0_i32 = arith.constant 0 : i32
    %c0_i32_0 = arith.constant 0 : i32
    return %arg0, %c0_i32 : i32, i32
  }
  func.func @transform_3(%arg0: i32) -> (i32, i32, i32) {
    %c0_i32 = arith.constant 0 : i32
    %c0_i32_0 = arith.constant 0 : i32
    %c0_i32_1 = arith.constant 0 : i32
    return %c0_i32, %arg0, %c0_i32_0 : i32, i32, i32
  }
}

module attributes {stable_mosaic.version = 14 : i64} {
  func.func @_dinv_body(%arg0: memref<32x10000xf32, #tpu.memory_space<vmem>>, %arg1: memref<10000x1xf32, #tpu.memory_space<vmem>>) attributes {dimension_semantics = [], scalar_prefetch = 0 : i64, scratch_operands = 0 : i64, tpu.core_type = #tpu.core_type<tc>} {
    %get3A = arith.constant 0 : index
    %get3A_0 = arith.constant 0 : index
    %get3A_1 = vector.load %arg0[%get3A, %get3A_0] : memref<32x10000xf32, #tpu.memory_space<vmem>>, vector<32x10000xf32>
    %reduce_sum3A = arith.constant dense<0.000000e+00> : vector<10000xf32>
    %reduce_sum3A_2 = vector.multi_reduction <add>, %get3A_1, %reduce_sum3A [0] : vector<32x10000xf32> to vector<10000xf32>
    %add3A = arith.constant 1.000000e+00 : f32
    %add3A_3 = vector.broadcast %add3A : f32 to vector<10000xf32>
    %add3A_4 = arith.addf %reduce_sum3A_2, %add3A_3 : vector<10000xf32>
    %rsqrt3A = math.rsqrt %add3A_4 : vector<10000xf32>
    %broadcast_in_dim3A = vector.shape_cast %rsqrt3A : vector<10000xf32> to vector<10000x1xf32>
    %swap3A = arith.constant 0 : index
    %swap3A_5 = arith.constant 0 : index
    %swap3A_6 = vector.load %arg1[%swap3A, %swap3A_5] : memref<10000x1xf32, #tpu.memory_space<vmem>>, vector<10000x1xf32>
    tpu.vector_store %arg1[%swap3A, %swap3A_5], %broadcast_in_dim3A {strides = array<i32>} : memref<10000x1xf32, #tpu.memory_space<vmem>>, vector<10000x1xf32>,
    return
  }
}

module attributes {stable_mosaic.version = 14 : i64} {
  func.func @_tc2_body(%arg0: i32, %arg1: memref<2x400x128xf32, #tpu.memory_space<vmem>>, %arg2: memref<400x1xf32, #tpu.memory_space<vmem>>, %arg3: memref<1x256xf32, #tpu.memory_space<vmem>>, %arg4: memref<256x256xf32, #tpu.memory_space<vmem>>, %arg5: memref<400x256xf32, #tpu.memory_space<vmem>>, %arg6: memref<2x400x128xf32, #tpu.memory_space<vmem>>) attributes {dimension_semantics = [#tpu.dimension_semantics<arbitrary>], iteration_bounds = array<i64: 25>, scalar_prefetch = 0 : i64, scratch_operands = 0 : i64, tpu.core_type = #tpu.core_type<tc>, window_params = [{transform_indices = @transform_0, window_bounds = array<i64: 2, 400, 128>}, {transform_indices = @transform_1, window_bounds = array<i64: 400, 1>}, {pipeline_mode = #tpu.pipeline_mode<synchronous>, transform_indices = @transform_2, window_bounds = array<i64: 1, 256>}, {pipeline_mode = #tpu.pipeline_mode<synchronous>, transform_indices = @transform_3, window_bounds = array<i64: 256, 256>}, {transform_indices = @transform_4, window_bounds = array<i64: 400, 256>}, {transform_indices = @transform_5, window_bounds = array<i64: 2, 400, 128>}]} {
    %get3A = arith.constant 0 : index
    %get3A_0 = arith.constant 0 : index
    %get3A_1 = arith.constant 0 : index
    %get3A_2 = vector.load %arg1[%get3A, %get3A_0, %get3A_1] : memref<2x400x128xf32, #tpu.memory_space<vmem>>, vector<1x400x128xf32>
    %get3A_3 = vector.shape_cast %get3A_2 : vector<1x400x128xf32> to vector<400x128xf32>
    %get3A_4 = arith.constant 1 : index
    %get3A_5 = arith.constant 0 : index
    %get3A_6 = arith.constant 0 : index
    %get3A_7 = vector.load %arg1[%get3A_4, %get3A_5, %get3A_6] : memref<2x400x128xf32, #tpu.memory_space<vmem>>, vector<1x400x128xf32>
    %get3A_8 = vector.shape_cast %get3A_7 : vector<1x400x128xf32> to vector<400x128xf32>
    %concatenate3A = tpu.concatenate %get3A_3, %get3A_8 in 1 : vector<400x128xf32>, vector<400x128xf32> -> vector<400x256xf32>
    %get3A_9 = arith.constant 0 : index
    %get3A_10 = arith.constant 0 : index
    %get3A_11 = vector.load %arg2[%get3A_9, %get3A_10] : memref<400x1xf32, #tpu.memory_space<vmem>>, vector<400x1xf32>
    %mul3A = vector.broadcast %get3A_11 : vector<400x1xf32> to vector<400x256xf32>
    %mul3A_12 = arith.mulf %mul3A, %concatenate3A : vector<400x256xf32>
    %get3A_13 = arith.constant 0 : index
    %get3A_14 = arith.constant 0 : index
    %get3A_15 = vector.load %arg3[%get3A_13, %get3A_14] : memref<1x256xf32, #tpu.memory_space<vmem>>, vector<1x256xf32>
    %add3A = vector.broadcast %get3A_15 : vector<1x256xf32> to vector<400x256xf32>
    %add3A_16 = arith.addf %mul3A_12, %add3A : vector<400x256xf32>
    %max3A = arith.constant 0.000000e+00 : f32
    %max3A_17 = vector.broadcast %max3A : f32 to vector<400x256xf32>
    %max3A_18 = arith.maximumf %add3A_16, %max3A_17 : vector<400x256xf32>
    %swap3A = arith.constant 0 : index
    %swap3A_19 = arith.constant 0 : index
    %swap3A_20 = vector.load %arg5[%swap3A, %swap3A_19] : memref<400x256xf32, #tpu.memory_space<vmem>>, vector<400x256xf32>
    tpu.vector_store %arg5[%swap3A, %swap3A_19], %max3A_18 {strides = array<i32>} : memref<400x256xf32, #tpu.memory_space<vmem>>, vector<400x256xf32>,
    %get3A_21 = arith.constant 0 : index
    %get3A_22 = arith.constant 0 : index
    %get3A_23 = vector.load %arg4[%get3A_21, %get3A_22] : memref<256x256xf32, #tpu.memory_space<vmem>>, vector<256x256xf32>
    %dot_general3A = arith.constant dense<0.000000e+00> : vector<400x256xf32>
    %dot_general3A_24 = tpu.matmul %max3A_18, %get3A_23, %dot_general3A {dimension_numbers = #tpu.dot_dimension_numbers<[1], [0], [0], [1], [0, 0, 1, 1], [], []>, transpose_lhs_hint = false} : vector<400x256xf32>, vector<256x256xf32>, vector<400x256xf32> -> vector<400x256xf32>
    %mul3A_25 = vector.broadcast %get3A_11 : vector<400x1xf32> to vector<400x256xf32>
    %mul3A_26 = arith.mulf %dot_general3A_24, %mul3A_25 : vector<400x256xf32>
    %slice3A = vector.extract_strided_slice %mul3A_26 {offsets = [0, 0], sizes = [400, 128], strides = [1, 1]} : vector<400x256xf32> to vector<400x128xf32>
    %swap3A_27 = arith.constant 0 : index
    %swap3A_28 = arith.constant 0 : index
    %swap3A_29 = arith.constant 0 : index
    %swap3A_30 = vector.load %arg6[%swap3A_27, %swap3A_28, %swap3A_29] : memref<2x400x128xf32, #tpu.memory_space<vmem>>, vector<1x400x128xf32>
    %swap3A_31 = vector.shape_cast %swap3A_30 : vector<1x400x128xf32> to vector<400x128xf32>
    %swap3A_32 = vector.shape_cast %slice3A : vector<400x128xf32> to vector<1x400x128xf32>
    tpu.vector_store %arg6[%swap3A_27, %swap3A_28, %swap3A_29], %swap3A_32 {strides = array<i32>} : memref<2x400x128xf32, #tpu.memory_space<vmem>>, vector<1x400x128xf32>,
    %slice3A_33 = vector.extract_strided_slice %mul3A_26 {offsets = [0, 128], sizes = [400, 128], strides = [1, 1]} : vector<400x256xf32> to vector<400x128xf32>
    %swap3A_34 = arith.constant 1 : index
    %swap3A_35 = arith.constant 0 : index
    %swap3A_36 = arith.constant 0 : index
    %swap3A_37 = vector.load %arg6[%swap3A_34, %swap3A_35, %swap3A_36] : memref<2x400x128xf32, #tpu.memory_space<vmem>>, vector<1x400x128xf32>
    %swap3A_38 = vector.shape_cast %swap3A_37 : vector<1x400x128xf32> to vector<400x128xf32>
    %swap3A_39 = vector.shape_cast %slice3A_33 : vector<400x128xf32> to vector<1x400x128xf32>
    tpu.vector_store %arg6[%swap3A_34, %swap3A_35, %swap3A_36], %swap3A_39 {strides = array<i32>} : memref<2x400x128xf32, #tpu.memory_space<vmem>>, vector<1x400x128xf32>,
    return
  }
  func.func @transform_0(%arg0: i32) -> (i32, i32, i32) {
    %c0_i32 = arith.constant 0 : i32
    %c0_i32_0 = arith.constant 0 : i32
    %c0_i32_1 = arith.constant 0 : i32
    return %c0_i32, %arg0, %c0_i32_0 : i32, i32, i32
  }
  func.func @transform_1(%arg0: i32) -> (i32, i32) {
    %c0_i32 = arith.constant 0 : i32
    %c0_i32_0 = arith.constant 0 : i32
    return %arg0, %c0_i32 : i32, i32
  }
  func.func @transform_2(%arg0: i32) -> (i32, i32) {
    %c0_i32 = arith.constant 0 : i32
    %c0_i32_0 = arith.constant 0 : i32
    %c0_i32_1 = arith.constant 0 : i32
    return %c0_i32, %c0_i32_0 : i32, i32
  }
  func.func @transform_3(%arg0: i32) -> (i32, i32) {
    %c0_i32 = arith.constant 0 : i32
    %c0_i32_0 = arith.constant 0 : i32
    %c0_i32_1 = arith.constant 0 : i32
    return %c0_i32, %c0_i32_0 : i32, i32
  }
  func.func @transform_4(%arg0: i32) -> (i32, i32) {
    %c0_i32 = arith.constant 0 : i32
    %c0_i32_0 = arith.constant 0 : i32
    return %arg0, %c0_i32 : i32, i32
  }
  func.func @transform_5(%arg0: i32) -> (i32, i32, i32) {
    %c0_i32 = arith.constant 0 : i32
    %c0_i32_0 = arith.constant 0 : i32
    %c0_i32_1 = arith.constant 0 : i32
    return %c0_i32, %arg0, %c0_i32_0 : i32, i32, i32
  }
}

module attributes {stable_mosaic.version = 14 : i64} {
  func.func @_tc3_body(%arg0: i32, %arg1: memref<2x400x128xf32, #tpu.memory_space<vmem>>, %arg2: memref<400x1xf32, #tpu.memory_space<vmem>>, %arg3: memref<1x256xf32, #tpu.memory_space<vmem>>, %arg4: memref<400x256xf32, #tpu.memory_space<vmem>>, %arg5: memref<256x256xf32, #tpu.memory_space<vmem>>, %arg6: memref<1x256xf32, #tpu.memory_space<vmem>>, %arg7: memref<400x256xf32, #tpu.memory_space<vmem>>) attributes {dimension_semantics = [#tpu.dimension_semantics<arbitrary>], iteration_bounds = array<i64: 25>, scalar_prefetch = 0 : i64, scratch_operands = 0 : i64, tpu.core_type = #tpu.core_type<tc>, window_params = [{transform_indices = @transform_0, window_bounds = array<i64: 2, 400, 128>}, {transform_indices = @transform_1, window_bounds = array<i64: 400, 1>}, {pipeline_mode = #tpu.pipeline_mode<synchronous>, transform_indices = @transform_2, window_bounds = array<i64: 1, 256>}, {transform_indices = @transform_3, window_bounds = array<i64: 400, 256>}, {pipeline_mode = #tpu.pipeline_mode<synchronous>, transform_indices = @transform_4, window_bounds = array<i64: 256, 256>}, {pipeline_mode = #tpu.pipeline_mode<synchronous>, transform_indices = @transform_5, window_bounds = array<i64: 1, 256>}, {transform_indices = @transform_6, window_bounds = array<i64: 400, 256>}]} {
    %get3A = arith.constant 0 : index
    %get3A_0 = arith.constant 0 : index
    %get3A_1 = arith.constant 0 : index
    %get3A_2 = vector.load %arg1[%get3A, %get3A_0, %get3A_1] : memref<2x400x128xf32, #tpu.memory_space<vmem>>, vector<1x400x128xf32>
    %get3A_3 = vector.shape_cast %get3A_2 : vector<1x400x128xf32> to vector<400x128xf32>
    %get3A_4 = arith.constant 1 : index
    %get3A_5 = arith.constant 0 : index
    %get3A_6 = arith.constant 0 : index
    %get3A_7 = vector.load %arg1[%get3A_4, %get3A_5, %get3A_6] : memref<2x400x128xf32, #tpu.memory_space<vmem>>, vector<1x400x128xf32>
    %get3A_8 = vector.shape_cast %get3A_7 : vector<1x400x128xf32> to vector<400x128xf32>
    %concatenate3A = tpu.concatenate %get3A_3, %get3A_8 in 1 : vector<400x128xf32>, vector<400x128xf32> -> vector<400x256xf32>
    %get3A_9 = arith.constant 0 : index
    %get3A_10 = arith.constant 0 : index
    %get3A_11 = vector.load %arg4[%get3A_9, %get3A_10] : memref<400x256xf32, #tpu.memory_space<vmem>>, vector<400x256xf32>
    %get3A_12 = arith.constant 0 : index
    %get3A_13 = arith.constant 0 : index
    %get3A_14 = vector.load %arg5[%get3A_12, %get3A_13] : memref<256x256xf32, #tpu.memory_space<vmem>>, vector<256x256xf32>
    %dot_general3A = arith.constant dense<0.000000e+00> : vector<400x256xf32>
    %dot_general3A_15 = tpu.matmul %get3A_11, %get3A_14, %dot_general3A {dimension_numbers = #tpu.dot_dimension_numbers<[1], [0], [0], [1], [0, 0, 1, 1], [], []>, transpose_lhs_hint = false} : vector<400x256xf32>, vector<256x256xf32>, vector<400x256xf32> -> vector<400x256xf32>
    %get3A_16 = arith.constant 0 : index
    %get3A_17 = arith.constant 0 : index
    %get3A_18 = vector.load %arg2[%get3A_16, %get3A_17] : memref<400x1xf32, #tpu.memory_space<vmem>>, vector<400x1xf32>
    %mul3A = vector.broadcast %get3A_18 : vector<400x1xf32> to vector<400x256xf32>
    %mul3A_19 = arith.mulf %mul3A, %concatenate3A : vector<400x256xf32>
    %get3A_20 = arith.constant 0 : index
    %get3A_21 = arith.constant 0 : index
    %get3A_22 = vector.load %arg3[%get3A_20, %get3A_21] : memref<1x256xf32, #tpu.memory_space<vmem>>, vector<1x256xf32>
    %add3A = vector.broadcast %get3A_22 : vector<1x256xf32> to vector<400x256xf32>
    %add3A_23 = arith.addf %mul3A_19, %add3A : vector<400x256xf32>
    %add3A_24 = arith.addf %add3A_23, %dot_general3A_15 : vector<400x256xf32>
    %get3A_25 = arith.constant 0 : index
    %get3A_26 = arith.constant 0 : index
    %get3A_27 = vector.load %arg6[%get3A_25, %get3A_26] : memref<1x256xf32, #tpu.memory_space<vmem>>, vector<1x256xf32>
    %add3A_28 = vector.broadcast %get3A_27 : vector<1x256xf32> to vector<400x256xf32>
    %add3A_29 = arith.addf %add3A_24, %add3A_28 : vector<400x256xf32>
    %swap3A = arith.constant 0 : index
    %swap3A_30 = arith.constant 0 : index
    %swap3A_31 = vector.load %arg7[%swap3A, %swap3A_30] : memref<400x256xf32, #tpu.memory_space<vmem>>, vector<400x256xf32>
    tpu.vector_store %arg7[%swap3A, %swap3A_30], %add3A_29 {strides = array<i32>} : memref<400x256xf32, #tpu.memory_space<vmem>>, vector<400x256xf32>,
    return
  }
  func.func @transform_0(%arg0: i32) -> (i32, i32, i32) {
    %c0_i32 = arith.constant 0 : i32
    %c0_i32_0 = arith.constant 0 : i32
    %c0_i32_1 = arith.constant 0 : i32
    return %c0_i32, %arg0, %c0_i32_0 : i32, i32, i32
  }
  func.func @transform_1(%arg0: i32) -> (i32, i32) {
    %c0_i32 = arith.constant 0 : i32
    %c0_i32_0 = arith.constant 0 : i32
    return %arg0, %c0_i32 : i32, i32
  }
  func.func @transform_2(%arg0: i32) -> (i32, i32) {
    %c0_i32 = arith.constant 0 : i32
    %c0_i32_0 = arith.constant 0 : i32
    %c0_i32_1 = arith.constant 0 : i32
    return %c0_i32, %c0_i32_0 : i32, i32
  }
  func.func @transform_3(%arg0: i32) -> (i32, i32) {
    %c0_i32 = arith.constant 0 : i32
    %c0_i32_0 = arith.constant 0 : i32
    return %arg0, %c0_i32 : i32, i32
  }
  func.func @transform_4(%arg0: i32) -> (i32, i32) {
    %c0_i32 = arith.constant 0 : i32
    %c0_i32_0 = arith.constant 0 : i32
    %c0_i32_1 = arith.constant 0 : i32
    return %c0_i32, %c0_i32_0 : i32, i32
  }
  func.func @transform_5(%arg0: i32) -> (i32, i32) {
    %c0_i32 = arith.constant 0 : i32
    %c0_i32_0 = arith.constant 0 : i32
    %c0_i32_1 = arith.constant 0 : i32
    return %c0_i32, %c0_i32_0 : i32, i32
  }
  func.func @transform_6(%arg0: i32) -> (i32, i32) {
    %c0_i32 = arith.constant 0 : i32
    %c0_i32_0 = arith.constant 0 : i32
    return %arg0, %c0_i32 : i32, i32
  }
}

</mosaic_0001>

<sc_bundles>
// kernel: kernel.12.cloned.1.call-start
scs
__scs_entry_jumppad:
0x0: {  	(pc) =	sbr.rel $0x88, $3  }
0x1: {  	(tag) =	ssettag $0x0;
	lr =	simm.s32 $0x1  }
0x2: {  	[smem:$0x3F99] =	sst lr;
	_ =	strace $0xD0000000  }
0x3: {  	_ = 	snop  }
0x4: {  	_ = 	snop  }
0x5: {  	_ = 	snop  }
0x6: {  	_ = 	snop  }
0x7: {  	_ = 	snop  }
__scs_overlays_trampoline_lowered:
0x8: {  	[smem:$0x3FA8] =	sst s0  }
0x9: {  	[smem:$0x3FA9] =	sst s1  }
0xa: {  	[smem:$0x3FAA] =	sst s2  }
0xb: {  	[smem:$0x3FAB] =	sst s3  }
0xc: {  	[smem:$0x3FAC] =	sst s4  }
0xd: {  	[smem:$0x3FAD] =	sst s5  }
0xe: {  	[smem:$0x3FAE] =	sst s6  }
0xf: {  	[smem:$0x3FAF] =	sst s7  }
0x10: {  	[smem:$0x3FB0] =	sst s8  }
0x11: {  	[smem:$0x3FB1] =	sst s9;
	s0 =	simm.s32 @!p0 $0x0  }
0x12: {  	s1 =	sld [smem:$0x3F97];
	s0 =	simm.s32 @p0 $0x1  }
0x13: {  	[smem:$0x3FB2] =	sst s0;
	s0 =	simm.s32 @!p1 $0x0  }
0x14: {  	s2 =	sld [smem:$0x3F96];
	s0 =	simm.s32 @p1 $0x1  }
0x15: {  	[smem:$0x3FB3] =	sst s0;
	s0 =	simm.s32 @!p2 $0x0  }
0x16: {  	s3 =	sld [smem:$0x3FDB];
	s0 =	simm.s32 @p2 $0x1  }
0x17: {  	s4 =	simm.s32 $0x1BF5;
	[smem:$0x3FB5] =	sst s0  }
0x18: {  	s0 =	sld [smem:$0x3F98];
	_ =	swait.ge [sflag:s4], $0x0  }
0x19: {  	s7 =	sld [smem:$0x3F99]  }
0x1a: {  	s8 =	sadd.s32 $0xFFFFE003, lr  }
0x1b: {  	s9 =	sadd.s32 $0xFFFFFEF7, lr;
	s5 =	simm.s32 $0xFFFFFFFF;
	p2 =	slt.u32 s8, $0xFFFFF086  }
0x1c: {  	p1 =	slt.u32 s9, $0xF7A;
	s5 =	simm.s32 @!p2 $0x0  }
0x1d: {  	s5 =	simm.s32 @p1 $0x1;
	p0 =	seq.s32 s7, s2  }
0x1e: {  	s7 =	smul.u32 @!p0 $0xF7A, s2;
	p2 =	seq.s32 @!p0 s5, $0x0  }
0x1f: {  	s9 =	smul.u32 $0xF7A, s1;
	s8 =	simm.s32 @!p0 $0x1BF5;
	p2 =	por !p2, p0  }
0x20: {  	[sflag:s8] =	ssyncset.s32 @!p0 $0xFFFFF086;
	s6 =	sadd.s32 @!p0 s3, s7;
	s7 =	simm.s32 @!p0 $0x108  }
0x21: {  	s3 =	sadd.s32 s3, s9;
	s6 =	sadd.s32 @!p0 $0x88, s6;
	s7 =	simm.s32 @p2 $0x1082  }
0x22: {  	[simem:s7], [sflag:s8] =	dma.local @!p0 [hbm:s6], $0xF7A  }
0x23: {  	s9 =	sor.u32 $0xD0000000, s2;
	s6 =	simm.s32 $0x108;
	_ =	swait.ge @!p0 [sflag:s8], $0x0  }
0x24: {  	s3 =	sadd.s32 $0x88, s3;
	s6 =	simm.s32 @!p1 $0x1082;
	[sflag:s4] =	ssyncset.s32 $0xFFFFF086  }
0x25: {  	[simem:s6], [sflag:s4] =	dma.local [hbm:s3], $0xF7A  }
0x26: {  	[smem:$0x3F99] =	sst s1;
	(tag) =	ssettag s2;
	_ =	strace s9  }
0x27: {  	s1 =	sld [smem:$0x3FA9]  }
0x28: {  	s2 =	sld [smem:$0x3FAA]  }
0x29: {  	s4 =	sld [smem:$0x3FAC]  }
0x2a: {  	p0 =	seq.s32 s5, $0x0;
	s5 =	sld [smem:$0x3FAD]  }
0x2b: {  	s6 =	sld [smem:$0x3FAE]  }
0x2c: {  	s7 =	sld [smem:$0x3FAF]  }
0x2d: {  	s3 =	simm.s32 $0x108;
	s8 =	sld [smem:$0x3FB0]  }
0x2e: {  	s3 =	simm.s32 @!p0 $0x1082;
	s9 =	sld [smem:$0x3FB1]  }
0x2f: {  	lr =	sadd.s32 s0, s3;
	s0 =	sld [smem:$0x3FA8]  }
0x30: {  	s3 =	sld [smem:$0x3FAB]  }
0x31: {  	[smem:$0x3FB4] =	sst s10  }
0x32: {  	s10 =	sld [smem:$0x3FB2];
	_ =	sdelay $0x3  }
0x33: {  	p0 =	seq.s32 s10, $0x1;
	s10 =	sld [smem:$0x3FB4];
	_ =	sdelay $0x3  }
0x34: {  	[smem:$0x3FB4] =	sst s10  }
0x35: {  	s10 =	sld [smem:$0x3FB3];
	_ =	sdelay $0x3  }
0x36: {  	p1 =	seq.s32 s10, $0x1;
	s10 =	sld [smem:$0x3FB4];
	_ =	sdelay $0x3  }
0x37: {  	[smem:$0x3FB4] =	sst s10  }
0x38: {  	s10 =	sld [smem:$0x3FB5]  }
0x39: {  	_ = 	snop;
	(pc) =	sbr.ind lr, $3  }
0x3a: {  	_ = 	snop  }
0x3b: {  	_ = 	snop  }
0x3c: {  	p2 =	seq.s32 s10, $0x1;
	s10 =	sld [smem:$0x3FB4]  }
0x3d: {  	_ =	shalt  }
0x3e: {  	_ =	shalt  }
0x3f: {  	_ =	shalt  }
0x40: {  	_ =	shalt  }
0x41: {  	_ =	shalt  }
0x42: {  	_ =	shalt  }
0x43: {  	_ =	shalt  }
0x44: {  	_ =	shalt  }
0x45: {  	_ =	shalt  }
0x46: {  	_ =	shalt  }
0x47: {  	_ =	shalt  }
0x48: {  	_ =	shalt  }
0x49: {  	_ =	shalt  }
0x4a: {  	_ =	shalt  }
0x4b: {  	_ =	shalt  }
0x4c: {  	_ =	shalt  }
0x4d: {  	_ =	shalt  }
0x4e: {  	_ =	shalt  }
0x4f: {  	_ =	shalt  }
0x50: {  	_ =	shalt  }
0x51: {  	_ =	shalt  }
0x52: {  	_ =	shalt  }
0x53: {  	_ =	shalt  }
0x54: {  	_ =	shalt  }
0x55: {  	_ =	shalt  }
0x56: {  	_ =	shalt  }
0x57: {  	_ =	shalt  }
0x58: {  	_ =	shalt  }
0x59: {  	_ =	shalt  }
0x5a: {  	_ =	shalt  }
0x5b: {  	_ =	shalt  }
0x5c: {  	_ =	shalt  }
0x5d: {  	_ =	shalt  }
0x5e: {  	_ =	shalt  }
0x5f: {  	_ =	shalt  }
0x60: {  	_ =	shalt  }
0x61: {  	_ =	shalt  }
0x62: {  	_ =	shalt  }
0x63: {  	_ =	shalt  }
0x64: {  	_ =	shalt  }
0x65: {  	_ =	shalt  }
0x66: {  	_ =	shalt  }
0x67: {  	_ =	shalt  }
0x68: {  	_ =	shalt  }
0x69: {  	_ =	shalt  }
0x6a: {  	_ =	shalt  }
0x6b: {  	_ =	shalt  }
0x6c: {  	_ =	shalt  }
0x6d: {  	_ =	shalt  }
0x6e: {  	_ =	shalt  }
0x6f: {  	_ =	shalt  }
0x70: {  	_ =	shalt  }
0x71: {  	_ =	shalt  }
0x72: {  	_ =	shalt  }
0x73: {  	_ =	shalt  }
0x74: {  	_ =	shalt  }
0x75: {  	_ =	shalt  }
0x76: {  	_ =	shalt  }
0x77: {  	_ =	shalt  }
0x78: {  	_ =	shalt  }
0x79: {  	_ =	shalt  }
0x7a: {  	_ =	shalt  }
0x7b: {  	_ =	shalt  }
0x7c: {  	_ =	shalt  }
0x7d: {  	_ =	shalt  }
0x7e: {  	_ =	shalt  }
0x7f: {  	_ =	shalt  }
0x80: {  	_ =	shalt  }
0x81: {  	_ =	shalt  }
0x82: {  	_ =	shalt  }
0x83: {  	_ =	shalt  }
0x84: {  	_ =	shalt  }
0x85: {  	_ =	shalt  }
0x86: {  	_ =	shalt  }
0x87: {  	_ =	shalt  }
.Lfunc_end0:
.L_simem_size_0:
called_computation.1_lowered:
.L_overlay_start_0:
0x88: {  	s2 =	sld [smem:$0x3FD9]  }
0x89: {  	s3 =	sld [smem:$0x3FFE];
	_ =	sdelay $0x1  }
0x8a: {  	s1 =	srdreg.scid  }
0x8b: {  	s0 =	sand.u32 $0x1, s1  }
0x8c: {  	s14 =	sshll.u32 s0, $0xA;
	s2 =	sadd.s32 s3, s2  }
0x8d: {  	s2 =	sadd.s32 s2, s14  }
0x8e: {  	[smem:$0x3FC0] =	sst s2  }
0x8f: {  	_ = 	snop  }
0x90: {  	s2 =	sld [smem:$0x3FD0];
	_ =	sdelay $0x2  }
0x91: {  	s15 =	simm.s32 $0xA;
	s4 =	simm.s32 $0x10  }
0x92: {  	[smem:s4], [sflag:s15] =	dma.local [hbm:s2], $0x1  }
0x93: {  	_ =	swait.eq [sflag:s15], $0x1  }
0x94: {  	[sflag:s15] =	ssyncset.done $0x0  }
0x95: {  	[sflag:s15] =	ssyncadd.s32 $0xFFFFFFFF  }
0x96: {  	s16 =	sld [smem:$0x11];
	(tm) =	ssettm $0x1  }
0x97: {  	s17 =	sld [smem:$0x3FFB];
	_ =	sdelay $0x3  }
0x98: {  	_ =	strace s17  }
0x99: {  	s3 =	sld [smem:$0x3FFC];
	_ =	sdelay $0x3  }
0x9a: {  	_ =	strace s3  }
0x9b: {  	s3 =	sld [smem:$0x3FFD];
	_ =	sdelay $0x3  }
0x9c: {  	_ =	strace s3  }
0x9d: {  	_ =	strace $0x8FFFFFFF  }
0x9e: {  	s18 =	sld [smem:$0x3FDB];
	_ =	sdelay $0x1  }
0x9f: {  	s19 =	simm.s32 $_scs_section_size  }
0xa0: {  	s5 =	simm.s32 $_size__tile_overlayer_lowered;
	s6 =	simm.s32 $_tile_overlayer_lowered  }
0xa1: {  	s22 =	simm.s32 $0x1BFF;
	s21 =	sshll.u32 s6, $0x1;
	s3 =	sadd.s32 s19, s18  }
0xa2: {  	s7 =	simm.s32 $0x0;
	s20 =	sshll.u32 s5, $0x1;
	s5 =	sadd.s32 s21, s3  }
0xa3: {  	[timem:s7], [sflag:s22] =	dma.local [hbm:s5], s20  }
0xa4: {  	_ =	swait.ge [sflag:s22], s20  }
0xa5: {  	s4 =	ssub.s32 $0x0, s20;
	[sflag:s22] =	ssyncset.done $0x0  }
0xa6: {  	[sflag:s22] =	ssyncadd.s32 s4;
	_ =	sdelay $0x1  }
0xa7: {  	s23 =	simm.s32 $0x1B8B  }
0xa8: {  	_ =	swait.ge [sflag:s23], $0x1  }
0xa9: {  	[sflag:s23] =	ssyncset.done $0x0  }
0xaa: {  	s25 =	simm.s32 $0x1B8E;
	s24 =	sld [smem:$0x3FFE];
	[sflag:s23] =	ssyncadd.s32 $0xFFFFFFFF  }
0xab: {  	s26 =	simm.s32 $execute0_lowered;
	[smem:$0x3FD2] =	sst s25  }
0xac: {  	s5 =	sshll.u32 s26, $0x1;
	_ =	strace $0x80000049;
	[dreg:$0x1] =	wrdreg $0xFFFFFFFF  }
0xad: {  	s28 =	simm.s32 $_size_execute0_lowered;
	s3 =	sadd.s32 s3, s5;
	[dreg:$0x0] =	wrdreg $0x0  }
0xae: {  	s5 =	sshll.u32 s28, $0x1;
	[dreg:$0x2] =	wrdreg s3  }
0xaf: {  	[dreg:$0x3] =	wrdreg s5  }
0xb0: {  	[dreg:$0x4] =	wrdreg $0xC0  }
0xb1: {  	_ =	task [dreg:s7], $0x5FFFF  }
0xb2: {  	[dreg:$0x1] =	wrdreg $0xFFFFFFFF  }
0xb3: {  	[dreg:$0x0] =	wrdreg $0x60  }
0xb4: {  	[dreg:$0x2] =	wrdreg s16  }
0xb5: {  	[dreg:$0x3] =	wrdreg s24  }
0xb6: {  	[dreg:$0x4] =	wrdreg $0x0  }
0xb7: {  	[dreg:$0x5] =	wrdreg $0x9  }
0xb8: {  	_ =	task.clear_ibuf [dreg:s7], $0x6FFFF;
	_ =	strace $0x90000049  }
0xb9: {  	s29 =	simm.s32 $0x9;
	_ =	strace $0x8000004B  }
0xba: {  	_ =	swait.ge [sflag:s29], $0x1  }
0xbb: {  	[sflag:s29] =	ssyncadd.s32 $0xFFFFFFFF  }
0xbc: {  	_ =	strace $0x9000004B  }
0xbd: {  	_ =	sfence  }
0xbe: {  	s30 =	sld [smem:$0x0];
	_ =	sdelay $0x2  }
0xbf: {  	s31 =	sshll.u32 s1, $0xD;
	s1 =	sshrl.u32 s1, $0x2  }
0xc0: {  	s3 =	sand.u32 $0x4000, s31;
	s1 =	sadd.s32 s1, s30  }
0xc1: {  	s0 =	sor.u32 s3, s0;
	s1 =	sshll.u32 s1, $0x11  }
0xc2: {  	s0 =	sor.u32 s1, s0  }
0xc3: {  	s0 =	sadd.s32 $0x8F2B, s0  }
0xc4: {  	[sflag:s0] =	ssyncadd.remote.s32 $0x1  }
0xc5: {  	_ =	sfence.sel $0xFFFF  }
0xc6: {  	[dreg:$0x0] =	wrdreg $0xFFFFFFFF;
	(pc) =	sbr.abs _section_cstart, $3  }
0xc7: {  	[dreg:$0x1] =	wrdreg $0xFFFFFFFF  }
0xc8: {  	_ =	task.clear_ibuf [dreg:s7], $0x2FFFF;
	_ =	strace $0x9FFFFFFF  }
0xc9: {  	(tm) =	ssettm $0x7FFFFFFF  }
tec
execute0_lowered:
.L_overlay_start_1:
0x0: {  	(tag) =	ssettag $0x1  }
0x1: {  	s0 =	rddreg [dreg:$0x0]  }
0x2: {  	s3 =	rddreg [dreg:$0x1]  }
0x3: {  	s1 =	rddreg [dreg:$0x2];
	s7 =	stileid.u32  }
0x4: {  	s4 =	srdreg.scid;
	s2 =	simm.s32 $0x0;
	s10 =	simm.s32 $0x2  }
0x5: {  	s12 =	simm.s32 $0x28;
	s13 =	simm.s32 $0x18780;
	s15 =	simm.s32 $0x19B80  }
0x6: {  	s17 =	simm.s32 $0x1AF80;
	s19 =	simm.s32 $0x1C380;
	s21 =	simm.s32 $0x1D780  }
0x7: {  	s22 =	simm.s32 $0x1;
	s23 =	simm.s32 $0x1EB80;
	s31 =	simm.s32 $0x15F40  }
0x8: {  	s11 =	simm.s32 $0x15F68;
	s14 =	simm.s32 $0x18620;
	s16 =	simm.s32 $0x18648  }
0x9: {  	s18 =	simm.s32 $0x18670;
	s20 =	simm.s32 $0x18698;
	s24 =	simm.s32 $0x186C0  }
0xa: {  	s25 =	simm.s32 $0x186E8;
	s5 =	smul.u32 $0x4E2, s7;
	s4 =	sand.u32 $0x1, s4  }
0xb: {  	s26 =	simm.s32 $0x0;
	[smem:$0x7FF] =	sst s2;
	s6 =	smul.u32 $0x27100, s4  }
0xc: {  	p0 =	sne.s32 s7, $0x0;
	_ =	strace $0x8000004A;
	s4 =	ssub.s32 $0x2, s4  }
0xd: {  	s5 =	sadd.s32 s5, s3;
	s30 =	sshrl.u32 s4, $0x1;
	s8 =	sadd.s32 s6, s3  }
0xe: {  	s9 =	ssub.s32 s4, s30;
	s3 =	sadd.s32 s0, s6;
	s4 =	sadd.s32 $0x1A00, s5  }
0xf: {  	s5 =	sadd.s32 $0x6A00, s5;
	s0 =	simm.s32 $0x185F8;
	s6 =	sadd.s32 $0xBA00, s8  }
0x10: {  	s7 =	smax.u32 s9, $0x1;
	s8 =	sshrl.u32 @!p0 s1, $0x3;
	s9 =	simm.s32 $0x13880  }
.LBB2_1:
0x11: {  	s28 =	simm.s32 @!p0 $0x1C02  }
0x12: {  	[spmem:s8], [sflag:s28] =	dma.local @!p0 [hbm:s3], $0x27100  }
0x13: {  	s28 =	simm.s32 @!p0 $0x2  }
0x14: {  	_ =	swait.ge @!p0 [sflag:s28], $0x27100  }
0x15: {  	[sflag:s28] =	ssyncset.done @!p0 $0x0  }
0x16: {  	[sflag:s28] =	ssyncadd.s32 @!p0 $0xFFFD8F00  }
0x17: {  	[tilespmem:s9], [sflag:$0x2] =	stream.linear.gather [hbm4b:s4+s2], $0x2710, $0x38;
	[tilespmem:$0x1FF80] =	vst v63  }
0x18: {  	_ =	swait.ge [sflag:s10], $0x2710  }
0x19: {  	[sflag:s10] =	ssyncset.done $0x0  }
0x1a: {  	s28 =	simm.s32 $0x16000;
	[sflag:s10] =	ssyncadd.s32 $0xFFFFD8F0  }
0x1b: {  	[tilespmem:s28], [sflag:$0x2] =	stream.linear.gather [hbm4b:s5+s2], $0x2710, $0x38;
	[tilespmem:$0x1FF80] =	vst v63  }
0x1c: {  	_ =	swait.ge [sflag:s10], $0x2710  }
0x1d: {  	[sflag:s10] =	ssyncset.done $0x0  }
0x1e: {  	[sflag:s10] =	ssyncadd.s32 $0xFFFFD8F0  }
0x1f: {  	[bflag:$0x0] =	sbarrier.arrive $0xFFFF  }
0x20: {  	[tilespmem:s13], [sflag:$0x1] =	stream.indirect.gather [hbm4b:s3+s12], $0x80, s9, s12, $0xb8;
	[tilespmem:$0x1FF80] =	vst v63  }
0x21: {  	s28 =	simm.s32 $0x138A8  }
0x22: {  	[tilespmem:s15], [sflag:$0x1] =	stream.indirect.gather [hbm4b:s3+s12], $0x80, s28, s12, $0xb8;
	[tilespmem:$0x1FF80] =	vst v63  }
0x23: {  	s28 =	simm.s32 $0x138D0  }
0x24: {  	[tilespmem:s17], [sflag:$0x1] =	stream.indirect.gather [hbm4b:s3+s12], $0x80, s28, s12, $0xb8;
	[tilespmem:$0x1FF80] =	vst v63  }
0x25: {  	s28 =	simm.s32 $0x138F8  }
0x26: {  	[tilespmem:s19], [sflag:$0x1] =	stream.indirect.gather [hbm4b:s3+s12], $0x80, s28, s12, $0xb8;
	[tilespmem:$0x1FF80] =	vst v63  }
0x27: {  	s28 =	simm.s32 $0x13920  }
0x28: {  	[tilespmem:s21], [sflag:$0x1] =	stream.indirect.gather [hbm4b:s3+s12], $0x80, s28, s12, $0xb8;
	[tilespmem:$0x1FF80] =	vst v63  }
0x29: {  	_ =	swait.ge [sflag:s22], $0x1400  }
0x2a: {  	[sflag:s22] =	ssyncset.done $0x0  }
0x2b: {  	s28 =	simm.s32 $0x13948;
	[sflag:s22] =	ssyncadd.s32 $0xFFFFEC00  }
0x2c: {  	[tilespmem:s23], [sflag:$0x1] =	stream.indirect.gather [hbm4b:s3+s12], $0x80, s28, s12, $0xb8;
	[tilespmem:$0x1FF80] =	vst v63  }
0x2d: {  	s28 =	simm.s32 $0x16000  }
0x2e: {  	[spmem:s1] =	stream.indirect.scatter.add.f32 [tilespmem:s13], [sflag:$0x2], $0x80, s28, s12, $0xb8;
	[tilespmem:$0x1FF80] =	vst v63  }
0x2f: {  	_ =	swait.ge [sflag:s10], $0x1400  }
0x30: {  	[sflag:s10] =	ssyncset.done $0x0  }
0x31: {  	[sflag:s10] =	ssyncadd.s32 $0xFFFFEC00  }
0x32: {  	_ =	swait.ge [sflag:s22], $0x1400  }
0x33: {  	[sflag:s22] =	ssyncset.done $0x0  }
0x34: {  	s28 =	simm.s32 $0x13970;
	[sflag:s22] =	ssyncadd.s32 $0xFFFFEC00  }
0x35: {  	[tilespmem:s13], [sflag:$0x1] =	stream.indirect.gather [hbm4b:s3+s12], $0x80, s28, s12, $0xb8;
	[tilespmem:$0x1FF80] =	vst v63  }
0x36: {  	s28 =	simm.s32 $0x16028  }
0x37: {  	[spmem:s1] =	stream.indirect.scatter.add.f32 [tilespmem:s15], [sflag:$0x2], $0x80, s28, s12, $0xb8;
	[tilespmem:$0x1FF80] =	vst v63  }
0x38: {  	_ =	swait.ge [sflag:s10], $0x1400  }
0x39: {  	[sflag:s10] =	ssyncset.done $0x0  }
0x3a: {  	[sflag:s10] =	ssyncadd.s32 $0xFFFFEC00  }
0x3b: {  	_ =	swait.ge [sflag:s22], $0x1400  }
0x3c: {  	[sflag:s22] =	ssyncset.done $0x0  }
0x3d: {  	s28 =	simm.s32 $0x13998;
	[sflag:s22] =	ssyncadd.s32 $0xFFFFEC00  }
0x3e: {  	[tilespmem:s15], [sflag:$0x1] =	stream.indirect.gather [hbm4b:s3+s12], $0x80, s28, s12, $0xb8;
	[tilespmem:$0x1FF80] =	vst v63  }
0x3f: {  	s28 =	simm.s32 $0x16050  }
0x40: {  	[spmem:s1] =	stream.indirect.scatter.add.f32 [tilespmem:s17], [sflag:$0x2], $0x80, s28, s12, $0xb8;
	[tilespmem:$0x1FF80] =	vst v63  }
0x41: {  	_ =	swait.ge [sflag:s10], $0x1400  }
0x42: {  	[sflag:s10] =	ssyncset.done $0x0  }
0x43: {  	[sflag:s10] =	ssyncadd.s32 $0xFFFFEC00  }
0x44: {  	_ =	swait.ge [sflag:s22], $0x1400  }
0x45: {  	[sflag:s22] =	ssyncset.done $0x0  }
0x46: {  	s28 =	simm.s32 $0x139C0;
	[sflag:s22] =	ssyncadd.s32 $0xFFFFEC00  }
0x47: {  	[tilespmem:s17], [sflag:$0x1] =	stream.indirect.gather [hbm4b:s3+s12], $0x80, s28, s12, $0xb8;
	[tilespmem:$0x1FF80] =	vst v63  }
0x48: {  	s28 =	simm.s32 $0x16078  }
0x49: {  	[spmem:s1] =	stream.indirect.scatter.add.f32 [tilespmem:s19], [sflag:$0x2], $0x80, s28, s12, $0xb8;
	[tilespmem:$0x1FF80] =	vst v63  }
0x4a: {  	_ =	swait.ge [sflag:s10], $0x1400  }
0x4b: {  	[sflag:s10] =	ssyncset.done $0x0  }
0x4c: {  	[sflag:s10] =	ssyncadd.s32 $0xFFFFEC00  }
0x4d: {  	_ =	swait.ge [sflag:s22], $0x1400  }
0x4e: {  	[sflag:s22] =	ssyncset.done $0x0  }
0x4f: {  	s28 =	simm.s32 $0x139E8;
	[sflag:s22] =	ssyncadd.s32 $0xFFFFEC00  }
0x50: {  	[tilespmem:s19], [sflag:$0x1] =	stream.indirect.gather [hbm4b:s3+s12], $0x80, s28, s12, $0xb8;
	[tilespmem:$0x1FF80] =	vst v63  }
0x51: {  	s28 =	simm.s32 $0x160A0  }
0x52: {  	[spmem:s1] =	stream.indirect.scatter.add.f32 [tilespmem:s21], [sflag:$0x2], $0x80, s28, s12, $0xb8;
	[tilespmem:$0x1FF80] =	vst v63  }
0x53: {  	_ =	swait.ge [sflag:s10], $0x1400  }
0x54: {  	[sflag:s10] =	ssyncset.done $0x0  }
0x55: {  	[sflag:s10] =	ssyncadd.s32 $0xFFFFEC00  }
0x56: {  	_ =	swait.ge [sflag:s22], $0x1400  }
0x57: {  	[sflag:s22] =	ssyncset.done $0x0  }
0x58: {  	s28 =	simm.s32 $0x13A10;
	[sflag:s22] =	ssyncadd.s32 $0xFFFFEC00  }
0x59: {  	[tilespmem:s21], [sflag:$0x1] =	stream.indirect.gather [hbm4b:s3+s12], $0x80, s28, s12, $0xb8;
	[tilespmem:$0x1FF80] =	vst v63  }
0x5a: {  	s28 =	simm.s32 $0x160C8  }
0x5b: {  	[spmem:s1] =	stream.indirect.scatter.add.f32 [tilespmem:s23], [sflag:$0x2], $0x80, s28, s12, $0xb8;
	[tilespmem:$0x1FF80] =	vst v63  }
0x5c: {  	_ =	swait.ge [sflag:s10], $0x1400  }
0x5d: {  	s28 =	simm.s32 $0x3C0;
	[sflag:s10] =	ssyncset.done $0x0  }
.LBB2_2:
0x5e: {  	p1 =	sne.s32 s28, $0x9240  }
0x5f: {  	[sflag:s10] =	ssyncadd.s32 $0xFFFFEC00;
	s29 =	smov.u32 s28;
	s28 =	sadd.s32 $0x3C0, s28  }
0x60: {  	_ = 	snop  }
0x61: {  	_ =	swait.ge [sflag:s22], $0x1400  }
0x62: {  	s29 =	sshra.s32 s29, $0x2;
	[sflag:s22] =	ssyncset.done $0x0  }
0x63: {  	s30 =	sadd.s32 $0x13948, s29;
	[sflag:s22] =	ssyncadd.s32 $0xFFFFEC00  }
0x64: {  	[tilespmem:s23], [sflag:$0x1] =	stream.indirect.gather [hbm4b:s3+s12], $0x80, s30, s12, $0xb8;
	[tilespmem:$0x1FF80] =	vst v63  }
0x65: {  	s30 =	sadd.s32 $0x16000, s29  }
0x66: {  	[spmem:s1] =	stream.indirect.scatter.add.f32 [tilespmem:s13], [sflag:$0x2], $0x80, s30, s12, $0xb8;
	[tilespmem:$0x1FF80] =	vst v63  }
0x67: {  	_ =	swait.ge [sflag:s10], $0x1400  }
0x68: {  	[sflag:s10] =	ssyncset.done $0x0  }
0x69: {  	[sflag:s10] =	ssyncadd.s32 $0xFFFFEC00  }
0x6a: {  	_ =	swait.ge [sflag:s22], $0x1400  }
0x6b: {  	[sflag:s22] =	ssyncset.done $0x0  }
0x6c: {  	s30 =	sadd.s32 $0x13970, s29;
	[sflag:s22] =	ssyncadd.s32 $0xFFFFEC00  }
0x6d: {  	[tilespmem:s13], [sflag:$0x1] =	stream.indirect.gather [hbm4b:s3+s12], $0x80, s30, s12, $0xb8;
	[tilespmem:$0x1FF80] =	vst v63  }
0x6e: {  	s30 =	sadd.s32 $0x16028, s29  }
0x6f: {  	[spmem:s1] =	stream.indirect.scatter.add.f32 [tilespmem:s15], [sflag:$0x2], $0x80, s30, s12, $0xb8;
	[tilespmem:$0x1FF80] =	vst v63  }
0x70: {  	_ =	swait.ge [sflag:s10], $0x1400  }
0x71: {  	[sflag:s10] =	ssyncset.done $0x0  }
0x72: {  	[sflag:s10] =	ssyncadd.s32 $0xFFFFEC00  }
0x73: {  	_ =	swait.ge [sflag:s22], $0x1400  }
0x74: {  	[sflag:s22] =	ssyncset.done $0x0  }
0x75: {  	s30 =	sadd.s32 $0x13998, s29;
	[sflag:s22] =	ssyncadd.s32 $0xFFFFEC00  }
0x76: {  	[tilespmem:s15], [sflag:$0x1] =	stream.indirect.gather [hbm4b:s3+s12], $0x80, s30, s12, $0xb8;
	[tilespmem:$0x1FF80] =	vst v63  }
0x77: {  	s30 =	sadd.s32 $0x16050, s29  }
0x78: {  	[spmem:s1] =	stream.indirect.scatter.add.f32 [tilespmem:s17], [sflag:$0x2], $0x80, s30, s12, $0xb8;
	[tilespmem:$0x1FF80] =	vst v63  }
0x79: {  	_ =	swait.ge [sflag:s10], $0x1400  }
0x7a: {  	[sflag:s10] =	ssyncset.done $0x0  }
0x7b: {  	[sflag:s10] =	ssyncadd.s32 $0xFFFFEC00  }
0x7c: {  	_ =	swait.ge [sflag:s22], $0x1400  }
0x7d: {  	[sflag:s22] =	ssyncset.done $0x0  }
0x7e: {  	s30 =	sadd.s32 $0x139C0, s29;
	[sflag:s22] =	ssyncadd.s32 $0xFFFFEC00  }
0x7f: {  	[tilespmem:s17], [sflag:$0x1] =	stream.indirect.gather [hbm4b:s3+s12], $0x80, s30, s12, $0xb8;
	[tilespmem:$0x1FF80] =	vst v63  }
0x80: {  	s30 =	sadd.s32 $0x16078, s29  }
0x81: {  	[spmem:s1] =	stream.indirect.scatter.add.f32 [tilespmem:s19], [sflag:$0x2], $0x80, s30, s12, $0xb8;
	[tilespmem:$0x1FF80] =	vst v63  }
0x82: {  	_ =	swait.ge [sflag:s10], $0x1400  }
0x83: {  	[sflag:s10] =	ssyncset.done $0x0  }
0x84: {  	[sflag:s10] =	ssyncadd.s32 $0xFFFFEC00  }
0x85: {  	_ =	swait.ge [sflag:s22], $0x1400  }
0x86: {  	[sflag:s22] =	ssyncset.done $0x0  }
0x87: {  	s30 =	sadd.s32 $0x139E8, s29;
	[sflag:s22] =	ssyncadd.s32 $0xFFFFEC00  }
0x88: {  	[tilespmem:s19], [sflag:$0x1] =	stream.indirect.gather [hbm4b:s3+s12], $0x80, s30, s12, $0xb8;
	[tilespmem:$0x1FF80] =	vst v63  }
0x89: {  	s30 =	sadd.s32 $0x160A0, s29  }
0x8a: {  	[spmem:s1] =	stream.indirect.scatter.add.f32 [tilespmem:s21], [sflag:$0x2], $0x80, s30, s12, $0xb8;
	[tilespmem:$0x1FF80] =	vst v63  }
0x8b: {  	_ =	swait.ge [sflag:s10], $0x1400  }
0x8c: {  	[sflag:s10] =	ssyncset.done $0x0  }
0x8d: {  	[sflag:s10] =	ssyncadd.s32 $0xFFFFEC00  }
0x8e: {  	_ =	swait.ge [sflag:s22], $0x1400  }
0x8f: {  	[sflag:s22] =	ssyncset.done $0x0  }
0x90: {  	s30 =	sadd.s32 $0x13A10, s29;
	[sflag:s22] =	ssyncadd.s32 $0xFFFFEC00  }
0x91: {  	[tilespmem:s21], [sflag:$0x1] =	stream.indirect.gather [hbm4b:s3+s12], $0x80, s30, s12, $0xb8;
	[tilespmem:$0x1FF80] =	vst v63  }
.Ltmp0:
0x92: {  	_ = 	snop;
	(pc) =	sbr.rel @p1 .LBB2_2-.Ltmp0, $4  }
0x93: {  	s29 =	sadd.s32 $0x160C8, s29  }
0x94: {  	[spmem:s1] =	stream.indirect.scatter.add.f32 [tilespmem:s23], [sflag:$0x2], $0x80, s29, s12, $0xb8;
	[tilespmem:$0x1FF80] =	vst v63  }
0x95: {  	_ =	swait.ge [sflag:s10], $0x1400  }
0x96: {  	[sflag:s10] =	ssyncset.done $0x0  }
0x97: {  	[sflag:s10] =	ssyncadd.s32 $0xFFFFEC00  }
0x98: {  	_ =	swait.ge [sflag:s22], $0x1400  }
0x99: {  	[sflag:s22] =	ssyncset.done $0x0  }
0x9a: {  	s28 =	simm.s32 $0x15EC8;
	[sflag:s22] =	ssyncadd.s32 $0xFFFFEC00  }
0x9b: {  	[tilespmem:s23], [sflag:$0x1] =	stream.indirect.gather [hbm4b:s3+s12], $0x80, s28, s12, $0xb8;
	[tilespmem:$0x1FF80] =	vst v63  }
0x9c: {  	s30 =	simm.s32 $0x18580  }
0x9d: {  	[spmem:s1] =	stream.indirect.scatter.add.f32 [tilespmem:s13], [sflag:$0x2], $0x80, s30, s12, $0xb8;
	[tilespmem:$0x1FF80] =	vst v63  }
0x9e: {  	_ =	swait.ge [sflag:s10], $0x1400  }
0x9f: {  	[sflag:s10] =	ssyncset.done $0x0  }
0xa0: {  	[sflag:s10] =	ssyncadd.s32 $0xFFFFEC00  }
0xa1: {  	_ =	swait.ge [sflag:s22], $0x1400  }
0xa2: {  	[sflag:s22] =	ssyncset.done $0x0  }
0xa3: {  	s29 =	simm.s32 $0x15EF0;
	[sflag:s22] =	ssyncadd.s32 $0xFFFFEC00  }
0xa4: {  	[tilespmem:s13], [sflag:$0x1] =	stream.indirect.gather [hbm4b:s3+s12], $0x80, s29, s12, $0xb8;
	[tilespmem:$0x1FF80] =	vst v63  }
0xa5: {  	s30 =	simm.s32 $0x185A8  }
0xa6: {  	[spmem:s1] =	stream.indirect.scatter.add.f32 [tilespmem:s15], [sflag:$0x2], $0x80, s30, s12, $0xb8;
	[tilespmem:$0x1FF80] =	vst v63  }
0xa7: {  	_ =	swait.ge [sflag:s10], $0x1400  }
0xa8: {  	[sflag:s10] =	ssyncset.done $0x0  }
0xa9: {  	[sflag:s10] =	ssyncadd.s32 $0xFFFFEC00  }
0xaa: {  	_ =	swait.ge [sflag:s22], $0x1400  }
0xab: {  	[sflag:s22] =	ssyncset.done $0x0  }
0xac: {  	s29 =	simm.s32 $0x15F18;
	[sflag:s22] =	ssyncadd.s32 $0xFFFFEC00  }
0xad: {  	[tilespmem:s15], [sflag:$0x1] =	stream.indirect.gather [hbm4b:s3+s12], $0x80, s29, s12, $0xb8;
	[tilespmem:$0x1FF80] =	vst v63  }
0xae: {  	s30 =	simm.s32 $0x185D0  }
0xaf: {  	[spmem:s1] =	stream.indirect.scatter.add.f32 [tilespmem:s17], [sflag:$0x2], $0x80, s30, s12, $0xb8;
	[tilespmem:$0x1FF80] =	vst v63  }
0xb0: {  	_ =	swait.ge [sflag:s10], $0x1400  }
0xb1: {  	[sflag:s10] =	ssyncset.done $0x0  }
0xb2: {  	[sflag:s10] =	ssyncadd.s32 $0xFFFFEC00  }
0xb3: {  	_ =	swait.ge [sflag:s22], $0x1400  }
0xb4: {  	[sflag:s22] =	ssyncset.done $0x0  }
0xb5: {  	[sflag:s22] =	ssyncadd.s32 $0xFFFFEC00  }
0xb6: {  	[tilespmem:s17], [sflag:$0x1] =	stream.indirect.gather [hbm4b:s3+s12], $0x80, s31, s12, $0xb8;
	[tilespmem:$0x1FF80] =	vst v63  }
0xb7: {  	_ = 	snop  }
0xb8: {  	[spmem:s1] =	stream.indirect.scatter.add.f32 [tilespmem:s19], [sflag:$0x2], $0x80, s0, s12, $0xb8;
	[tilespmem:$0x1FF80] =	vst v63  }
0xb9: {  	_ =	swait.ge [sflag:s10], $0x1400  }
0xba: {  	[sflag:s10] =	ssyncset.done $0x0  }
0xbb: {  	[sflag:s10] =	ssyncadd.s32 $0xFFFFEC00  }
0xbc: {  	_ =	swait.ge [sflag:s22], $0x1400  }
0xbd: {  	[sflag:s22] =	ssyncset.done $0x0  }
0xbe: {  	[sflag:s22] =	ssyncadd.s32 $0xFFFFEC00  }
0xbf: {  	[tilespmem:s19], [sflag:$0x1] =	stream.indirect.gather [hbm4b:s3+s12], $0x80, s11, s12, $0xb8;
	[tilespmem:$0x1FF80] =	vst v63  }
0xc0: {  	_ = 	snop  }
0xc1: {  	[spmem:s1] =	stream.indirect.scatter.add.f32 [tilespmem:s21], [sflag:$0x2], $0x80, s14, s12, $0xb8;
	[tilespmem:$0x1FF80] =	vst v63  }
0xc2: {  	_ =	swait.ge [sflag:s10], $0x1400  }
0xc3: {  	[sflag:s10] =	ssyncset.done $0x0  }
0xc4: {  	[sflag:s10] =	ssyncadd.s32 $0xFFFFEC00  }
0xc5: {  	_ =	swait.ge [sflag:s22], $0x1400  }
0xc6: {  	[sflag:s22] =	ssyncset.done $0x0  }
0xc7: {  	[sflag:s22] =	ssyncadd.s32 $0xFFFFEC00  }
0xc8: {  	[spmem:s1] =	stream.indirect.scatter.add.f32 [tilespmem:s23], [sflag:$0x2], $0x80, s16, s12, $0xb8;
	[tilespmem:$0x1FF80] =	vst v63  }
0xc9: {  	_ =	swait.ge [sflag:s10], $0x1400  }
0xca: {  	[sflag:s10] =	ssyncset.done $0x0  }
0xcb: {  	[sflag:s10] =	ssyncadd.s32 $0xFFFFEC00  }
0xcc: {  	_ =	swait.ge [sflag:s22], $0x1400  }
0xcd: {  	[sflag:s22] =	ssyncset.done $0x0  }
0xce: {  	[sflag:s22] =	ssyncadd.s32 $0xFFFFEC00  }
0xcf: {  	[spmem:s1] =	stream.indirect.scatter.add.f32 [tilespmem:s13], [sflag:$0x2], $0x80, s18, s12, $0xb8;
	[tilespmem:$0x1FF80] =	vst v63  }
0xd0: {  	_ =	swait.ge [sflag:s10], $0x1400  }
0xd1: {  	[sflag:s10] =	ssyncset.done $0x0  }
0xd2: {  	[sflag:s10] =	ssyncadd.s32 $0xFFFFEC00  }
0xd3: {  	_ =	swait.ge [sflag:s22], $0x1400  }
0xd4: {  	[sflag:s22] =	ssyncset.done $0x0  }
0xd5: {  	[sflag:s22] =	ssyncadd.s32 $0xFFFFEC00  }
0xd6: {  	[spmem:s1] =	stream.indirect.scatter.add.f32 [tilespmem:s15], [sflag:$0x2], $0x80, s20, s12, $0xb8;
	[tilespmem:$0x1FF80] =	vst v63  }
0xd7: {  	_ =	swait.ge [sflag:s10], $0x1400  }
0xd8: {  	[sflag:s10] =	ssyncset.done $0x0  }
0xd9: {  	[sflag:s10] =	ssyncadd.s32 $0xFFFFEC00  }
0xda: {  	_ =	swait.ge [sflag:s22], $0x1400  }
0xdb: {  	[sflag:s22] =	ssyncset.done $0x0  }
0xdc: {  	[sflag:s22] =	ssyncadd.s32 $0xFFFFEC00  }
0xdd: {  	[spmem:s1] =	stream.indirect.scatter.add.f32 [tilespmem:s17], [sflag:$0x2], $0x80, s24, s12, $0xb8;
	[tilespmem:$0x1FF80] =	vst v63  }
0xde: {  	_ =	swait.ge [sflag:s10], $0x1400  }
0xdf: {  	[sflag:s10] =	ssyncset.done $0x0  }
0xe0: {  	[sflag:s10] =	ssyncadd.s32 $0xFFFFEC00  }
0xe1: {  	_ =	swait.ge [sflag:s22], $0x1400  }
0xe2: {  	[sflag:s22] =	ssyncset.done $0x0  }
0xe3: {  	[sflag:s22] =	ssyncadd.s32 $0xFFFFEC00  }
0xe4: {  	[spmem:s1] =	stream.indirect.scatter.add.f32 [tilespmem:s19], [sflag:$0x2], $0x80, s25, s12, $0xb8;
	[tilespmem:$0x1FF80] =	vst v63  }
0xe5: {  	_ =	swait.ge [sflag:s10], $0x1400  }
0xe6: {  	[sflag:s10] =	ssyncset.done $0x0  }
0xe7: {  	s26 =	sadd.s32 $0x1, s26;
	[sflag:s10] =	ssyncadd.s32 $0xFFFFEC00  }
0xe8: {  	p1 =	sne.s32 s26, s7;
	s28 =	simm.s32 @!p0 $0x1C02;
	[bflag:$0x0] =	sbarrier.arrive $0xFFFF  }
0xe9: {  	[hbm:s6], [sflag:s28] =	dma.local @!p0 [spmem:s8], $0x27100  }
.Ltmp1:
0xea: {  	_ = 	snop;
	(pc) =	sbr.rel @p1 .LBB2_1-.Ltmp1, $4  }
0xeb: {  	s28 =	simm.s32 @!p0 $0x2  }
0xec: {  	_ =	swait.ge @!p0 [sflag:s28], $0x27100  }
0xed: {  	[sflag:s28] =	ssyncset.done @!p0 $0x0  }
0xee: {  	[sflag:s28] =	ssyncadd.s32 @!p0 $0xFFFD8F00  }
0xef: {  	_ =	sfence.sel $0x180000  }
0xf0: {  	[bflag:$0x0] =	sbarrier.arrive $0xFFFF  }
0xf1: {  	_ =	strace $0x9000004A  }
0xf2: {  	[bflag:$0x2] =	sbarrier.arrive $0xFFFF  }
0xf3: {  	s0 =	rddreg [dreg:$0x3]  }
0xf4: {  	s0 =	sadd.s32 @!p0 $0x100000, s0  }
0xf5: {  	[sflag:s0] =	ssyncadd.tile.s32 @!p0 $0x1;
	_ =	shalt  }
.Lfunc_end2:
_tile_overlayer_lowered:
.L_overlay_start_2:
0xf6: {  	(tag) =	ssettag $0x2  }
0xf7: {  	s0 =	rddreg [dreg:$0x0];
	s2 =	stileid.u32  }
0xf8: {  	s1 =	rddreg [dreg:$0x1];
	p0 =	sne.s32 s2, $0x0  }
0xf9: {  	s3 =	rddreg [dreg:$0x2];
	[bflag:$0x3] =	sbarrier.arrive $0xFFFF;
	s2 =	simm.s32 @!p0 $0x1C02  }
0xfa: {  	[timem:s3], [sflag:s2] =	dma.local @!p0 [hbm:s0], s1  }
0xfb: {  	s0 =	simm.s32 @!p0 $0x2  }
0xfc: {  	_ =	swait.ge @!p0 [sflag:s0], s1  }
0xfd: {  	s1 =	ssub.s32 @!p0 $0x0, s1;
	[sflag:s0] =	ssyncset.done @!p0 $0x0  }
0xfe: {  	[sflag:s0] =	ssyncadd.s32 @!p0 s1  }
0xff: {  	[bflag:$0x3] =	sbarrier.arrive $0xFFFF  }
0x100: {  	_ =	shalt  }

// kernel: kernel.15.cloned.1.call-start
scs
__scs_entry_jumppad:
0x0: {  	(pc) =	sbr.rel $0x88, $3  }
0x1: {  	(tag) =	ssettag $0x0;
	lr =	simm.s32 $0x1  }
0x2: {  	[smem:$0x3F99] =	sst lr;
	_ =	strace $0xD0000000  }
0x3: {  	_ = 	snop  }
0x4: {  	_ = 	snop  }
0x5: {  	_ = 	snop  }
0x6: {  	_ = 	snop  }
0x7: {  	_ = 	snop  }
__scs_overlays_trampoline_lowered:
0x8: {  	[smem:$0x3FA8] =	sst s0  }
0x9: {  	[smem:$0x3FA9] =	sst s1  }
0xa: {  	[smem:$0x3FAA] =	sst s2  }
0xb: {  	[smem:$0x3FAB] =	sst s3  }
0xc: {  	[smem:$0x3FAC] =	sst s4  }
0xd: {  	[smem:$0x3FAD] =	sst s5  }
0xe: {  	[smem:$0x3FAE] =	sst s6  }
0xf: {  	[smem:$0x3FAF] =	sst s7  }
0x10: {  	[smem:$0x3FB0] =	sst s8  }
0x11: {  	[smem:$0x3FB1] =	sst s9;
	s0 =	simm.s32 @!p0 $0x0  }
0x12: {  	s1 =	sld [smem:$0x3F97];
	s0 =	simm.s32 @p0 $0x1  }
0x13: {  	[smem:$0x3FB2] =	sst s0;
	s0 =	simm.s32 @!p1 $0x0  }
0x14: {  	s2 =	sld [smem:$0x3F96];
	s0 =	simm.s32 @p1 $0x1  }
0x15: {  	[smem:$0x3FB3] =	sst s0;
	s0 =	simm.s32 @!p2 $0x0  }
0x16: {  	s3 =	sld [smem:$0x3FDB];
	s0 =	simm.s32 @p2 $0x1  }
0x17: {  	s4 =	simm.s32 $0x1BF5;
	[smem:$0x3FB5] =	sst s0  }
0x18: {  	s0 =	sld [smem:$0x3F98];
	_ =	swait.ge [sflag:s4], $0x0  }
0x19: {  	s7 =	sld [smem:$0x3F99]  }
0x1a: {  	s8 =	sadd.s32 $0xFFFFE003, lr  }
0x1b: {  	s9 =	sadd.s32 $0xFFFFFEF7, lr;
	s5 =	simm.s32 $0xFFFFFFFF;
	p2 =	slt.u32 s8, $0xFFFFF086  }
0x1c: {  	p1 =	slt.u32 s9, $0xF7A;
	s5 =	simm.s32 @!p2 $0x0  }
0x1d: {  	s5 =	simm.s32 @p1 $0x1;
	p0 =	seq.s32 s7, s2  }
0x1e: {  	s7 =	smul.u32 @!p0 $0xF7A, s2;
	p2 =	seq.s32 @!p0 s5, $0x0  }
0x1f: {  	s9 =	smul.u32 $0xF7A, s1;
	s8 =	simm.s32 @!p0 $0x1BF5;
	p2 =	por !p2, p0  }
0x20: {  	[sflag:s8] =	ssyncset.s32 @!p0 $0xFFFFF086;
	s6 =	sadd.s32 @!p0 s3, s7;
	s7 =	simm.s32 @!p0 $0x108  }
0x21: {  	s3 =	sadd.s32 s3, s9;
	s6 =	sadd.s32 @!p0 $0x88, s6;
	s7 =	simm.s32 @p2 $0x1082  }
0x22: {  	[simem:s7], [sflag:s8] =	dma.local @!p0 [hbm:s6], $0xF7A  }
0x23: {  	s9 =	sor.u32 $0xD0000000, s2;
	s6 =	simm.s32 $0x108;
	_ =	swait.ge @!p0 [sflag:s8], $0x0  }
0x24: {  	s3 =	sadd.s32 $0x88, s3;
	s6 =	simm.s32 @!p1 $0x1082;
	[sflag:s4] =	ssyncset.s32 $0xFFFFF086  }
0x25: {  	[simem:s6], [sflag:s4] =	dma.local [hbm:s3], $0xF7A  }
0x26: {  	[smem:$0x3F99] =	sst s1;
	(tag) =	ssettag s2;
	_ =	strace s9  }
0x27: {  	s1 =	sld [smem:$0x3FA9]  }
0x28: {  	s2 =	sld [smem:$0x3FAA]  }
0x29: {  	s4 =	sld [smem:$0x3FAC]  }
0x2a: {  	p0 =	seq.s32 s5, $0x0;
	s5 =	sld [smem:$0x3FAD]  }
0x2b: {  	s6 =	sld [smem:$0x3FAE]  }
0x2c: {  	s7 =	sld [smem:$0x3FAF]  }
0x2d: {  	s3 =	simm.s32 $0x108;
	s8 =	sld [smem:$0x3FB0]  }
0x2e: {  	s3 =	simm.s32 @!p0 $0x1082;
	s9 =	sld [smem:$0x3FB1]  }
0x2f: {  	lr =	sadd.s32 s0, s3;
	s0 =	sld [smem:$0x3FA8]  }
0x30: {  	s3 =	sld [smem:$0x3FAB]  }
0x31: {  	[smem:$0x3FB4] =	sst s10  }
0x32: {  	s10 =	sld [smem:$0x3FB2];
	_ =	sdelay $0x3  }
0x33: {  	p0 =	seq.s32 s10, $0x1;
	s10 =	sld [smem:$0x3FB4];
	_ =	sdelay $0x3  }
0x34: {  	[smem:$0x3FB4] =	sst s10  }
0x35: {  	s10 =	sld [smem:$0x3FB3];
	_ =	sdelay $0x3  }
0x36: {  	p1 =	seq.s32 s10, $0x1;
	s10 =	sld [smem:$0x3FB4];
	_ =	sdelay $0x3  }
0x37: {  	[smem:$0x3FB4] =	sst s10  }
0x38: {  	s10 =	sld [smem:$0x3FB5]  }
0x39: {  	_ = 	snop;
	(pc) =	sbr.ind lr, $3  }
0x3a: {  	_ = 	snop  }
0x3b: {  	_ = 	snop  }
0x3c: {  	p2 =	seq.s32 s10, $0x1;
	s10 =	sld [smem:$0x3FB4]  }
0x3d: {  	_ =	shalt  }
0x3e: {  	_ =	shalt  }
0x3f: {  	_ =	shalt  }
0x40: {  	_ =	shalt  }
0x41: {  	_ =	shalt  }
0x42: {  	_ =	shalt  }
0x43: {  	_ =	shalt  }
0x44: {  	_ =	shalt  }
0x45: {  	_ =	shalt  }
0x46: {  	_ =	shalt  }
0x47: {  	_ =	shalt  }
0x48: {  	_ =	shalt  }
0x49: {  	_ =	shalt  }
0x4a: {  	_ =	shalt  }
0x4b: {  	_ =	shalt  }
0x4c: {  	_ =	shalt  }
0x4d: {  	_ =	shalt  }
0x4e: {  	_ =	shalt  }
0x4f: {  	_ =	shalt  }
0x50: {  	_ =	shalt  }
0x51: {  	_ =	shalt  }
0x52: {  	_ =	shalt  }
0x53: {  	_ =	shalt  }
0x54: {  	_ =	shalt  }
0x55: {  	_ =	shalt  }
0x56: {  	_ =	shalt  }
0x57: {  	_ =	shalt  }
0x58: {  	_ =	shalt  }
0x59: {  	_ =	shalt  }
0x5a: {  	_ =	shalt  }
0x5b: {  	_ =	shalt  }
0x5c: {  	_ =	shalt  }
0x5d: {  	_ =	shalt  }
0x5e: {  	_ =	shalt  }
0x5f: {  	_ =	shalt  }
0x60: {  	_ =	shalt  }
0x61: {  	_ =	shalt  }
0x62: {  	_ =	shalt  }
0x63: {  	_ =	shalt  }
0x64: {  	_ =	shalt  }
0x65: {  	_ =	shalt  }
0x66: {  	_ =	shalt  }
0x67: {  	_ =	shalt  }
0x68: {  	_ =	shalt  }
0x69: {  	_ =	shalt  }
0x6a: {  	_ =	shalt  }
0x6b: {  	_ =	shalt  }
0x6c: {  	_ =	shalt  }
0x6d: {  	_ =	shalt  }
0x6e: {  	_ =	shalt  }
0x6f: {  	_ =	shalt  }
0x70: {  	_ =	shalt  }
0x71: {  	_ =	shalt  }
0x72: {  	_ =	shalt  }
0x73: {  	_ =	shalt  }
0x74: {  	_ =	shalt  }
0x75: {  	_ =	shalt  }
0x76: {  	_ =	shalt  }
0x77: {  	_ =	shalt  }
0x78: {  	_ =	shalt  }
0x79: {  	_ =	shalt  }
0x7a: {  	_ =	shalt  }
0x7b: {  	_ =	shalt  }
0x7c: {  	_ =	shalt  }
0x7d: {  	_ =	shalt  }
0x7e: {  	_ =	shalt  }
0x7f: {  	_ =	shalt  }
0x80: {  	_ =	shalt  }
0x81: {  	_ =	shalt  }
0x82: {  	_ =	shalt  }
0x83: {  	_ =	shalt  }
0x84: {  	_ =	shalt  }
0x85: {  	_ =	shalt  }
0x86: {  	_ =	shalt  }
0x87: {  	_ =	shalt  }
.Lfunc_end0:
.L_simem_size_0:
called_computation.2_lowered:
.L_overlay_start_0:
0x88: {  	s2 =	sld [smem:$0x3FD9]  }
0x89: {  	s3 =	sld [smem:$0x3FFE];
	_ =	sdelay $0x1  }
0x8a: {  	s1 =	srdreg.scid  }
0x8b: {  	s0 =	sand.u32 $0x1, s1  }
0x8c: {  	s14 =	sshll.u32 s0, $0xA;
	s2 =	sadd.s32 s3, s2  }
0x8d: {  	s2 =	sadd.s32 s2, s14  }
0x8e: {  	[smem:$0x3FC0] =	sst s2  }
0x8f: {  	_ = 	snop  }
0x90: {  	s2 =	sld [smem:$0x3FD0];
	_ =	sdelay $0x2  }
0x91: {  	s15 =	simm.s32 $0xA;
	s4 =	simm.s32 $0x10  }
0x92: {  	[smem:s4], [sflag:s15] =	dma.local [hbm:s2], $0x1  }
0x93: {  	_ =	swait.eq [sflag:s15], $0x1  }
0x94: {  	[sflag:s15] =	ssyncset.done $0x0  }
0x95: {  	[sflag:s15] =	ssyncadd.s32 $0xFFFFFFFF  }
0x96: {  	s16 =	sld [smem:$0x11];
	(tm) =	ssettm $0x1  }
0x97: {  	s17 =	sld [smem:$0x3FFB];
	_ =	sdelay $0x3  }
0x98: {  	_ =	strace s17  }
0x99: {  	s3 =	sld [smem:$0x3FFC];
	_ =	sdelay $0x3  }
0x9a: {  	_ =	strace s3  }
0x9b: {  	s3 =	sld [smem:$0x3FFD];
	_ =	sdelay $0x3  }
0x9c: {  	_ =	strace s3  }
0x9d: {  	_ =	strace $0x8FFFFFFF  }
0x9e: {  	s18 =	sld [smem:$0x3FDB];
	_ =	sdelay $0x1  }
0x9f: {  	s19 =	simm.s32 $_scs_section_size  }
0xa0: {  	s5 =	simm.s32 $_size__tile_overlayer_lowered;
	s6 =	simm.s32 $_tile_overlayer_lowered  }
0xa1: {  	s22 =	simm.s32 $0x1BFF;
	s21 =	sshll.u32 s6, $0x1;
	s3 =	sadd.s32 s19, s18  }
0xa2: {  	s7 =	simm.s32 $0x0;
	s20 =	sshll.u32 s5, $0x1;
	s5 =	sadd.s32 s21, s3  }
0xa3: {  	[timem:s7], [sflag:s22] =	dma.local [hbm:s5], s20  }
0xa4: {  	_ =	swait.ge [sflag:s22], s20  }
0xa5: {  	s4 =	ssub.s32 $0x0, s20;
	[sflag:s22] =	ssyncset.done $0x0  }
0xa6: {  	[sflag:s22] =	ssyncadd.s32 s4;
	_ =	sdelay $0x1  }
0xa7: {  	s23 =	simm.s32 $0x1B8B  }
0xa8: {  	_ =	swait.ge [sflag:s23], $0x1  }
0xa9: {  	[sflag:s23] =	ssyncset.done $0x0  }
0xaa: {  	s25 =	simm.s32 $0x1B8E;
	s24 =	sld [smem:$0x3FFE];
	[sflag:s23] =	ssyncadd.s32 $0xFFFFFFFF  }
0xab: {  	s26 =	simm.s32 $execute0_lowered;
	[smem:$0x3FD2] =	sst s25  }
0xac: {  	s5 =	sshll.u32 s26, $0x1;
	_ =	strace $0x8000004C;
	[dreg:$0x1] =	wrdreg $0xFFFFFFFF  }
0xad: {  	s28 =	simm.s32 $_size_execute0_lowered;
	s3 =	sadd.s32 s3, s5;
	[dreg:$0x0] =	wrdreg $0x0  }
0xae: {  	s5 =	sshll.u32 s28, $0x1;
	[dreg:$0x2] =	wrdreg s3  }
0xaf: {  	[dreg:$0x3] =	wrdreg s5  }
0xb0: {  	[dreg:$0x4] =	wrdreg $0xC0  }
0xb1: {  	_ =	task [dreg:s7], $0x5FFFF  }
0xb2: {  	[dreg:$0x1] =	wrdreg $0xFFFFFFFF  }
0xb3: {  	[dreg:$0x0] =	wrdreg $0x60  }
0xb4: {  	[dreg:$0x2] =	wrdreg s16  }
0xb5: {  	[dreg:$0x3] =	wrdreg s24  }
0xb6: {  	[dreg:$0x4] =	wrdreg $0x0  }
0xb7: {  	[dreg:$0x5] =	wrdreg $0x9  }
0xb8: {  	_ =	task.clear_ibuf [dreg:s7], $0x6FFFF;
	_ =	strace $0x9000004C  }
0xb9: {  	s29 =	simm.s32 $0x9;
	_ =	strace $0x8000004E  }
0xba: {  	_ =	swait.ge [sflag:s29], $0x1  }
0xbb: {  	[sflag:s29] =	ssyncadd.s32 $0xFFFFFFFF  }
0xbc: {  	_ =	strace $0x9000004E  }
0xbd: {  	_ =	sfence  }
0xbe: {  	s30 =	sld [smem:$0x0];
	_ =	sdelay $0x2  }
0xbf: {  	s31 =	sshll.u32 s1, $0xD;
	s1 =	sshrl.u32 s1, $0x2  }
0xc0: {  	s3 =	sand.u32 $0x4000, s31;
	s1 =	sadd.s32 s1, s30  }
0xc1: {  	s0 =	sor.u32 s3, s0;
	s1 =	sshll.u32 s1, $0x11  }
0xc2: {  	s0 =	sor.u32 s1, s0  }
0xc3: {  	s0 =	sadd.s32 $0x8F2B, s0  }
0xc4: {  	[sflag:s0] =	ssyncadd.remote.s32 $0x1  }
0xc5: {  	_ =	sfence.sel $0xFFFF  }
0xc6: {  	[dreg:$0x0] =	wrdreg $0xFFFFFFFF;
	(pc) =	sbr.abs _section_cstart, $3  }
0xc7: {  	[dreg:$0x1] =	wrdreg $0xFFFFFFFF  }
0xc8: {  	_ =	task.clear_ibuf [dreg:s7], $0x2FFFF;
	_ =	strace $0x9FFFFFFF  }
0xc9: {  	(tm) =	ssettm $0x7FFFFFFF  }
tec
execute0_lowered:
.L_overlay_start_1:
0x0: {  	(tag) =	ssettag $0x1  }
0x1: {  	s0 =	rddreg [dreg:$0x0]  }
0x2: {  	s3 =	rddreg [dreg:$0x1]  }
0x3: {  	s1 =	rddreg [dreg:$0x2];
	s7 =	stileid.u32  }
0x4: {  	s4 =	srdreg.scid;
	s2 =	simm.s32 $0x0;
	s10 =	simm.s32 $0x2  }
0x5: {  	s12 =	simm.s32 $0x28;
	s13 =	simm.s32 $0x18780;
	s15 =	simm.s32 $0x19B80  }
0x6: {  	s17 =	simm.s32 $0x1AF80;
	s19 =	simm.s32 $0x1C380;
	s21 =	simm.s32 $0x1D780  }
0x7: {  	s22 =	simm.s32 $0x1;
	s23 =	simm.s32 $0x1EB80;
	s31 =	simm.s32 $0x15F40  }
0x8: {  	s11 =	simm.s32 $0x15F68;
	s14 =	simm.s32 $0x18620;
	s16 =	simm.s32 $0x18648  }
0x9: {  	s18 =	simm.s32 $0x18670;
	s20 =	simm.s32 $0x18698;
	s24 =	simm.s32 $0x186C0  }
0xa: {  	s25 =	simm.s32 $0x186E8;
	s5 =	smul.u32 $0x4E2, s7;
	s4 =	sand.u32 $0x1, s4  }
0xb: {  	s26 =	simm.s32 $0x0;
	[smem:$0x7FF] =	sst s2;
	s6 =	smul.u32 $0x27100, s4  }
0xc: {  	p0 =	sne.s32 s7, $0x0;
	_ =	strace $0x8000004D;
	s4 =	ssub.s32 $0x2, s4  }
0xd: {  	s5 =	sadd.s32 s5, s3;
	s30 =	sshrl.u32 s4, $0x1;
	s8 =	sadd.s32 s6, s3  }
0xe: {  	s9 =	ssub.s32 s4, s30;
	s3 =	sadd.s32 s0, s6;
	s4 =	sadd.s32 $0x1A00, s5  }
0xf: {  	s5 =	sadd.s32 $0x6A00, s5;
	s0 =	simm.s32 $0x185F8;
	s6 =	sadd.s32 $0xBA00, s8  }
0x10: {  	s7 =	smax.u32 s9, $0x1;
	s8 =	sshrl.u32 @!p0 s1, $0x3;
	s9 =	simm.s32 $0x13880  }
.LBB2_1:
0x11: {  	s28 =	simm.s32 @!p0 $0x1C02  }
0x12: {  	[spmem:s8], [sflag:s28] =	dma.local @!p0 [hbm:s3], $0x27100  }
0x13: {  	s28 =	simm.s32 @!p0 $0x2  }
0x14: {  	_ =	swait.ge @!p0 [sflag:s28], $0x27100  }
0x15: {  	[sflag:s28] =	ssyncset.done @!p0 $0x0  }
0x16: {  	[sflag:s28] =	ssyncadd.s32 @!p0 $0xFFFD8F00  }
0x17: {  	[tilespmem:s9], [sflag:$0x2] =	stream.linear.gather [hbm4b:s4+s2], $0x2710, $0x38;
	[tilespmem:$0x1FF80] =	vst v63  }
0x18: {  	_ =	swait.ge [sflag:s10], $0x2710  }
0x19: {  	[sflag:s10] =	ssyncset.done $0x0  }
0x1a: {  	s28 =	simm.s32 $0x16000;
	[sflag:s10] =	ssyncadd.s32 $0xFFFFD8F0  }
0x1b: {  	[tilespmem:s28], [sflag:$0x2] =	stream.linear.gather [hbm4b:s5+s2], $0x2710, $0x38;
	[tilespmem:$0x1FF80] =	vst v63  }
0x1c: {  	_ =	swait.ge [sflag:s10], $0x2710  }
0x1d: {  	[sflag:s10] =	ssyncset.done $0x0  }
0x1e: {  	[sflag:s10] =	ssyncadd.s32 $0xFFFFD8F0  }
0x1f: {  	[bflag:$0x0] =	sbarrier.arrive $0xFFFF  }
0x20: {  	[tilespmem:s13], [sflag:$0x1] =	stream.indirect.gather [hbm4b:s3+s12], $0x80, s9, s12, $0xb8;
	[tilespmem:$0x1FF80] =	vst v63  }
0x21: {  	s28 =	simm.s32 $0x138A8  }
0x22: {  	[tilespmem:s15], [sflag:$0x1] =	stream.indirect.gather [hbm4b:s3+s12], $0x80, s28, s12, $0xb8;
	[tilespmem:$0x1FF80] =	vst v63  }
0x23: {  	s28 =	simm.s32 $0x138D0  }
0x24: {  	[tilespmem:s17], [sflag:$0x1] =	stream.indirect.gather [hbm4b:s3+s12], $0x80, s28, s12, $0xb8;
	[tilespmem:$0x1FF80] =	vst v63  }
0x25: {  	s28 =	simm.s32 $0x138F8  }
0x26: {  	[tilespmem:s19], [sflag:$0x1] =	stream.indirect.gather [hbm4b:s3+s12], $0x80, s28, s12, $0xb8;
	[tilespmem:$0x1FF80] =	vst v63  }
0x27: {  	s28 =	simm.s32 $0x13920  }
0x28: {  	[tilespmem:s21], [sflag:$0x1] =	stream.indirect.gather [hbm4b:s3+s12], $0x80, s28, s12, $0xb8;
	[tilespmem:$0x1FF80] =	vst v63  }
0x29: {  	_ =	swait.ge [sflag:s22], $0x1400  }
0x2a: {  	[sflag:s22] =	ssyncset.done $0x0  }
0x2b: {  	s28 =	simm.s32 $0x13948;
	[sflag:s22] =	ssyncadd.s32 $0xFFFFEC00  }
0x2c: {  	[tilespmem:s23], [sflag:$0x1] =	stream.indirect.gather [hbm4b:s3+s12], $0x80, s28, s12, $0xb8;
	[tilespmem:$0x1FF80] =	vst v63  }
0x2d: {  	s28 =	simm.s32 $0x16000  }
0x2e: {  	[spmem:s1] =	stream.indirect.scatter.add.f32 [tilespmem:s13], [sflag:$0x2], $0x80, s28, s12, $0xb8;
	[tilespmem:$0x1FF80] =	vst v63  }
0x2f: {  	_ =	swait.ge [sflag:s10], $0x1400  }
0x30: {  	[sflag:s10] =	ssyncset.done $0x0  }
0x31: {  	[sflag:s10] =	ssyncadd.s32 $0xFFFFEC00  }
0x32: {  	_ =	swait.ge [sflag:s22], $0x1400  }
0x33: {  	[sflag:s22] =	ssyncset.done $0x0  }
0x34: {  	s28 =	simm.s32 $0x13970;
	[sflag:s22] =	ssyncadd.s32 $0xFFFFEC00  }
0x35: {  	[tilespmem:s13], [sflag:$0x1] =	stream.indirect.gather [hbm4b:s3+s12], $0x80, s28, s12, $0xb8;
	[tilespmem:$0x1FF80] =	vst v63  }
0x36: {  	s28 =	simm.s32 $0x16028  }
0x37: {  	[spmem:s1] =	stream.indirect.scatter.add.f32 [tilespmem:s15], [sflag:$0x2], $0x80, s28, s12, $0xb8;
	[tilespmem:$0x1FF80] =	vst v63  }
0x38: {  	_ =	swait.ge [sflag:s10], $0x1400  }
0x39: {  	[sflag:s10] =	ssyncset.done $0x0  }
0x3a: {  	[sflag:s10] =	ssyncadd.s32 $0xFFFFEC00  }
0x3b: {  	_ =	swait.ge [sflag:s22], $0x1400  }
0x3c: {  	[sflag:s22] =	ssyncset.done $0x0  }
0x3d: {  	s28 =	simm.s32 $0x13998;
	[sflag:s22] =	ssyncadd.s32 $0xFFFFEC00  }
0x3e: {  	[tilespmem:s15], [sflag:$0x1] =	stream.indirect.gather [hbm4b:s3+s12], $0x80, s28, s12, $0xb8;
	[tilespmem:$0x1FF80] =	vst v63  }
0x3f: {  	s28 =	simm.s32 $0x16050  }
0x40: {  	[spmem:s1] =	stream.indirect.scatter.add.f32 [tilespmem:s17], [sflag:$0x2], $0x80, s28, s12, $0xb8;
	[tilespmem:$0x1FF80] =	vst v63  }
0x41: {  	_ =	swait.ge [sflag:s10], $0x1400  }
0x42: {  	[sflag:s10] =	ssyncset.done $0x0  }
0x43: {  	[sflag:s10] =	ssyncadd.s32 $0xFFFFEC00  }
0x44: {  	_ =	swait.ge [sflag:s22], $0x1400  }
0x45: {  	[sflag:s22] =	ssyncset.done $0x0  }
0x46: {  	s28 =	simm.s32 $0x139C0;
	[sflag:s22] =	ssyncadd.s32 $0xFFFFEC00  }
0x47: {  	[tilespmem:s17], [sflag:$0x1] =	stream.indirect.gather [hbm4b:s3+s12], $0x80, s28, s12, $0xb8;
	[tilespmem:$0x1FF80] =	vst v63  }
0x48: {  	s28 =	simm.s32 $0x16078  }
0x49: {  	[spmem:s1] =	stream.indirect.scatter.add.f32 [tilespmem:s19], [sflag:$0x2], $0x80, s28, s12, $0xb8;
	[tilespmem:$0x1FF80] =	vst v63  }
0x4a: {  	_ =	swait.ge [sflag:s10], $0x1400  }
0x4b: {  	[sflag:s10] =	ssyncset.done $0x0  }
0x4c: {  	[sflag:s10] =	ssyncadd.s32 $0xFFFFEC00  }
0x4d: {  	_ =	swait.ge [sflag:s22], $0x1400  }
0x4e: {  	[sflag:s22] =	ssyncset.done $0x0  }
0x4f: {  	s28 =	simm.s32 $0x139E8;
	[sflag:s22] =	ssyncadd.s32 $0xFFFFEC00  }
0x50: {  	[tilespmem:s19], [sflag:$0x1] =	stream.indirect.gather [hbm4b:s3+s12], $0x80, s28, s12, $0xb8;
	[tilespmem:$0x1FF80] =	vst v63  }
0x51: {  	s28 =	simm.s32 $0x160A0  }
0x52: {  	[spmem:s1] =	stream.indirect.scatter.add.f32 [tilespmem:s21], [sflag:$0x2], $0x80, s28, s12, $0xb8;
	[tilespmem:$0x1FF80] =	vst v63  }
0x53: {  	_ =	swait.ge [sflag:s10], $0x1400  }
0x54: {  	[sflag:s10] =	ssyncset.done $0x0  }
0x55: {  	[sflag:s10] =	ssyncadd.s32 $0xFFFFEC00  }
0x56: {  	_ =	swait.ge [sflag:s22], $0x1400  }
0x57: {  	[sflag:s22] =	ssyncset.done $0x0  }
0x58: {  	s28 =	simm.s32 $0x13A10;
	[sflag:s22] =	ssyncadd.s32 $0xFFFFEC00  }
0x59: {  	[tilespmem:s21], [sflag:$0x1] =	stream.indirect.gather [hbm4b:s3+s12], $0x80, s28, s12, $0xb8;
	[tilespmem:$0x1FF80] =	vst v63  }
0x5a: {  	s28 =	simm.s32 $0x160C8  }
0x5b: {  	[spmem:s1] =	stream.indirect.scatter.add.f32 [tilespmem:s23], [sflag:$0x2], $0x80, s28, s12, $0xb8;
	[tilespmem:$0x1FF80] =	vst v63  }
0x5c: {  	_ =	swait.ge [sflag:s10], $0x1400  }
0x5d: {  	s28 =	simm.s32 $0x3C0;
	[sflag:s10] =	ssyncset.done $0x0  }
.LBB2_2:
0x5e: {  	p1 =	sne.s32 s28, $0x9240  }
0x5f: {  	[sflag:s10] =	ssyncadd.s32 $0xFFFFEC00;
	s29 =	smov.u32 s28;
	s28 =	sadd.s32 $0x3C0, s28  }
0x60: {  	_ = 	snop  }
0x61: {  	_ =	swait.ge [sflag:s22], $0x1400  }
0x62: {  	s29 =	sshra.s32 s29, $0x2;
	[sflag:s22] =	ssyncset.done $0x0  }
0x63: {  	s30 =	sadd.s32 $0x13948, s29;
	[sflag:s22] =	ssyncadd.s32 $0xFFFFEC00  }
0x64: {  	[tilespmem:s23], [sflag:$0x1] =	stream.indirect.gather [hbm4b:s3+s12], $0x80, s30, s12, $0xb8;
	[tilespmem:$0x1FF80] =	vst v63  }
0x65: {  	s30 =	sadd.s32 $0x16000, s29  }
0x66: {  	[spmem:s1] =	stream.indirect.scatter.add.f32 [tilespmem:s13], [sflag:$0x2], $0x80, s30, s12, $0xb8;
	[tilespmem:$0x1FF80] =	vst v63  }
0x67: {  	_ =	swait.ge [sflag:s10], $0x1400  }
0x68: {  	[sflag:s10] =	ssyncset.done $0x0  }
0x69: {  	[sflag:s10] =	ssyncadd.s32 $0xFFFFEC00  }
0x6a: {  	_ =	swait.ge [sflag:s22], $0x1400  }
0x6b: {  	[sflag:s22] =	ssyncset.done $0x0  }
0x6c: {  	s30 =	sadd.s32 $0x13970, s29;
	[sflag:s22] =	ssyncadd.s32 $0xFFFFEC00  }
0x6d: {  	[tilespmem:s13], [sflag:$0x1] =	stream.indirect.gather [hbm4b:s3+s12], $0x80, s30, s12, $0xb8;
	[tilespmem:$0x1FF80] =	vst v63  }
0x6e: {  	s30 =	sadd.s32 $0x16028, s29  }
0x6f: {  	[spmem:s1] =	stream.indirect.scatter.add.f32 [tilespmem:s15], [sflag:$0x2], $0x80, s30, s12, $0xb8;
	[tilespmem:$0x1FF80] =	vst v63  }
0x70: {  	_ =	swait.ge [sflag:s10], $0x1400  }
0x71: {  	[sflag:s10] =	ssyncset.done $0x0  }
0x72: {  	[sflag:s10] =	ssyncadd.s32 $0xFFFFEC00  }
0x73: {  	_ =	swait.ge [sflag:s22], $0x1400  }
0x74: {  	[sflag:s22] =	ssyncset.done $0x0  }
0x75: {  	s30 =	sadd.s32 $0x13998, s29;
	[sflag:s22] =	ssyncadd.s32 $0xFFFFEC00  }
0x76: {  	[tilespmem:s15], [sflag:$0x1] =	stream.indirect.gather [hbm4b:s3+s12], $0x80, s30, s12, $0xb8;
	[tilespmem:$0x1FF80] =	vst v63  }
0x77: {  	s30 =	sadd.s32 $0x16050, s29  }
0x78: {  	[spmem:s1] =	stream.indirect.scatter.add.f32 [tilespmem:s17], [sflag:$0x2], $0x80, s30, s12, $0xb8;
	[tilespmem:$0x1FF80] =	vst v63  }
0x79: {  	_ =	swait.ge [sflag:s10], $0x1400  }
0x7a: {  	[sflag:s10] =	ssyncset.done $0x0  }
0x7b: {  	[sflag:s10] =	ssyncadd.s32 $0xFFFFEC00  }
0x7c: {  	_ =	swait.ge [sflag:s22], $0x1400  }
0x7d: {  	[sflag:s22] =	ssyncset.done $0x0  }
0x7e: {  	s30 =	sadd.s32 $0x139C0, s29;
	[sflag:s22] =	ssyncadd.s32 $0xFFFFEC00  }
0x7f: {  	[tilespmem:s17], [sflag:$0x1] =	stream.indirect.gather [hbm4b:s3+s12], $0x80, s30, s12, $0xb8;
	[tilespmem:$0x1FF80] =	vst v63  }
0x80: {  	s30 =	sadd.s32 $0x16078, s29  }
0x81: {  	[spmem:s1] =	stream.indirect.scatter.add.f32 [tilespmem:s19], [sflag:$0x2], $0x80, s30, s12, $0xb8;
	[tilespmem:$0x1FF80] =	vst v63  }
0x82: {  	_ =	swait.ge [sflag:s10], $0x1400  }
0x83: {  	[sflag:s10] =	ssyncset.done $0x0  }
0x84: {  	[sflag:s10] =	ssyncadd.s32 $0xFFFFEC00  }
0x85: {  	_ =	swait.ge [sflag:s22], $0x1400  }
0x86: {  	[sflag:s22] =	ssyncset.done $0x0  }
0x87: {  	s30 =	sadd.s32 $0x139E8, s29;
	[sflag:s22] =	ssyncadd.s32 $0xFFFFEC00  }
0x88: {  	[tilespmem:s19], [sflag:$0x1] =	stream.indirect.gather [hbm4b:s3+s12], $0x80, s30, s12, $0xb8;
	[tilespmem:$0x1FF80] =	vst v63  }
0x89: {  	s30 =	sadd.s32 $0x160A0, s29  }
0x8a: {  	[spmem:s1] =	stream.indirect.scatter.add.f32 [tilespmem:s21], [sflag:$0x2], $0x80, s30, s12, $0xb8;
	[tilespmem:$0x1FF80] =	vst v63  }
0x8b: {  	_ =	swait.ge [sflag:s10], $0x1400  }
0x8c: {  	[sflag:s10] =	ssyncset.done $0x0  }
0x8d: {  	[sflag:s10] =	ssyncadd.s32 $0xFFFFEC00  }
0x8e: {  	_ =	swait.ge [sflag:s22], $0x1400  }
0x8f: {  	[sflag:s22] =	ssyncset.done $0x0  }
0x90: {  	s30 =	sadd.s32 $0x13A10, s29;
	[sflag:s22] =	ssyncadd.s32 $0xFFFFEC00  }
0x91: {  	[tilespmem:s21], [sflag:$0x1] =	stream.indirect.gather [hbm4b:s3+s12], $0x80, s30, s12, $0xb8;
	[tilespmem:$0x1FF80] =	vst v63  }
.Ltmp0:
0x92: {  	_ = 	snop;
	(pc) =	sbr.rel @p1 .LBB2_2-.Ltmp0, $4  }
0x93: {  	s29 =	sadd.s32 $0x160C8, s29  }
0x94: {  	[spmem:s1] =	stream.indirect.scatter.add.f32 [tilespmem:s23], [sflag:$0x2], $0x80, s29, s12, $0xb8;
	[tilespmem:$0x1FF80] =	vst v63  }
0x95: {  	_ =	swait.ge [sflag:s10], $0x1400  }
0x96: {  	[sflag:s10] =	ssyncset.done $0x0  }
0x97: {  	[sflag:s10] =	ssyncadd.s32 $0xFFFFEC00  }
0x98: {  	_ =	swait.ge [sflag:s22], $0x1400  }
0x99: {  	[sflag:s22] =	ssyncset.done $0x0  }
0x9a: {  	s28 =	simm.s32 $0x15EC8;
	[sflag:s22] =	ssyncadd.s32 $0xFFFFEC00  }
0x9b: {  	[tilespmem:s23], [sflag:$0x1] =	stream.indirect.gather [hbm4b:s3+s12], $0x80, s28, s12, $0xb8;
	[tilespmem:$0x1FF80] =	vst v63  }
0x9c: {  	s30 =	simm.s32 $0x18580  }
0x9d: {  	[spmem:s1] =	stream.indirect.scatter.add.f32 [tilespmem:s13], [sflag:$0x2], $0x80, s30, s12, $0xb8;
	[tilespmem:$0x1FF80] =	vst v63  }
0x9e: {  	_ =	swait.ge [sflag:s10], $0x1400  }
0x9f: {  	[sflag:s10] =	ssyncset.done $0x0  }
0xa0: {  	[sflag:s10] =	ssyncadd.s32 $0xFFFFEC00  }
0xa1: {  	_ =	swait.ge [sflag:s22], $0x1400  }
0xa2: {  	[sflag:s22] =	ssyncset.done $0x0  }
0xa3: {  	s29 =	simm.s32 $0x15EF0;
	[sflag:s22] =	ssyncadd.s32 $0xFFFFEC00  }
0xa4: {  	[tilespmem:s13], [sflag:$0x1] =	stream.indirect.gather [hbm4b:s3+s12], $0x80, s29, s12, $0xb8;
	[tilespmem:$0x1FF80] =	vst v63  }
0xa5: {  	s30 =	simm.s32 $0x185A8  }
0xa6: {  	[spmem:s1] =	stream.indirect.scatter.add.f32 [tilespmem:s15], [sflag:$0x2], $0x80, s30, s12, $0xb8;
	[tilespmem:$0x1FF80] =	vst v63  }
0xa7: {  	_ =	swait.ge [sflag:s10], $0x1400  }
0xa8: {  	[sflag:s10] =	ssyncset.done $0x0  }
0xa9: {  	[sflag:s10] =	ssyncadd.s32 $0xFFFFEC00  }
0xaa: {  	_ =	swait.ge [sflag:s22], $0x1400  }
0xab: {  	[sflag:s22] =	ssyncset.done $0x0  }
0xac: {  	s29 =	simm.s32 $0x15F18;
	[sflag:s22] =	ssyncadd.s32 $0xFFFFEC00  }
0xad: {  	[tilespmem:s15], [sflag:$0x1] =	stream.indirect.gather [hbm4b:s3+s12], $0x80, s29, s12, $0xb8;
	[tilespmem:$0x1FF80] =	vst v63  }
0xae: {  	s30 =	simm.s32 $0x185D0  }
0xaf: {  	[spmem:s1] =	stream.indirect.scatter.add.f32 [tilespmem:s17], [sflag:$0x2], $0x80, s30, s12, $0xb8;
	[tilespmem:$0x1FF80] =	vst v63  }
0xb0: {  	_ =	swait.ge [sflag:s10], $0x1400  }
0xb1: {  	[sflag:s10] =	ssyncset.done $0x0  }
0xb2: {  	[sflag:s10] =	ssyncadd.s32 $0xFFFFEC00  }
0xb3: {  	_ =	swait.ge [sflag:s22], $0x1400  }
0xb4: {  	[sflag:s22] =	ssyncset.done $0x0  }
0xb5: {  	[sflag:s22] =	ssyncadd.s32 $0xFFFFEC00  }
0xb6: {  	[tilespmem:s17], [sflag:$0x1] =	stream.indirect.gather [hbm4b:s3+s12], $0x80, s31, s12, $0xb8;
	[tilespmem:$0x1FF80] =	vst v63  }
0xb7: {  	_ = 	snop  }
0xb8: {  	[spmem:s1] =	stream.indirect.scatter.add.f32 [tilespmem:s19], [sflag:$0x2], $0x80, s0, s12, $0xb8;
	[tilespmem:$0x1FF80] =	vst v63  }
0xb9: {  	_ =	swait.ge [sflag:s10], $0x1400  }
0xba: {  	[sflag:s10] =	ssyncset.done $0x0  }
0xbb: {  	[sflag:s10] =	ssyncadd.s32 $0xFFFFEC00  }
0xbc: {  	_ =	swait.ge [sflag:s22], $0x1400  }
0xbd: {  	[sflag:s22] =	ssyncset.done $0x0  }
0xbe: {  	[sflag:s22] =	ssyncadd.s32 $0xFFFFEC00  }
0xbf: {  	[tilespmem:s19], [sflag:$0x1] =	stream.indirect.gather [hbm4b:s3+s12], $0x80, s11, s12, $0xb8;
	[tilespmem:$0x1FF80] =	vst v63  }
0xc0: {  	_ = 	snop  }
0xc1: {  	[spmem:s1] =	stream.indirect.scatter.add.f32 [tilespmem:s21], [sflag:$0x2], $0x80, s14, s12, $0xb8;
	[tilespmem:$0x1FF80] =	vst v63  }
0xc2: {  	_ =	swait.ge [sflag:s10], $0x1400  }
0xc3: {  	[sflag:s10] =	ssyncset.done $0x0  }
0xc4: {  	[sflag:s10] =	ssyncadd.s32 $0xFFFFEC00  }
0xc5: {  	_ =	swait.ge [sflag:s22], $0x1400  }
0xc6: {  	[sflag:s22] =	ssyncset.done $0x0  }
0xc7: {  	[sflag:s22] =	ssyncadd.s32 $0xFFFFEC00  }
0xc8: {  	[spmem:s1] =	stream.indirect.scatter.add.f32 [tilespmem:s23], [sflag:$0x2], $0x80, s16, s12, $0xb8;
	[tilespmem:$0x1FF80] =	vst v63  }
0xc9: {  	_ =	swait.ge [sflag:s10], $0x1400  }
0xca: {  	[sflag:s10] =	ssyncset.done $0x0  }
0xcb: {  	[sflag:s10] =	ssyncadd.s32 $0xFFFFEC00  }
0xcc: {  	_ =	swait.ge [sflag:s22], $0x1400  }
0xcd: {  	[sflag:s22] =	ssyncset.done $0x0  }
0xce: {  	[sflag:s22] =	ssyncadd.s32 $0xFFFFEC00  }
0xcf: {  	[spmem:s1] =	stream.indirect.scatter.add.f32 [tilespmem:s13], [sflag:$0x2], $0x80, s18, s12, $0xb8;
	[tilespmem:$0x1FF80] =	vst v63  }
0xd0: {  	_ =	swait.ge [sflag:s10], $0x1400  }
0xd1: {  	[sflag:s10] =	ssyncset.done $0x0  }
0xd2: {  	[sflag:s10] =	ssyncadd.s32 $0xFFFFEC00  }
0xd3: {  	_ =	swait.ge [sflag:s22], $0x1400  }
0xd4: {  	[sflag:s22] =	ssyncset.done $0x0  }
0xd5: {  	[sflag:s22] =	ssyncadd.s32 $0xFFFFEC00  }
0xd6: {  	[spmem:s1] =	stream.indirect.scatter.add.f32 [tilespmem:s15], [sflag:$0x2], $0x80, s20, s12, $0xb8;
	[tilespmem:$0x1FF80] =	vst v63  }
0xd7: {  	_ =	swait.ge [sflag:s10], $0x1400  }
0xd8: {  	[sflag:s10] =	ssyncset.done $0x0  }
0xd9: {  	[sflag:s10] =	ssyncadd.s32 $0xFFFFEC00  }
0xda: {  	_ =	swait.ge [sflag:s22], $0x1400  }
0xdb: {  	[sflag:s22] =	ssyncset.done $0x0  }
0xdc: {  	[sflag:s22] =	ssyncadd.s32 $0xFFFFEC00  }
0xdd: {  	[spmem:s1] =	stream.indirect.scatter.add.f32 [tilespmem:s17], [sflag:$0x2], $0x80, s24, s12, $0xb8;
	[tilespmem:$0x1FF80] =	vst v63  }
0xde: {  	_ =	swait.ge [sflag:s10], $0x1400  }
0xdf: {  	[sflag:s10] =	ssyncset.done $0x0  }
0xe0: {  	[sflag:s10] =	ssyncadd.s32 $0xFFFFEC00  }
0xe1: {  	_ =	swait.ge [sflag:s22], $0x1400  }
0xe2: {  	[sflag:s22] =	ssyncset.done $0x0  }
0xe3: {  	[sflag:s22] =	ssyncadd.s32 $0xFFFFEC00  }
0xe4: {  	[spmem:s1] =	stream.indirect.scatter.add.f32 [tilespmem:s19], [sflag:$0x2], $0x80, s25, s12, $0xb8;
	[tilespmem:$0x1FF80] =	vst v63  }
0xe5: {  	_ =	swait.ge [sflag:s10], $0x1400  }
0xe6: {  	[sflag:s10] =	ssyncset.done $0x0  }
0xe7: {  	s26 =	sadd.s32 $0x1, s26;
	[sflag:s10] =	ssyncadd.s32 $0xFFFFEC00  }
0xe8: {  	p1 =	sne.s32 s26, s7;
	s28 =	simm.s32 @!p0 $0x1C02;
	[bflag:$0x0] =	sbarrier.arrive $0xFFFF  }
0xe9: {  	[hbm:s6], [sflag:s28] =	dma.local @!p0 [spmem:s8], $0x27100  }
.Ltmp1:
0xea: {  	_ = 	snop;
	(pc) =	sbr.rel @p1 .LBB2_1-.Ltmp1, $4  }
0xeb: {  	s28 =	simm.s32 @!p0 $0x2  }
0xec: {  	_ =	swait.ge @!p0 [sflag:s28], $0x27100  }
0xed: {  	[sflag:s28] =	ssyncset.done @!p0 $0x0  }
0xee: {  	[sflag:s28] =	ssyncadd.s32 @!p0 $0xFFFD8F00  }
0xef: {  	_ =	sfence.sel $0x180000  }
0xf0: {  	[bflag:$0x0] =	sbarrier.arrive $0xFFFF  }
0xf1: {  	_ =	strace $0x9000004D  }
0xf2: {  	[bflag:$0x2] =	sbarrier.arrive $0xFFFF  }
0xf3: {  	s0 =	rddreg [dreg:$0x3]  }
0xf4: {  	s0 =	sadd.s32 @!p0 $0x100000, s0  }
0xf5: {  	[sflag:s0] =	ssyncadd.tile.s32 @!p0 $0x1;
	_ =	shalt  }
.Lfunc_end2:
_tile_overlayer_lowered:
.L_overlay_start_2:
0xf6: {  	(tag) =	ssettag $0x2  }
0xf7: {  	s0 =	rddreg [dreg:$0x0];
	s2 =	stileid.u32  }
0xf8: {  	s1 =	rddreg [dreg:$0x1];
	p0 =	sne.s32 s2, $0x0  }
0xf9: {  	s3 =	rddreg [dreg:$0x2];
	[bflag:$0x3] =	sbarrier.arrive $0xFFFF;
	s2 =	simm.s32 @!p0 $0x1C02  }
0xfa: {  	[timem:s3], [sflag:s2] =	dma.local @!p0 [hbm:s0], s1  }
0xfb: {  	s0 =	simm.s32 @!p0 $0x2  }
0xfc: {  	_ =	swait.ge @!p0 [sflag:s0], s1  }
0xfd: {  	s1 =	ssub.s32 @!p0 $0x0, s1;
	[sflag:s0] =	ssyncset.done @!p0 $0x0  }
0xfe: {  	[sflag:s0] =	ssyncadd.s32 @!p0 s1  }
0xff: {  	[bflag:$0x3] =	sbarrier.arrive $0xFFFF  }
0x100: {  	_ =	shalt  }

// kernel: kernel.9.cloned.1.call-start
scs
__scs_entry_jumppad:
0x0: {  	(pc) =	sbr.rel $0x88, $3  }
0x1: {  	(tag) =	ssettag $0x0;
	lr =	simm.s32 $0x1  }
0x2: {  	[smem:$0x3F99] =	sst lr;
	_ =	strace $0xD0000000  }
0x3: {  	_ = 	snop  }
0x4: {  	_ = 	snop  }
0x5: {  	_ = 	snop  }
0x6: {  	_ = 	snop  }
0x7: {  	_ = 	snop  }
__scs_overlays_trampoline_lowered:
0x8: {  	[smem:$0x3FA8] =	sst s0  }
0x9: {  	[smem:$0x3FA9] =	sst s1  }
0xa: {  	[smem:$0x3FAA] =	sst s2  }
0xb: {  	[smem:$0x3FAB] =	sst s3  }
0xc: {  	[smem:$0x3FAC] =	sst s4  }
0xd: {  	[smem:$0x3FAD] =	sst s5  }
0xe: {  	[smem:$0x3FAE] =	sst s6  }
0xf: {  	[smem:$0x3FAF] =	sst s7  }
0x10: {  	[smem:$0x3FB0] =	sst s8  }
0x11: {  	[smem:$0x3FB1] =	sst s9;
	s0 =	simm.s32 @!p0 $0x0  }
0x12: {  	s1 =	sld [smem:$0x3F97];
	s0 =	simm.s32 @p0 $0x1  }
0x13: {  	[smem:$0x3FB2] =	sst s0;
	s0 =	simm.s32 @!p1 $0x0  }
0x14: {  	s2 =	sld [smem:$0x3F96];
	s0 =	simm.s32 @p1 $0x1  }
0x15: {  	[smem:$0x3FB3] =	sst s0;
	s0 =	simm.s32 @!p2 $0x0  }
0x16: {  	s3 =	sld [smem:$0x3FDB];
	s0 =	simm.s32 @p2 $0x1  }
0x17: {  	s4 =	simm.s32 $0x1BF5;
	[smem:$0x3FB5] =	sst s0  }
0x18: {  	s0 =	sld [smem:$0x3F98];
	_ =	swait.ge [sflag:s4], $0x0  }
0x19: {  	s7 =	sld [smem:$0x3F99]  }
0x1a: {  	s8 =	sadd.s32 $0xFFFFE003, lr  }
0x1b: {  	s9 =	sadd.s32 $0xFFFFFEF7, lr;
	s5 =	simm.s32 $0xFFFFFFFF;
	p2 =	slt.u32 s8, $0xFFFFF086  }
0x1c: {  	p1 =	slt.u32 s9, $0xF7A;
	s5 =	simm.s32 @!p2 $0x0  }
0x1d: {  	s5 =	simm.s32 @p1 $0x1;
	p0 =	seq.s32 s7, s2  }
0x1e: {  	s7 =	smul.u32 @!p0 $0xF7A, s2;
	p2 =	seq.s32 @!p0 s5, $0x0  }
0x1f: {  	s9 =	smul.u32 $0xF7A, s1;
	s8 =	simm.s32 @!p0 $0x1BF5;
	p2 =	por !p2, p0  }
0x20: {  	[sflag:s8] =	ssyncset.s32 @!p0 $0xFFFFF086;
	s6 =	sadd.s32 @!p0 s3, s7;
	s7 =	simm.s32 @!p0 $0x108  }
0x21: {  	s3 =	sadd.s32 s3, s9;
	s6 =	sadd.s32 @!p0 $0x88, s6;
	s7 =	simm.s32 @p2 $0x1082  }
0x22: {  	[simem:s7], [sflag:s8] =	dma.local @!p0 [hbm:s6], $0xF7A  }
0x23: {  	s9 =	sor.u32 $0xD0000000, s2;
	s6 =	simm.s32 $0x108;
	_ =	swait.ge @!p0 [sflag:s8], $0x0  }
0x24: {  	s3 =	sadd.s32 $0x88, s3;
	s6 =	simm.s32 @!p1 $0x1082;
	[sflag:s4] =	ssyncset.s32 $0xFFFFF086  }
0x25: {  	[simem:s6], [sflag:s4] =	dma.local [hbm:s3], $0xF7A  }
0x26: {  	[smem:$0x3F99] =	sst s1;
	(tag) =	ssettag s2;
	_ =	strace s9  }
0x27: {  	s1 =	sld [smem:$0x3FA9]  }
0x28: {  	s2 =	sld [smem:$0x3FAA]  }
0x29: {  	s4 =	sld [smem:$0x3FAC]  }
0x2a: {  	p0 =	seq.s32 s5, $0x0;
	s5 =	sld [smem:$0x3FAD]  }
0x2b: {  	s6 =	sld [smem:$0x3FAE]  }
0x2c: {  	s7 =	sld [smem:$0x3FAF]  }
0x2d: {  	s3 =	simm.s32 $0x108;
	s8 =	sld [smem:$0x3FB0]  }
0x2e: {  	s3 =	simm.s32 @!p0 $0x1082;
	s9 =	sld [smem:$0x3FB1]  }
0x2f: {  	lr =	sadd.s32 s0, s3;
	s0 =	sld [smem:$0x3FA8]  }
0x30: {  	s3 =	sld [smem:$0x3FAB]  }
0x31: {  	[smem:$0x3FB4] =	sst s10  }
0x32: {  	s10 =	sld [smem:$0x3FB2];
	_ =	sdelay $0x3  }
0x33: {  	p0 =	seq.s32 s10, $0x1;
	s10 =	sld [smem:$0x3FB4];
	_ =	sdelay $0x3  }
0x34: {  	[smem:$0x3FB4] =	sst s10  }
0x35: {  	s10 =	sld [smem:$0x3FB3];
	_ =	sdelay $0x3  }
0x36: {  	p1 =	seq.s32 s10, $0x1;
	s10 =	sld [smem:$0x3FB4];
	_ =	sdelay $0x3  }
0x37: {  	[smem:$0x3FB4] =	sst s10  }
0x38: {  	s10 =	sld [smem:$0x3FB5]  }
0x39: {  	_ = 	snop;
	(pc) =	sbr.ind lr, $3  }
0x3a: {  	_ = 	snop  }
0x3b: {  	_ = 	snop  }
0x3c: {  	p2 =	seq.s32 s10, $0x1;
	s10 =	sld [smem:$0x3FB4]  }
0x3d: {  	_ =	shalt  }
0x3e: {  	_ =	shalt  }
0x3f: {  	_ =	shalt  }
0x40: {  	_ =	shalt  }
0x41: {  	_ =	shalt  }
0x42: {  	_ =	shalt  }
0x43: {  	_ =	shalt  }
0x44: {  	_ =	shalt  }
0x45: {  	_ =	shalt  }
0x46: {  	_ =	shalt  }
0x47: {  	_ =	shalt  }
0x48: {  	_ =	shalt  }
0x49: {  	_ =	shalt  }
0x4a: {  	_ =	shalt  }
0x4b: {  	_ =	shalt  }
0x4c: {  	_ =	shalt  }
0x4d: {  	_ =	shalt  }
0x4e: {  	_ =	shalt  }
0x4f: {  	_ =	shalt  }
0x50: {  	_ =	shalt  }
0x51: {  	_ =	shalt  }
0x52: {  	_ =	shalt  }
0x53: {  	_ =	shalt  }
0x54: {  	_ =	shalt  }
0x55: {  	_ =	shalt  }
0x56: {  	_ =	shalt  }
0x57: {  	_ =	shalt  }
0x58: {  	_ =	shalt  }
0x59: {  	_ =	shalt  }
0x5a: {  	_ =	shalt  }
0x5b: {  	_ =	shalt  }
0x5c: {  	_ =	shalt  }
0x5d: {  	_ =	shalt  }
0x5e: {  	_ =	shalt  }
0x5f: {  	_ =	shalt  }
0x60: {  	_ =	shalt  }
0x61: {  	_ =	shalt  }
0x62: {  	_ =	shalt  }
0x63: {  	_ =	shalt  }
0x64: {  	_ =	shalt  }
0x65: {  	_ =	shalt  }
0x66: {  	_ =	shalt  }
0x67: {  	_ =	shalt  }
0x68: {  	_ =	shalt  }
0x69: {  	_ =	shalt  }
0x6a: {  	_ =	shalt  }
0x6b: {  	_ =	shalt  }
0x6c: {  	_ =	shalt  }
0x6d: {  	_ =	shalt  }
0x6e: {  	_ =	shalt  }
0x6f: {  	_ =	shalt  }
0x70: {  	_ =	shalt  }
0x71: {  	_ =	shalt  }
0x72: {  	_ =	shalt  }
0x73: {  	_ =	shalt  }
0x74: {  	_ =	shalt  }
0x75: {  	_ =	shalt  }
0x76: {  	_ =	shalt  }
0x77: {  	_ =	shalt  }
0x78: {  	_ =	shalt  }
0x79: {  	_ =	shalt  }
0x7a: {  	_ =	shalt  }
0x7b: {  	_ =	shalt  }
0x7c: {  	_ =	shalt  }
0x7d: {  	_ =	shalt  }
0x7e: {  	_ =	shalt  }
0x7f: {  	_ =	shalt  }
0x80: {  	_ =	shalt  }
0x81: {  	_ =	shalt  }
0x82: {  	_ =	shalt  }
0x83: {  	_ =	shalt  }
0x84: {  	_ =	shalt  }
0x85: {  	_ =	shalt  }
0x86: {  	_ =	shalt  }
0x87: {  	_ =	shalt  }
.Lfunc_end0:
.L_simem_size_0:
called_computation_lowered:
.L_overlay_start_0:
0x88: {  	s2 =	sld [smem:$0x3FD9]  }
0x89: {  	s3 =	sld [smem:$0x3FFE];
	_ =	sdelay $0x1  }
0x8a: {  	s1 =	srdreg.scid  }
0x8b: {  	s0 =	sand.u32 $0x1, s1  }
0x8c: {  	s14 =	sshll.u32 s0, $0xA;
	s2 =	sadd.s32 s3, s2  }
0x8d: {  	s2 =	sadd.s32 s2, s14  }
0x8e: {  	[smem:$0x3FC0] =	sst s2  }
0x8f: {  	_ = 	snop  }
0x90: {  	s2 =	sld [smem:$0x3FD0];
	_ =	sdelay $0x2  }
0x91: {  	s15 =	simm.s32 $0xA;
	s4 =	simm.s32 $0x10  }
0x92: {  	[smem:s4], [sflag:s15] =	dma.local [hbm:s2], $0x1  }
0x93: {  	_ =	swait.eq [sflag:s15], $0x1  }
0x94: {  	[sflag:s15] =	ssyncset.done $0x0  }
0x95: {  	[sflag:s15] =	ssyncadd.s32 $0xFFFFFFFF  }
0x96: {  	s16 =	sld [smem:$0x11];
	(tm) =	ssettm $0x1  }
0x97: {  	s17 =	sld [smem:$0x3FFB];
	_ =	sdelay $0x3  }
0x98: {  	_ =	strace s17  }
0x99: {  	s3 =	sld [smem:$0x3FFC];
	_ =	sdelay $0x3  }
0x9a: {  	_ =	strace s3  }
0x9b: {  	s3 =	sld [smem:$0x3FFD];
	_ =	sdelay $0x3  }
0x9c: {  	_ =	strace s3  }
0x9d: {  	_ =	strace $0x8FFFFFFF  }
0x9e: {  	s18 =	sld [smem:$0x3FDB];
	_ =	sdelay $0x1  }
0x9f: {  	s19 =	simm.s32 $_scs_section_size  }
0xa0: {  	s5 =	simm.s32 $_size__tile_overlayer_lowered;
	s6 =	simm.s32 $_tile_overlayer_lowered  }
0xa1: {  	s22 =	simm.s32 $0x1BFF;
	s21 =	sshll.u32 s6, $0x1;
	s3 =	sadd.s32 s19, s18  }
0xa2: {  	s7 =	simm.s32 $0x0;
	s20 =	sshll.u32 s5, $0x1;
	s5 =	sadd.s32 s21, s3  }
0xa3: {  	[timem:s7], [sflag:s22] =	dma.local [hbm:s5], s20  }
0xa4: {  	_ =	swait.ge [sflag:s22], s20  }
0xa5: {  	s4 =	ssub.s32 $0x0, s20;
	[sflag:s22] =	ssyncset.done $0x0  }
0xa6: {  	[sflag:s22] =	ssyncadd.s32 s4;
	_ =	sdelay $0x1  }
0xa7: {  	s23 =	simm.s32 $0x1B8B  }
0xa8: {  	_ =	swait.ge [sflag:s23], $0x1  }
0xa9: {  	[sflag:s23] =	ssyncset.done $0x0  }
0xaa: {  	s25 =	simm.s32 $0x1B8E;
	s24 =	sld [smem:$0x3FFE];
	[sflag:s23] =	ssyncadd.s32 $0xFFFFFFFF  }
0xab: {  	s26 =	simm.s32 $execute0_lowered;
	[smem:$0x3FD2] =	sst s25  }
0xac: {  	s5 =	sshll.u32 s26, $0x1;
	_ =	strace $0x80000046;
	[dreg:$0x1] =	wrdreg $0xFFFFFFFF  }
0xad: {  	s28 =	simm.s32 $_size_execute0_lowered;
	s3 =	sadd.s32 s3, s5;
	[dreg:$0x0] =	wrdreg $0x0  }
0xae: {  	s5 =	sshll.u32 s28, $0x1;
	[dreg:$0x2] =	wrdreg s3  }
0xaf: {  	[dreg:$0x3] =	wrdreg s5  }
0xb0: {  	[dreg:$0x4] =	wrdreg $0xC0  }
0xb1: {  	_ =	task [dreg:s7], $0x5FFFF  }
0xb2: {  	[dreg:$0x1] =	wrdreg $0xFFFFFFFF  }
0xb3: {  	[dreg:$0x0] =	wrdreg $0x60  }
0xb4: {  	[dreg:$0x2] =	wrdreg s24  }
0xb5: {  	[dreg:$0x3] =	wrdreg s16  }
0xb6: {  	[dreg:$0x4] =	wrdreg $0x9  }
0xb7: {  	_ =	task.clear_ibuf [dreg:s7], $0x5FFFF;
	_ =	strace $0x90000046  }
0xb8: {  	s29 =	simm.s32 $0x9;
	_ =	strace $0x80000048  }
0xb9: {  	_ =	swait.ge [sflag:s29], $0x1  }
0xba: {  	[sflag:s29] =	ssyncadd.s32 $0xFFFFFFFF  }
0xbb: {  	_ =	strace $0x90000048  }
0xbc: {  	_ =	sfence  }
0xbd: {  	s30 =	sld [smem:$0x0];
	_ =	sdelay $0x2  }
0xbe: {  	s31 =	sshll.u32 s1, $0xD;
	s1 =	sshrl.u32 s1, $0x2  }
0xbf: {  	s3 =	sand.u32 $0x4000, s31;
	s1 =	sadd.s32 s1, s30  }
0xc0: {  	s0 =	sor.u32 s3, s0;
	s1 =	sshll.u32 s1, $0x11  }
0xc1: {  	s0 =	sor.u32 s1, s0  }
0xc2: {  	s0 =	sadd.s32 $0x8F2B, s0  }
0xc3: {  	[sflag:s0] =	ssyncadd.remote.s32 $0x1  }
0xc4: {  	_ =	sfence.sel $0xFFFF  }
0xc5: {  	[dreg:$0x0] =	wrdreg $0xFFFFFFFF;
	(pc) =	sbr.abs _section_cstart, $3  }
0xc6: {  	[dreg:$0x1] =	wrdreg $0xFFFFFFFF  }
0xc7: {  	_ =	task.clear_ibuf [dreg:s7], $0x2FFFF;
	_ =	strace $0x9FFFFFFF  }
0xc8: {  	(tm) =	ssettm $0x7FFFFFFF  }
0xc9: {  	_ =	shalt  }
tec
execute0_lowered:
.L_overlay_start_1:
0x0: {  	(tag) =	ssettag $0x1  }
0x1: {  	s0 =	srdreg.scid  }
0x2: {  	s4 =	rddreg [dreg:$0x0];
	s3 =	sand.u32 $0x1, s0  }
0x3: {  	s5 =	rddreg [dreg:$0x1];
	s0 =	stileid.u32;
	s1 =	sshll.u32 s3, $0x4  }
0x4: {  	s2 =	simm.s32 $0x0;
	s9 =	simm.s32 $0x400;
	s6 =	sor.u32 s0, s1  }
0x5: {  	s10 =	simm.s32 $0x0;
	[smem:$0x7FF] =	sst s2;
	s7 =	sshrl.u32 s6, $0x3  }
0x6: {  	s8 =	sshll.u32 s0, $0x7;
	s3 =	ssub.s32 $0x2, s3;
	s7 =	smul.u32 $0x13C00, s7  }
0x7: {  	s1 =	rddreg [dreg:$0x2];
	s8 =	sand.u32 $0x380, s8;
	s6 =	smul.u32 $0x271, s6  }
0x8: {  	_ =	strace $0x80000047;
	s31 =	sshrl.u32 s3, $0x1;
	s7 =	sor.u32 s8, s7  }
0x9: {  	s4 =	sadd.s32 s6, s4;
	s6 =	ssub.s32 s3, s31;
	s7 =	sshrl.u32 s7, $0x3  }
0xa: {  	s3 =	sadd.s32 $0x6A00, s4;
	s8 =	simm.s32 $0x80;
	s4 =	sadd.s32 s5, s7  }
0xb: {  	v0 =	vimm.f32 $0.0e+00;
	v1 =	vimm.f32 $1.000000000e+00;
	s5 =	smax.u32 s6, $0x1;
	s6 =	simm.s32 $0x2780;
	s7 =	simm.s32 $0x1  }
.LBB2_1:
0xc: {  	s11 =	simm.s32 $0x40;
	s12 =	simm.s32 $0x0  }
.LBB2_2:
0xd: {  	p0 =	sne.s32 s11, $0x9C00;
	[tilespmem:s12+$0x0] =	vst v0;
	s12 =	smov.u32 s11;
	s11 =	sadd.s32 $0x40, s11  }
.Ltmp0:
0xe: {  	(pc) =	sbr.rel @p0 .LBB2_2-.Ltmp0, $2  }
0xf: {  	_ =	sdelay $0x2  }
0x10: {  	s12 =	sshra.s32 s12, $0x2  }
0x11: {  	[tilespmem:s12+$0x0] =	vst v0;
	s11 =	simm.s32 $0x0  }
0x12: {  	[tilespmem:s6], [sflag:$0x1] =	stream.linear.gather [hbm4b:s3+s11], $0x1388, $0x38;
	[tilespmem:$0x3B80] =	vst v63  }
0x13: {  	_ =	swait.ge [sflag:s7], $0x1388  }
0x14: {  	[sflag:s7] =	ssyncset.done $0x0  }
0x15: {  	s12 =	simm.s32 $0x0;
	s11 =	simm.s32 $0x40;
	[sflag:s7] =	ssyncadd.s32 $0xFFFFEC78  }
.LBB2_4:
0x16: {  	p0 =	sne.s32 s11, $0x4DC0;
	v2 =	vld [tilespmem:s12+$0x2780];
	_ =	sdelay $0x3  }
.Ltmp1:
0x17: {  	(pc) =	sbr.rel @p0 .LBB2_4-.Ltmp1, $2  }
0x18: {  	_ =	sdelay $0x2  }
0x19: {  	s12 =	sshra.s32 s11, $0x2;
	s11 =	sadd.s32 $0x40, s11;
	[tilespmem:v2+s2+$0x0] =	vst.idx.add.f32.msk $0xffff, v1  }
0x1a: {  	v2 =	vld [tilespmem:s12+$0x2780];
	_ =	sdelay $0x7  }
0x1b: {  	[tilespmem:v2+s2+$0x0] =	vst.idx.add.f32.msk $0xffff, v1  }
0x1c: {  	v2 =	vld [tilespmem:$0x3B00];
	_ =	sdelay $0x5  }
0x1d: {  	s10 =	sadd.s32 $0x1, s10  }
0x1e: {  	p0 =	sne.s32 s10, s5  }
.Ltmp2:
0x1f: {  	[tilespmem:v2+s2+$0x0] =	vst.idx.add.f32.msk $0xff, v1;
	(pc) =	sbr.rel @p0 .LBB2_1-.Ltmp2, $4  }
0x20: {  	[hbm4b:s4+s8] =	stream.strided.scatter [tilespmem:s2], [sflag:$0x1], $0x2780, s9, s8, $0x38;
	[tilespmem:$0x3B80] =	vst v63  }
0x21: {  	_ =	swait.ge [sflag:s7], $0x2780  }
0x22: {  	[sflag:s7] =	ssyncset.done $0x0  }
0x23: {  	[sflag:s7] =	ssyncadd.s32 $0xFFFFD880  }
0x24: {  	_ =	sfence.sel $0x180000  }
0x25: {  	[bflag:$0x0] =	sbarrier.arrive $0xFFFF  }
0x26: {  	p0 =	sne.s32 s0, $0x0;
	_ =	strace $0x90000047  }
0x27: {  	s0 =	sadd.s32 @!p0 $0x100000, s1;
	[bflag:$0x2] =	sbarrier.arrive $0xFFFF  }
0x28: {  	[sflag:s0] =	ssyncadd.tile.s32 @!p0 $0x1;
	_ =	shalt  }
.Lfunc_end2:
_tile_overlayer_lowered:
.L_overlay_start_2:
0x29: {  	(tag) =	ssettag $0x2  }
0x2a: {  	s0 =	rddreg [dreg:$0x0];
	s2 =	stileid.u32  }
0x2b: {  	s1 =	rddreg [dreg:$0x1];
	p0 =	sne.s32 s2, $0x0  }
0x2c: {  	s3 =	rddreg [dreg:$0x2];
	[bflag:$0x3] =	sbarrier.arrive $0xFFFF;
	s2 =	simm.s32 @!p0 $0x1C01  }
0x2d: {  	[timem:s3], [sflag:s2] =	dma.local @!p0 [hbm:s0], s1  }
0x2e: {  	s0 =	simm.s32 @!p0 $0x1  }
0x2f: {  	_ =	swait.ge @!p0 [sflag:s0], s1  }
0x30: {  	s1 =	ssub.s32 @!p0 $0x0, s1;
	[sflag:s0] =	ssyncset.done @!p0 $0x0  }
0x31: {  	[sflag:s0] =	ssyncadd.s32 @!p0 s1  }
0x32: {  	[bflag:$0x3] =	sbarrier.arrive $0xFFFF  }
0x33: {  	_ =	shalt  }

</sc_bundles>
